<compile_context>
chip_gen: v7x
topology: tpu7x:2x2x1
jax: 0.10.2.dev20260603
libtpu: 0.0.44.dev20260713+nightly
codegen_flags: <defaults>
</compile_context>

<pallas_src>
import functools

import jax
import jax.numpy as jnp
from jax import lax
from jax.experimental import pallas as pl
from jax.experimental.pallas import tpu as pltpu
from jax.experimental.pallas import tpu_sc as plsc

NUM_SEGMENTS = 16
MIN_PIXELS = 50

NC = 2
NS = 16
L = 16
NW = NC * NS

STATS = 4
LANE_TBL = NUM_SEGMENTS * STATS
TBL = L * LANE_TBL

N_PIX = 8 * 512 * 512
N_TILE = N_PIX // NW
BLK = 8192
N_BLK = N_TILE // BLK
VECS = BLK // L
UNROLL = 4


def _make_sc_kernel():
    mesh = plsc.VectorSubcoreMesh(
        core_axis_name="c", subcore_axis_name="s", num_cores=NC, num_subcores=NS
    )

    @functools.partial(
        pl.kernel,
        out_type=jax.ShapeDtypeStruct((NW, LANE_TBL), jnp.float32),
        mesh=mesh,
        compiler_params=pltpu.CompilerParams(needs_layout_passes=False),
        scratch_types=[
            pltpu.VMEM((BLK,), jnp.float32),
            pltpu.VMEM((BLK,), jnp.float32),
            pltpu.VMEM((BLK,), jnp.int32),
            pltpu.VMEM((TBL,), jnp.float32),
            pltpu.VMEM((LANE_TBL,), jnp.float32),
        ],
    )
    def seg_stats(u_hbm, v_hbm, m_hbm, out_hbm, u_v, v_v, m_v, acc, fold):
        wid = lax.axis_index("s") * NC + lax.axis_index("c")
        base = wid * N_TILE

        zeros = jnp.zeros((L,), jnp.float32)
        for i in range(TBL // L):
            acc[pl.ds(i * L, L)] = zeros

        lane_base = lax.iota(jnp.int32, L) * LANE_TBL
        ones = jnp.ones((L,), jnp.float32)

        def body(i, carry):
            for k in range(UNROLL):
                off = (i * UNROLL + k) * L
                m = m_v[pl.ds(off, L)]
                u = u_v[pl.ds(off, L)]
                v = v_v[pl.ds(off, L)]
                idx0 = lane_base + m * STATS
                sq = u * u + v * v
                plsc.addupdate_scatter(acc, [idx0], ones)
                plsc.addupdate_scatter(acc, [idx0 + 1], u)
                plsc.addupdate_scatter(acc, [idx0 + 2], v)
                plsc.addupdate_scatter(acc, [idx0 + 3], sq)
            return carry

        for blk in range(N_BLK):
            start = base + blk * BLK
            pltpu.sync_copy(u_hbm.at[pl.ds(start, BLK)], u_v)
            pltpu.sync_copy(v_hbm.at[pl.ds(start, BLK)], v_v)
            pltpu.sync_copy(m_hbm.at[pl.ds(start, BLK)], m_v)
            lax.fori_loop(0, VECS // UNROLL, body, 0, unroll=False)

        for c in range(LANE_TBL // L):
            tot = acc[pl.ds(c * L, L)]
            for lane in range(1, L):
                tot = tot + acc[pl.ds(lane * LANE_TBL + c * L, L)]
            fold[pl.ds(c * L, L)] = tot

        pltpu.sync_copy(fold, out_hbm.at[wid])

    return seg_stats


_seg_stats = _make_sc_kernel()


def kernel(flow, masks):
    u = flow[:, 0].reshape(-1)
    v = flow[:, 1].reshape(-1)
    m = masks.reshape(-1).astype(jnp.int32)

    part = _seg_stats(u, v, m)

    stats = part.reshape(8, NW // 8, NUM_SEGMENTS, STATS).sum(axis=1)
    stats = stats.reshape(8 * NUM_SEGMENTS, STATS)
    cnt = stats[:, 0]
    su = stats[:, 1]
    sv = stats[:, 2]
    ssq = stats[:, 3]
    safe_cnt = jnp.maximum(cnt, 1.0)
    denom = jnp.maximum(cnt - 1.0, 1.0)
    var_sum = (ssq - (su * su + sv * sv) / safe_cnt) / denom
    seg_local = jnp.arange(8 * NUM_SEGMENTS, dtype=jnp.int32) % NUM_SEGMENTS
    valid = (seg_local != 0) & (cnt >= MIN_PIXELS)
    num_valid = jnp.sum(valid)
    total_loss = jnp.sum(jnp.where(valid, var_sum, 0.0))
    return jnp.where(
        num_valid > 0,
        total_loss / jnp.maximum(num_valid, 1).astype(flow.dtype),
        jnp.array(0.0, dtype=flow.dtype),
    )

# --- scband reference (transcript-rebuilt; emitter-appended) ---
"""Pipeline reference for scband-object-variance-loss-8529805050142 (READ-ONLY COPY).

The authoritative reference and input builder live on the scoring server;
editing this copy changes nothing except your own understanding.
"""

import jax, jax.numpy as jnp
import numpy as np

NUM_SEG = 16
MIN_PIX = 50

def setup_inputs(seed: int = 0) -> dict:
    key = jax.random.key(seed)
    k1, k2 = jax.random.split(key)
    flow = jax.random.normal(k1, (8, 2, 512, 512), dtype=jnp.float32)
    masks = jax.random.randint(k2, (8, 512, 512), 0, NUM_SEG, dtype=jnp.int32)
    return {"flow": flow, "masks": masks}

def reference(flow, masks):
    B = flow.shape[0]
    HW = flow.shape[2] * flow.shape[3]
    total = B * NUM_SEG
    seg_flat = masks.reshape(B, -1).astype(jnp.int32)
    gseg = (seg_flat + (jnp.arange(B, dtype=jnp.int32)[:, None] * NUM_SEG)).reshape(-1)
    u = flow[:, 0].reshape(-1)
    v = flow[:, 1].reshape(-1)
    ones = jnp.ones_like(u)
    cnt = jax.ops.segment_sum(ones, gseg, num_segments=total)
    su = jax.ops.segment_sum(u, gseg, num_segments=total)
    sv = jax.ops.segment_sum(v, gseg, num_segments=total)
    suu = jax.ops.segment_sum(u * u, gseg, num_segments=total)
    svv = jax.ops.segment_sum(v * v, gseg, num_segments=total)
    safe_cnt = jnp.maximum(cnt, 1.0)
    denom = jnp.maximum(cnt - 1.0, 1.0)  # torch .var() is unbiased (ddof=1)
    var_u = (suu - su * su / safe_cnt) / denom
    var_v = (svv - sv * sv / safe_cnt) / denom
    seg_local = jnp.arange(total, dtype=jnp.int32) % NUM_SEG
    valid = (seg_local != 0) & (cnt >= MIN_PIX)
    num_valid = jnp.sum(valid)
    total_loss = jnp.sum(jnp.where(valid, var_u + var_v, 0.0))
    return jnp.where(num_valid > 0, total_loss / jnp.maximum(num_valid, 1).astype(flow.dtype), jnp.array(0.0, dtype=flow.dtype))

if __name__ == "__main__":
    import jax
    _d = setup_inputs()
    print(jax.jit(kernel)(*tuple(_d.values())))

</pallas_src>

<mosaic_0001>
#map = affine_map<(d0, d1) -> (0)>
#map1 = affine_map<(d0, d1) -> (0, 0)>
module attributes {stable_mosaic.version = 14 : i64} {
  func.func @seg_stats(%arg0: i32, %arg1: i32, %arg2: memref<2097152xf32, #tpu.memory_space<hbm>>, %arg3: memref<2097152xf32, #tpu.memory_space<hbm>>, %arg4: memref<2097152xi32, #tpu.memory_space<hbm>>, %arg5: memref<32x64xf32, #tpu.memory_space<hbm>>, %arg6: memref<8192xf32, #tpu.memory_space<vmem>>, %arg7: memref<8192xf32, #tpu.memory_space<vmem>>, %arg8: memref<8192xi32, #tpu.memory_space<vmem>>, %arg9: memref<1024xf32, #tpu.memory_space<vmem>>, %arg10: memref<64xf32, #tpu.memory_space<vmem>>) attributes {dimension_semantics = [#tpu.dimension_semantics<core_parallel>, #tpu.dimension_semantics<subcore_parallel>], iteration_bounds = array<i64: 2, 16>, scalar_prefetch = 0 : i64, scratch_operands = 5 : i64, tpu.core_type = #tpu.core_type<sc_vector_subcore>, window_params = [{transform_indices = #map}, {transform_indices = #map}, {transform_indices = #map}, {transform_indices = #map1}]} {
    %mul3A = arith.constant 2 : i32
    %mul3A_0 = arith.muli %arg1, %mul3A : i32
    %add3A = arith.addi %mul3A_0, %arg0 : i32
    %mul3A_1 = arith.constant 65536 : i32
    %mul3A_2 = arith.muli %add3A, %mul3A_1 : i32
    %broadcast_in_dim3A = arith.constant 0.000000e+00 : f32
    %broadcast_in_dim3A_3 = vector.broadcast %broadcast_in_dim3A : f32 to vector<16xf32>
    %swap3A = arith.constant 0 : index
    %swap3A_4 = tpu.vector_load %arg9[%swap3A] {strides = array<i32>} : memref<1024xf32, #tpu.memory_space<vmem>>, vector<16xf32>,
    tpu.vector_store %arg9[%swap3A], %broadcast_in_dim3A_3 {strides = array<i32>} : memref<1024xf32, #tpu.memory_space<vmem>>, vector<16xf32>,
    %swap3A_5 = arith.constant 16 : index
    %swap3A_6 = tpu.vector_load %arg9[%swap3A_5] {strides = array<i32>} : memref<1024xf32, #tpu.memory_space<vmem>>, vector<16xf32>,
    tpu.vector_store %arg9[%swap3A_5], %broadcast_in_dim3A_3 {strides = array<i32>} : memref<1024xf32, #tpu.memory_space<vmem>>, vector<16xf32>,
    %swap3A_7 = arith.constant 32 : index
    %swap3A_8 = tpu.vector_load %arg9[%swap3A_7] {strides = array<i32>} : memref<1024xf32, #tpu.memory_space<vmem>>, vector<16xf32>,
    tpu.vector_store %arg9[%swap3A_7], %broadcast_in_dim3A_3 {strides = array<i32>} : memref<1024xf32, #tpu.memory_space<vmem>>, vector<16xf32>,
    %swap3A_9 = arith.constant 48 : index
    %swap3A_10 = tpu.vector_load %arg9[%swap3A_9] {strides = array<i32>} : memref<1024xf32, #tpu.memory_space<vmem>>, vector<16xf32>,
    tpu.vector_store %arg9[%swap3A_9], %broadcast_in_dim3A_3 {strides = array<i32>} : memref<1024xf32, #tpu.memory_space<vmem>>, vector<16xf32>,
    %swap3A_11 = arith.constant 64 : index
    %swap3A_12 = tpu.vector_load %arg9[%swap3A_11] {strides = array<i32>} : memref<1024xf32, #tpu.memory_space<vmem>>, vector<16xf32>,
    tpu.vector_store %arg9[%swap3A_11], %broadcast_in_dim3A_3 {strides = array<i32>} : memref<1024xf32, #tpu.memory_space<vmem>>, vector<16xf32>,
    %swap3A_13 = arith.constant 80 : index
    %swap3A_14 = tpu.vector_load %arg9[%swap3A_13] {strides = array<i32>} : memref<1024xf32, #tpu.memory_space<vmem>>, vector<16xf32>,
    tpu.vector_store %arg9[%swap3A_13], %broadcast_in_dim3A_3 {strides = array<i32>} : memref<1024xf32, #tpu.memory_space<vmem>>, vector<16xf32>,
    %swap3A_15 = arith.constant 96 : index
    %swap3A_16 = tpu.vector_load %arg9[%swap3A_15] {strides = array<i32>} : memref<1024xf32, #tpu.memory_space<vmem>>, vector<16xf32>,
    tpu.vector_store %arg9[%swap3A_15], %broadcast_in_dim3A_3 {strides = array<i32>} : memref<1024xf32, #tpu.memory_space<vmem>>, vector<16xf32>,
    %swap3A_17 = arith.constant 112 : index
    %swap3A_18 = tpu.vector_load %arg9[%swap3A_17] {strides = array<i32>} : memref<1024xf32, #tpu.memory_space<vmem>>, vector<16xf32>,
    tpu.vector_store %arg9[%swap3A_17], %broadcast_in_dim3A_3 {strides = array<i32>} : memref<1024xf32, #tpu.memory_space<vmem>>, vector<16xf32>,
    %swap3A_19 = arith.constant 128 : index
    %swap3A_20 = tpu.vector_load %arg9[%swap3A_19] {strides = array<i32>} : memref<1024xf32, #tpu.memory_space<vmem>>, vector<16xf32>,
    tpu.vector_store %arg9[%swap3A_19], %broadcast_in_dim3A_3 {strides = array<i32>} : memref<1024xf32, #tpu.memory_space<vmem>>, vector<16xf32>,
    %swap3A_21 = arith.constant 144 : index
    %swap3A_22 = tpu.vector_load %arg9[%swap3A_21] {strides = array<i32>} : memref<1024xf32, #tpu.memory_space<vmem>>, vector<16xf32>,
    tpu.vector_store %arg9[%swap3A_21], %broadcast_in_dim3A_3 {strides = array<i32>} : memref<1024xf32, #tpu.memory_space<vmem>>, vector<16xf32>,
    %swap3A_23 = arith.constant 160 : index
    %swap3A_24 = tpu.vector_load %arg9[%swap3A_23] {strides = array<i32>} : memref<1024xf32, #tpu.memory_space<vmem>>, vector<16xf32>,
    tpu.vector_store %arg9[%swap3A_23], %broadcast_in_dim3A_3 {strides = array<i32>} : memref<1024xf32, #tpu.memory_space<vmem>>, vector<16xf32>,
    %swap3A_25 = arith.constant 176 : index
    %swap3A_26 = tpu.vector_load %arg9[%swap3A_25] {strides = array<i32>} : memref<1024xf32, #tpu.memory_space<vmem>>, vector<16xf32>,
    tpu.vector_store %arg9[%swap3A_25], %broadcast_in_dim3A_3 {strides = array<i32>} : memref<1024xf32, #tpu.memory_space<vmem>>, vector<16xf32>,
    %swap3A_27 = arith.constant 192 : index
    %swap3A_28 = tpu.vector_load %arg9[%swap3A_27] {strides = array<i32>} : memref<1024xf32, #tpu.memory_space<vmem>>, vector<16xf32>,
    tpu.vector_store %arg9[%swap3A_27], %broadcast_in_dim3A_3 {strides = array<i32>} : memref<1024xf32, #tpu.memory_space<vmem>>, vector<16xf32>,
    %swap3A_29 = arith.constant 208 : index
    %swap3A_30 = tpu.vector_load %arg9[%swap3A_29] {strides = array<i32>} : memref<1024xf32, #tpu.memory_space<vmem>>, vector<16xf32>,
    tpu.vector_store %arg9[%swap3A_29], %broadcast_in_dim3A_3 {strides = array<i32>} : memref<1024xf32, #tpu.memory_space<vmem>>, vector<16xf32>,
    %swap3A_31 = arith.constant 224 : index
    %swap3A_32 = tpu.vector_load %arg9[%swap3A_31] {strides = array<i32>} : memref<1024xf32, #tpu.memory_space<vmem>>, vector<16xf32>,
    tpu.vector_store %arg9[%swap3A_31], %broadcast_in_dim3A_3 {strides = array<i32>} : memref<1024xf32, #tpu.memory_space<vmem>>, vector<16xf32>,
    %swap3A_33 = arith.constant 240 : index
    %swap3A_34 = tpu.vector_load %arg9[%swap3A_33] {strides = array<i32>} : memref<1024xf32, #tpu.memory_space<vmem>>, vector<16xf32>,
    tpu.vector_store %arg9[%swap3A_33], %broadcast_in_dim3A_3 {strides = array<i32>} : memref<1024xf32, #tpu.memory_space<vmem>>, vector<16xf32>,
    %swap3A_35 = arith.constant 256 : index
    %swap3A_36 = tpu.vector_load %arg9[%swap3A_35] {strides = array<i32>} : memref<1024xf32, #tpu.memory_space<vmem>>, vector<16xf32>,
    tpu.vector_store %arg9[%swap3A_35], %broadcast_in_dim3A_3 {strides = array<i32>} : memref<1024xf32, #tpu.memory_space<vmem>>, vector<16xf32>,
    %swap3A_37 = arith.constant 272 : index
    %swap3A_38 = tpu.vector_load %arg9[%swap3A_37] {strides = array<i32>} : memref<1024xf32, #tpu.memory_space<vmem>>, vector<16xf32>,
    tpu.vector_store %arg9[%swap3A_37], %broadcast_in_dim3A_3 {strides = array<i32>} : memref<1024xf32, #tpu.memory_space<vmem>>, vector<16xf32>,
    %swap3A_39 = arith.constant 288 : index
    %swap3A_40 = tpu.vector_load %arg9[%swap3A_39] {strides = array<i32>} : memref<1024xf32, #tpu.memory_space<vmem>>, vector<16xf32>,
    tpu.vector_store %arg9[%swap3A_39], %broadcast_in_dim3A_3 {strides = array<i32>} : memref<1024xf32, #tpu.memory_space<vmem>>, vector<16xf32>,
    %swap3A_41 = arith.constant 304 : index
    %swap3A_42 = tpu.vector_load %arg9[%swap3A_41] {strides = array<i32>} : memref<1024xf32, #tpu.memory_space<vmem>>, vector<16xf32>,
    tpu.vector_store %arg9[%swap3A_41], %broadcast_in_dim3A_3 {strides = array<i32>} : memref<1024xf32, #tpu.memory_space<vmem>>, vector<16xf32>,
    %swap3A_43 = arith.constant 320 : index
    %swap3A_44 = tpu.vector_load %arg9[%swap3A_43] {strides = array<i32>} : memref<1024xf32, #tpu.memory_space<vmem>>, vector<16xf32>,
    tpu.vector_store %arg9[%swap3A_43], %broadcast_in_dim3A_3 {strides = array<i32>} : memref<1024xf32, #tpu.memory_space<vmem>>, vector<16xf32>,
    %swap3A_45 = arith.constant 336 : index
    %swap3A_46 = tpu.vector_load %arg9[%swap3A_45] {strides = array<i32>} : memref<1024xf32, #tpu.memory_space<vmem>>, vector<16xf32>,
    tpu.vector_store %arg9[%swap3A_45], %broadcast_in_dim3A_3 {strides = array<i32>} : memref<1024xf32, #tpu.memory_space<vmem>>, vector<16xf32>,
    %swap3A_47 = arith.constant 352 : index
    %swap3A_48 = tpu.vector_load %arg9[%swap3A_47] {strides = array<i32>} : memref<1024xf32, #tpu.memory_space<vmem>>, vector<16xf32>,
    tpu.vector_store %arg9[%swap3A_47], %broadcast_in_dim3A_3 {strides = array<i32>} : memref<1024xf32, #tpu.memory_space<vmem>>, vector<16xf32>,
    %swap3A_49 = arith.constant 368 : index
    %swap3A_50 = tpu.vector_load %arg9[%swap3A_49] {strides = array<i32>} : memref<1024xf32, #tpu.memory_space<vmem>>, vector<16xf32>,
    tpu.vector_store %arg9[%swap3A_49], %broadcast_in_dim3A_3 {strides = array<i32>} : memref<1024xf32, #tpu.memory_space<vmem>>, vector<16xf32>,
    %swap3A_51 = arith.constant 384 : index
    %swap3A_52 = tpu.vector_load %arg9[%swap3A_51] {strides = array<i32>} : memref<1024xf32, #tpu.memory_space<vmem>>, vector<16xf32>,
    tpu.vector_store %arg9[%swap3A_51], %broadcast_in_dim3A_3 {strides = array<i32>} : memref<1024xf32, #tpu.memory_space<vmem>>, vector<16xf32>,
    %swap3A_53 = arith.constant 400 : index
    %swap3A_54 = tpu.vector_load %arg9[%swap3A_53] {strides = array<i32>} : memref<1024xf32, #tpu.memory_space<vmem>>, vector<16xf32>,
    tpu.vector_store %arg9[%swap3A_53], %broadcast_in_dim3A_3 {strides = array<i32>} : memref<1024xf32, #tpu.memory_space<vmem>>, vector<16xf32>,
    %swap3A_55 = arith.constant 416 : index
    %swap3A_56 = tpu.vector_load %arg9[%swap3A_55] {strides = array<i32>} : memref<1024xf32, #tpu.memory_space<vmem>>, vector<16xf32>,
    tpu.vector_store %arg9[%swap3A_55], %broadcast_in_dim3A_3 {strides = array<i32>} : memref<1024xf32, #tpu.memory_space<vmem>>, vector<16xf32>,
    %swap3A_57 = arith.constant 432 : index
    %swap3A_58 = tpu.vector_load %arg9[%swap3A_57] {strides = array<i32>} : memref<1024xf32, #tpu.memory_space<vmem>>, vector<16xf32>,
    tpu.vector_store %arg9[%swap3A_57], %broadcast_in_dim3A_3 {strides = array<i32>} : memref<1024xf32, #tpu.memory_space<vmem>>, vector<16xf32>,
    %swap3A_59 = arith.constant 448 : index
    %swap3A_60 = tpu.vector_load %arg9[%swap3A_59] {strides = array<i32>} : memref<1024xf32, #tpu.memory_space<vmem>>, vector<16xf32>,
    tpu.vector_store %arg9[%swap3A_59], %broadcast_in_dim3A_3 {strides = array<i32>} : memref<1024xf32, #tpu.memory_space<vmem>>, vector<16xf32>,
    %swap3A_61 = arith.constant 464 : index
    %swap3A_62 = tpu.vector_load %arg9[%swap3A_61] {strides = array<i32>} : memref<1024xf32, #tpu.memory_space<vmem>>, vector<16xf32>,
    tpu.vector_store %arg9[%swap3A_61], %broadcast_in_dim3A_3 {strides = array<i32>} : memref<1024xf32, #tpu.memory_space<vmem>>, vector<16xf32>,
    %swap3A_63 = arith.constant 480 : index
    %swap3A_64 = tpu.vector_load %arg9[%swap3A_63] {strides = array<i32>} : memref<1024xf32, #tpu.memory_space<vmem>>, vector<16xf32>,
    tpu.vector_store %arg9[%swap3A_63], %broadcast_in_dim3A_3 {strides = array<i32>} : memref<1024xf32, #tpu.memory_space<vmem>>, vector<16xf32>,
    %swap3A_65 = arith.constant 496 : index
    %swap3A_66 = tpu.vector_load %arg9[%swap3A_65] {strides = array<i32>} : memref<1024xf32, #tpu.memory_space<vmem>>, vector<16xf32>,
    tpu.vector_store %arg9[%swap3A_65], %broadcast_in_dim3A_3 {strides = array<i32>} : memref<1024xf32, #tpu.memory_space<vmem>>, vector<16xf32>,
    %swap3A_67 = arith.constant 512 : index
    %swap3A_68 = tpu.vector_load %arg9[%swap3A_67] {strides = array<i32>} : memref<1024xf32, #tpu.memory_space<vmem>>, vector<16xf32>,
    tpu.vector_store %arg9[%swap3A_67], %broadcast_in_dim3A_3 {strides = array<i32>} : memref<1024xf32, #tpu.memory_space<vmem>>, vector<16xf32>,
    %swap3A_69 = arith.constant 528 : index
    %swap3A_70 = tpu.vector_load %arg9[%swap3A_69] {strides = array<i32>} : memref<1024xf32, #tpu.memory_space<vmem>>, vector<16xf32>,
    tpu.vector_store %arg9[%swap3A_69], %broadcast_in_dim3A_3 {strides = array<i32>} : memref<1024xf32, #tpu.memory_space<vmem>>, vector<16xf32>,
    %swap3A_71 = arith.constant 544 : index
    %swap3A_72 = tpu.vector_load %arg9[%swap3A_71] {strides = array<i32>} : memref<1024xf32, #tpu.memory_space<vmem>>, vector<16xf32>,
    tpu.vector_store %arg9[%swap3A_71], %broadcast_in_dim3A_3 {strides = array<i32>} : memref<1024xf32, #tpu.memory_space<vmem>>, vector<16xf32>,
    %swap3A_73 = arith.constant 560 : index
    %swap3A_74 = tpu.vector_load %arg9[%swap3A_73] {strides = array<i32>} : memref<1024xf32, #tpu.memory_space<vmem>>, vector<16xf32>,
    tpu.vector_store %arg9[%swap3A_73], %broadcast_in_dim3A_3 {strides = array<i32>} : memref<1024xf32, #tpu.memory_space<vmem>>, vector<16xf32>,
    %swap3A_75 = arith.constant 576 : index
    %swap3A_76 = tpu.vector_load %arg9[%swap3A_75] {strides = array<i32>} : memref<1024xf32, #tpu.memory_space<vmem>>, vector<16xf32>,
    tpu.vector_store %arg9[%swap3A_75], %broadcast_in_dim3A_3 {strides = array<i32>} : memref<1024xf32, #tpu.memory_space<vmem>>, vector<16xf32>,
    %swap3A_77 = arith.constant 592 : index
    %swap3A_78 = tpu.vector_load %arg9[%swap3A_77] {strides = array<i32>} : memref<1024xf32, #tpu.memory_space<vmem>>, vector<16xf32>,
    tpu.vector_store %arg9[%swap3A_77], %broadcast_in_dim3A_3 {strides = array<i32>} : memref<1024xf32, #tpu.memory_space<vmem>>, vector<16xf32>,
    %swap3A_79 = arith.constant 608 : index
    %swap3A_80 = tpu.vector_load %arg9[%swap3A_79] {strides = array<i32>} : memref<1024xf32, #tpu.memory_space<vmem>>, vector<16xf32>,
    tpu.vector_store %arg9[%swap3A_79], %broadcast_in_dim3A_3 {strides = array<i32>} : memref<1024xf32, #tpu.memory_space<vmem>>, vector<16xf32>,
    %swap3A_81 = arith.constant 624 : index
    %swap3A_82 = tpu.vector_load %arg9[%swap3A_81] {strides = array<i32>} : memref<1024xf32, #tpu.memory_space<vmem>>, vector<16xf32>,
    tpu.vector_store %arg9[%swap3A_81], %broadcast_in_dim3A_3 {strides = array<i32>} : memref<1024xf32, #tpu.memory_space<vmem>>, vector<16xf32>,
    %swap3A_83 = arith.constant 640 : index
    %swap3A_84 = tpu.vector_load %arg9[%swap3A_83] {strides = array<i32>} : memref<1024xf32, #tpu.memory_space<vmem>>, vector<16xf32>,
    tpu.vector_store %arg9[%swap3A_83], %broadcast_in_dim3A_3 {strides = array<i32>} : memref<1024xf32, #tpu.memory_space<vmem>>, vector<16xf32>,
    %swap3A_85 = arith.constant 656 : index
    %swap3A_86 = tpu.vector_load %arg9[%swap3A_85] {strides = array<i32>} : memref<1024xf32, #tpu.memory_space<vmem>>, vector<16xf32>,
    tpu.vector_store %arg9[%swap3A_85], %broadcast_in_dim3A_3 {strides = array<i32>} : memref<1024xf32, #tpu.memory_space<vmem>>, vector<16xf32>,
    %swap3A_87 = arith.constant 672 : index
    %swap3A_88 = tpu.vector_load %arg9[%swap3A_87] {strides = array<i32>} : memref<1024xf32, #tpu.memory_space<vmem>>, vector<16xf32>,
    tpu.vector_store %arg9[%swap3A_87], %broadcast_in_dim3A_3 {strides = array<i32>} : memref<1024xf32, #tpu.memory_space<vmem>>, vector<16xf32>,
    %swap3A_89 = arith.constant 688 : index
    %swap3A_90 = tpu.vector_load %arg9[%swap3A_89] {strides = array<i32>} : memref<1024xf32, #tpu.memory_space<vmem>>, vector<16xf32>,
    tpu.vector_store %arg9[%swap3A_89], %broadcast_in_dim3A_3 {strides = array<i32>} : memref<1024xf32, #tpu.memory_space<vmem>>, vector<16xf32>,
    %swap3A_91 = arith.constant 704 : index
    %swap3A_92 = tpu.vector_load %arg9[%swap3A_91] {strides = array<i32>} : memref<1024xf32, #tpu.memory_space<vmem>>, vector<16xf32>,
    tpu.vector_store %arg9[%swap3A_91], %broadcast_in_dim3A_3 {strides = array<i32>} : memref<1024xf32, #tpu.memory_space<vmem>>, vector<16xf32>,
    %swap3A_93 = arith.constant 720 : index
    %swap3A_94 = tpu.vector_load %arg9[%swap3A_93] {strides = array<i32>} : memref<1024xf32, #tpu.memory_space<vmem>>, vector<16xf32>,
    tpu.vector_store %arg9[%swap3A_93], %broadcast_in_dim3A_3 {strides = array<i32>} : memref<1024xf32, #tpu.memory_space<vmem>>, vector<16xf32>,
    %swap3A_95 = arith.constant 736 : index
    %swap3A_96 = tpu.vector_load %arg9[%swap3A_95] {strides = array<i32>} : memref<1024xf32, #tpu.memory_space<vmem>>, vector<16xf32>,
    tpu.vector_store %arg9[%swap3A_95], %broadcast_in_dim3A_3 {strides = array<i32>} : memref<1024xf32, #tpu.memory_space<vmem>>, vector<16xf32>,
    %swap3A_97 = arith.constant 752 : index
    %swap3A_98 = tpu.vector_load %arg9[%swap3A_97] {strides = array<i32>} : memref<1024xf32, #tpu.memory_space<vmem>>, vector<16xf32>,
    tpu.vector_store %arg9[%swap3A_97], %broadcast_in_dim3A_3 {strides = array<i32>} : memref<1024xf32, #tpu.memory_space<vmem>>, vector<16xf32>,
    %swap3A_99 = arith.constant 768 : index
    %swap3A_100 = tpu.vector_load %arg9[%swap3A_99] {strides = array<i32>} : memref<1024xf32, #tpu.memory_space<vmem>>, vector<16xf32>,
    tpu.vector_store %arg9[%swap3A_99], %broadcast_in_dim3A_3 {strides = array<i32>} : memref<1024xf32, #tpu.memory_space<vmem>>, vector<16xf32>,
    %swap3A_101 = arith.constant 784 : index
    %swap3A_102 = tpu.vector_load %arg9[%swap3A_101] {strides = array<i32>} : memref<1024xf32, #tpu.memory_space<vmem>>, vector<16xf32>,
    tpu.vector_store %arg9[%swap3A_101], %broadcast_in_dim3A_3 {strides = array<i32>} : memref<1024xf32, #tpu.memory_space<vmem>>, vector<16xf32>,
    %swap3A_103 = arith.constant 800 : index
    %swap3A_104 = tpu.vector_load %arg9[%swap3A_103] {strides = array<i32>} : memref<1024xf32, #tpu.memory_space<vmem>>, vector<16xf32>,
    tpu.vector_store %arg9[%swap3A_103], %broadcast_in_dim3A_3 {strides = array<i32>} : memref<1024xf32, #tpu.memory_space<vmem>>, vector<16xf32>,
    %swap3A_105 = arith.constant 816 : index
    %swap3A_106 = tpu.vector_load %arg9[%swap3A_105] {strides = array<i32>} : memref<1024xf32, #tpu.memory_space<vmem>>, vector<16xf32>,
    tpu.vector_store %arg9[%swap3A_105], %broadcast_in_dim3A_3 {strides = array<i32>} : memref<1024xf32, #tpu.memory_space<vmem>>, vector<16xf32>,
    %swap3A_107 = arith.constant 832 : index
    %swap3A_108 = tpu.vector_load %arg9[%swap3A_107] {strides = array<i32>} : memref<1024xf32, #tpu.memory_space<vmem>>, vector<16xf32>,
    tpu.vector_store %arg9[%swap3A_107], %broadcast_in_dim3A_3 {strides = array<i32>} : memref<1024xf32, #tpu.memory_space<vmem>>, vector<16xf32>,
    %swap3A_109 = arith.constant 848 : index
    %swap3A_110 = tpu.vector_load %arg9[%swap3A_109] {strides = array<i32>} : memref<1024xf32, #tpu.memory_space<vmem>>, vector<16xf32>,
    tpu.vector_store %arg9[%swap3A_109], %broadcast_in_dim3A_3 {strides = array<i32>} : memref<1024xf32, #tpu.memory_space<vmem>>, vector<16xf32>,
    %swap3A_111 = arith.constant 864 : index
    %swap3A_112 = tpu.vector_load %arg9[%swap3A_111] {strides = array<i32>} : memref<1024xf32, #tpu.memory_space<vmem>>, vector<16xf32>,
    tpu.vector_store %arg9[%swap3A_111], %broadcast_in_dim3A_3 {strides = array<i32>} : memref<1024xf32, #tpu.memory_space<vmem>>, vector<16xf32>,
    %swap3A_113 = arith.constant 880 : index
    %swap3A_114 = tpu.vector_load %arg9[%swap3A_113] {strides = array<i32>} : memref<1024xf32, #tpu.memory_space<vmem>>, vector<16xf32>,
    tpu.vector_store %arg9[%swap3A_113], %broadcast_in_dim3A_3 {strides = array<i32>} : memref<1024xf32, #tpu.memory_space<vmem>>, vector<16xf32>,
    %swap3A_115 = arith.constant 896 : index
    %swap3A_116 = tpu.vector_load %arg9[%swap3A_115] {strides = array<i32>} : memref<1024xf32, #tpu.memory_space<vmem>>, vector<16xf32>,
    tpu.vector_store %arg9[%swap3A_115], %broadcast_in_dim3A_3 {strides = array<i32>} : memref<1024xf32, #tpu.memory_space<vmem>>, vector<16xf32>,
    %swap3A_117 = arith.constant 912 : index
    %swap3A_118 = tpu.vector_load %arg9[%swap3A_117] {strides = array<i32>} : memref<1024xf32, #tpu.memory_space<vmem>>, vector<16xf32>,
    tpu.vector_store %arg9[%swap3A_117], %broadcast_in_dim3A_3 {strides = array<i32>} : memref<1024xf32, #tpu.memory_space<vmem>>, vector<16xf32>,
    %swap3A_119 = arith.constant 928 : index
    %swap3A_120 = tpu.vector_load %arg9[%swap3A_119] {strides = array<i32>} : memref<1024xf32, #tpu.memory_space<vmem>>, vector<16xf32>,
    tpu.vector_store %arg9[%swap3A_119], %broadcast_in_dim3A_3 {strides = array<i32>} : memref<1024xf32, #tpu.memory_space<vmem>>, vector<16xf32>,
    %swap3A_121 = arith.constant 944 : index
    %swap3A_122 = tpu.vector_load %arg9[%swap3A_121] {strides = array<i32>} : memref<1024xf32, #tpu.memory_space<vmem>>, vector<16xf32>,
    tpu.vector_store %arg9[%swap3A_121], %broadcast_in_dim3A_3 {strides = array<i32>} : memref<1024xf32, #tpu.memory_space<vmem>>, vector<16xf32>,
    %swap3A_123 = arith.constant 960 : index
    %swap3A_124 = tpu.vector_load %arg9[%swap3A_123] {strides = array<i32>} : memref<1024xf32, #tpu.memory_space<vmem>>, vector<16xf32>,
    tpu.vector_store %arg9[%swap3A_123], %broadcast_in_dim3A_3 {strides = array<i32>} : memref<1024xf32, #tpu.memory_space<vmem>>, vector<16xf32>,
    %swap3A_125 = arith.constant 976 : index
    %swap3A_126 = tpu.vector_load %arg9[%swap3A_125] {strides = array<i32>} : memref<1024xf32, #tpu.memory_space<vmem>>, vector<16xf32>,
    tpu.vector_store %arg9[%swap3A_125], %broadcast_in_dim3A_3 {strides = array<i32>} : memref<1024xf32, #tpu.memory_space<vmem>>, vector<16xf32>,
    %swap3A_127 = arith.constant 992 : index
    %swap3A_128 = tpu.vector_load %arg9[%swap3A_127] {strides = array<i32>} : memref<1024xf32, #tpu.memory_space<vmem>>, vector<16xf32>,
    tpu.vector_store %arg9[%swap3A_127], %broadcast_in_dim3A_3 {strides = array<i32>} : memref<1024xf32, #tpu.memory_space<vmem>>, vector<16xf32>,
    %swap3A_129 = arith.constant 1008 : index
    %swap3A_130 = tpu.vector_load %arg9[%swap3A_129] {strides = array<i32>} : memref<1024xf32, #tpu.memory_space<vmem>>, vector<16xf32>,
    tpu.vector_store %arg9[%swap3A_129], %broadcast_in_dim3A_3 {strides = array<i32>} : memref<1024xf32, #tpu.memory_space<vmem>>, vector<16xf32>,
    %iota3A = tpu.iota {dimensions = array<i32: 0>} : vector<16xi32>
    %mul3A_131 = arith.constant 64 : i32
    %mul3A_132 = vector.broadcast %mul3A_131 : i32 to vector<16xi32>
    %mul3A_133 = arith.muli %iota3A, %mul3A_132 : vector<16xi32>
    %broadcast_in_dim3A_134 = arith.constant 1.000000e+00 : f32
    %broadcast_in_dim3A_135 = vector.broadcast %broadcast_in_dim3A_134 : f32 to vector<16xf32>
    %add3A_136 = arith.constant 0 : i32
    %add3A_137 = arith.addi %mul3A_2, %add3A_136 : i32
    "tpu.region"() ({
      %run_scoped3A = tpu.sem_alloc : memref<!tpu.dma_semaphore, #tpu.memory_space<semaphore_mem>>
      %dma_start3A = tpu.memref_slice %arg2[%add3A_137] : memref<2097152xf32, #tpu.memory_space<hbm>> -> memref<8192xf32, #tpu.memory_space<hbm>>
      %dma_start3A_394 = tpu.memref_slice %arg2[%add3A_137] : memref<2097152xf32, #tpu.memory_space<hbm>> -> memref<8192xf32, #tpu.memory_space<hbm>>
      tpu.enqueue_dma source(%dma_start3A_394 : memref<8192xf32, #tpu.memory_space<hbm>>) target(%arg6 : memref<8192xf32, #tpu.memory_space<vmem>>) target_semaphore(%run_scoped3A : memref<!tpu.dma_semaphore, #tpu.memory_space<semaphore_mem>>)
      %dma_wait3A = tpu.memref_slice %arg2[%add3A_137] : memref<2097152xf32, #tpu.memory_space<hbm>> -> memref<8192xf32, #tpu.memory_space<hbm>>
      %dma_wait3A_395 = tpu.memref_slice %arg2[%add3A_137] : memref<2097152xf32, #tpu.memory_space<hbm>> -> memref<8192xf32, #tpu.memory_space<hbm>>
      tpu.wait_dma2 semaphore(%run_scoped3A : memref<!tpu.dma_semaphore, #tpu.memory_space<semaphore_mem>>) src(%dma_wait3A_395 : memref<8192xf32, #tpu.memory_space<hbm>>) dst(%arg6 : memref<8192xf32, #tpu.memory_space<vmem>>)
      tpu.yield
    }) : () -> ()
    "tpu.region"() ({
      %run_scoped3A = tpu.sem_alloc : memref<!tpu.dma_semaphore, #tpu.memory_space<semaphore_mem>>
      %dma_start3A = tpu.memref_slice %arg3[%add3A_137] : memref<2097152xf32, #tpu.memory_space<hbm>> -> memref<8192xf32, #tpu.memory_space<hbm>>
      %dma_start3A_394 = tpu.memref_slice %arg3[%add3A_137] : memref<2097152xf32, #tpu.memory_space<hbm>> -> memref<8192xf32, #tpu.memory_space<hbm>>
      tpu.enqueue_dma source(%dma_start3A_394 : memref<8192xf32, #tpu.memory_space<hbm>>) target(%arg7 : memref<8192xf32, #tpu.memory_space<vmem>>) target_semaphore(%run_scoped3A : memref<!tpu.dma_semaphore, #tpu.memory_space<semaphore_mem>>)
      %dma_wait3A = tpu.memref_slice %arg3[%add3A_137] : memref<2097152xf32, #tpu.memory_space<hbm>> -> memref<8192xf32, #tpu.memory_space<hbm>>
      %dma_wait3A_395 = tpu.memref_slice %arg3[%add3A_137] : memref<2097152xf32, #tpu.memory_space<hbm>> -> memref<8192xf32, #tpu.memory_space<hbm>>
      tpu.wait_dma2 semaphore(%run_scoped3A : memref<!tpu.dma_semaphore, #tpu.memory_space<semaphore_mem>>) src(%dma_wait3A_395 : memref<8192xf32, #tpu.memory_space<hbm>>) dst(%arg7 : memref<8192xf32, #tpu.memory_space<vmem>>)
      tpu.yield
    }) : () -> ()
    "tpu.region"() ({
      %run_scoped3A = tpu.sem_alloc : memref<!tpu.dma_semaphore, #tpu.memory_space<semaphore_mem>>
      %dma_start3A = tpu.memref_slice %arg4[%add3A_137] : memref<2097152xi32, #tpu.memory_space<hbm>> -> memref<8192xi32, #tpu.memory_space<hbm>>
      %dma_start3A_394 = tpu.memref_slice %arg4[%add3A_137] : memref<2097152xi32, #tpu.memory_space<hbm>> -> memref<8192xi32, #tpu.memory_space<hbm>>
      tpu.enqueue_dma source(%dma_start3A_394 : memref<8192xi32, #tpu.memory_space<hbm>>) target(%arg8 : memref<8192xi32, #tpu.memory_space<vmem>>) target_semaphore(%run_scoped3A : memref<!tpu.dma_semaphore, #tpu.memory_space<semaphore_mem>>)
      %dma_wait3A = tpu.memref_slice %arg4[%add3A_137] : memref<2097152xi32, #tpu.memory_space<hbm>> -> memref<8192xi32, #tpu.memory_space<hbm>>
      %dma_wait3A_395 = tpu.memref_slice %arg4[%add3A_137] : memref<2097152xi32, #tpu.memory_space<hbm>> -> memref<8192xi32, #tpu.memory_space<hbm>>
      tpu.wait_dma2 semaphore(%run_scoped3A : memref<!tpu.dma_semaphore, #tpu.memory_space<semaphore_mem>>) src(%dma_wait3A_395 : memref<8192xi32, #tpu.memory_space<hbm>>) dst(%arg8 : memref<8192xi32, #tpu.memory_space<vmem>>)
      tpu.yield
    }) : () -> ()
    %scan3A = arith.constant 0 : i32
    %scan3A_138 = arith.constant 0 : i32
    %scan3A_139 = arith.constant 128 : i32
    %scan3A_140 = arith.addi %scan3A_138, %scan3A_139 : i32
    %scan3A_141 = arith.constant 1 : i32
    scf.for %scan3A_394 = %scan3A_138 to %scan3A_140 step %scan3A_141  : i32 {
      %mul3A_395 = arith.constant 4 : i32
      %mul3A_396 = arith.muli %scan3A_394, %mul3A_395 : i32
      %add3A_397 = arith.constant 0 : i32
      %add3A_398 = arith.addi %mul3A_396, %add3A_397 : i32
      %mul3A_399 = arith.constant 16 : i32
      %mul3A_400 = arith.muli %add3A_398, %mul3A_399 : i32
      %get3A_401 = arith.index_cast %mul3A_400 : i32 to index
      %get3A_402 = tpu.vector_load %arg8[%get3A_401] {strides = array<i32>} : memref<8192xi32, #tpu.memory_space<vmem>>, vector<16xi32>,
      %get3A_403 = arith.index_cast %mul3A_400 : i32 to index
      %get3A_404 = tpu.vector_load %arg6[%get3A_403] {strides = array<i32>} : memref<8192xf32, #tpu.memory_space<vmem>>, vector<16xf32>,
      %get3A_405 = arith.index_cast %mul3A_400 : i32 to index
      %get3A_406 = tpu.vector_load %arg7[%get3A_405] {strides = array<i32>} : memref<8192xf32, #tpu.memory_space<vmem>>, vector<16xf32>,
      %mul3A_407 = arith.constant 4 : i32
      %mul3A_408 = vector.broadcast %mul3A_407 : i32 to vector<16xi32>
      %mul3A_409 = arith.muli %get3A_402, %mul3A_408 : vector<16xi32>
      %add3A_410 = arith.addi %mul3A_133, %mul3A_409 : vector<16xi32>
      %mul3A_411 = arith.mulf %get3A_404, %get3A_404 : vector<16xf32>
      %mul3A_412 = arith.mulf %get3A_406, %get3A_406 : vector<16xf32>
      %add3A_413 = arith.addf %mul3A_411, %mul3A_412 : vector<16xf32>
      tpu.vector_store_idx %arg9[%add3A_410], %broadcast_in_dim3A_135 {add = true} : memref<1024xf32, #tpu.memory_space<vmem>>[vector<16xi32>], vector<16xf32>,
      %add3A_414 = arith.constant 1 : i32
      %add3A_415 = vector.broadcast %add3A_414 : i32 to vector<16xi32>
      %add3A_416 = arith.addi %add3A_410, %add3A_415 : vector<16xi32>
      tpu.vector_store_idx %arg9[%add3A_416], %get3A_404 {add = true} : memref<1024xf32, #tpu.memory_space<vmem>>[vector<16xi32>], vector<16xf32>,
      %add3A_417 = arith.constant 2 : i32
      %add3A_418 = vector.broadcast %add3A_417 : i32 to vector<16xi32>
      %add3A_419 = arith.addi %add3A_410, %add3A_418 : vector<16xi32>
      tpu.vector_store_idx %arg9[%add3A_419], %get3A_406 {add = true} : memref<1024xf32, #tpu.memory_space<vmem>>[vector<16xi32>], vector<16xf32>,
      %add3A_420 = arith.constant 3 : i32
      %add3A_421 = vector.broadcast %add3A_420 : i32 to vector<16xi32>
      %add3A_422 = arith.addi %add3A_410, %add3A_421 : vector<16xi32>
      tpu.vector_store_idx %arg9[%add3A_422], %add3A_413 {add = true} : memref<1024xf32, #tpu.memory_space<vmem>>[vector<16xi32>], vector<16xf32>,
      %mul3A_423 = arith.constant 4 : i32
      %mul3A_424 = arith.muli %scan3A_394, %mul3A_423 : i32
      %add3A_425 = arith.constant 1 : i32
      %add3A_426 = arith.addi %mul3A_424, %add3A_425 : i32
      %mul3A_427 = arith.constant 16 : i32
      %mul3A_428 = arith.muli %add3A_426, %mul3A_427 : i32
      %get3A_429 = arith.index_cast %mul3A_428 : i32 to index
      %get3A_430 = tpu.vector_load %arg8[%get3A_429] {strides = array<i32>} : memref<8192xi32, #tpu.memory_space<vmem>>, vector<16xi32>,
      %get3A_431 = arith.index_cast %mul3A_428 : i32 to index
      %get3A_432 = tpu.vector_load %arg6[%get3A_431] {strides = array<i32>} : memref<8192xf32, #tpu.memory_space<vmem>>, vector<16xf32>,
      %get3A_433 = arith.index_cast %mul3A_428 : i32 to index
      %get3A_434 = tpu.vector_load %arg7[%get3A_433] {strides = array<i32>} : memref<8192xf32, #tpu.memory_space<vmem>>, vector<16xf32>,
      %mul3A_435 = arith.constant 4 : i32
      %mul3A_436 = vector.broadcast %mul3A_435 : i32 to vector<16xi32>
      %mul3A_437 = arith.muli %get3A_430, %mul3A_436 : vector<16xi32>
      %add3A_438 = arith.addi %mul3A_133, %mul3A_437 : vector<16xi32>
      %mul3A_439 = arith.mulf %get3A_432, %get3A_432 : vector<16xf32>
      %mul3A_440 = arith.mulf %get3A_434, %get3A_434 : vector<16xf32>
      %add3A_441 = arith.addf %mul3A_439, %mul3A_440 : vector<16xf32>
      tpu.vector_store_idx %arg9[%add3A_438], %broadcast_in_dim3A_135 {add = true} : memref<1024xf32, #tpu.memory_space<vmem>>[vector<16xi32>], vector<16xf32>,
      %add3A_442 = arith.constant 1 : i32
      %add3A_443 = vector.broadcast %add3A_442 : i32 to vector<16xi32>
      %add3A_444 = arith.addi %add3A_438, %add3A_443 : vector<16xi32>
      tpu.vector_store_idx %arg9[%add3A_444], %get3A_432 {add = true} : memref<1024xf32, #tpu.memory_space<vmem>>[vector<16xi32>], vector<16xf32>,
      %add3A_445 = arith.constant 2 : i32
      %add3A_446 = vector.broadcast %add3A_445 : i32 to vector<16xi32>
      %add3A_447 = arith.addi %add3A_438, %add3A_446 : vector<16xi32>
      tpu.vector_store_idx %arg9[%add3A_447], %get3A_434 {add = true} : memref<1024xf32, #tpu.memory_space<vmem>>[vector<16xi32>], vector<16xf32>,
      %add3A_448 = arith.constant 3 : i32
      %add3A_449 = vector.broadcast %add3A_448 : i32 to vector<16xi32>
      %add3A_450 = arith.addi %add3A_438, %add3A_449 : vector<16xi32>
      tpu.vector_store_idx %arg9[%add3A_450], %add3A_441 {add = true} : memref<1024xf32, #tpu.memory_space<vmem>>[vector<16xi32>], vector<16xf32>,
      %mul3A_451 = arith.constant 4 : i32
      %mul3A_452 = arith.muli %scan3A_394, %mul3A_451 : i32
      %add3A_453 = arith.constant 2 : i32
      %add3A_454 = arith.addi %mul3A_452, %add3A_453 : i32
      %mul3A_455 = arith.constant 16 : i32
      %mul3A_456 = arith.muli %add3A_454, %mul3A_455 : i32
      %get3A_457 = arith.index_cast %mul3A_456 : i32 to index
      %get3A_458 = tpu.vector_load %arg8[%get3A_457] {strides = array<i32>} : memref<8192xi32, #tpu.memory_space<vmem>>, vector<16xi32>,
      %get3A_459 = arith.index_cast %mul3A_456 : i32 to index
      %get3A_460 = tpu.vector_load %arg6[%get3A_459] {strides = array<i32>} : memref<8192xf32, #tpu.memory_space<vmem>>, vector<16xf32>,
      %get3A_461 = arith.index_cast %mul3A_456 : i32 to index
      %get3A_462 = tpu.vector_load %arg7[%get3A_461] {strides = array<i32>} : memref<8192xf32, #tpu.memory_space<vmem>>, vector<16xf32>,
      %mul3A_463 = arith.constant 4 : i32
      %mul3A_464 = vector.broadcast %mul3A_463 : i32 to vector<16xi32>
      %mul3A_465 = arith.muli %get3A_458, %mul3A_464 : vector<16xi32>
      %add3A_466 = arith.addi %mul3A_133, %mul3A_465 : vector<16xi32>
      %mul3A_467 = arith.mulf %get3A_460, %get3A_460 : vector<16xf32>
      %mul3A_468 = arith.mulf %get3A_462, %get3A_462 : vector<16xf32>
      %add3A_469 = arith.addf %mul3A_467, %mul3A_468 : vector<16xf32>
      tpu.vector_store_idx %arg9[%add3A_466], %broadcast_in_dim3A_135 {add = true} : memref<1024xf32, #tpu.memory_space<vmem>>[vector<16xi32>], vector<16xf32>,
      %add3A_470 = arith.constant 1 : i32
      %add3A_471 = vector.broadcast %add3A_470 : i32 to vector<16xi32>
      %add3A_472 = arith.addi %add3A_466, %add3A_471 : vector<16xi32>
      tpu.vector_store_idx %arg9[%add3A_472], %get3A_460 {add = true} : memref<1024xf32, #tpu.memory_space<vmem>>[vector<16xi32>], vector<16xf32>,
      %add3A_473 = arith.constant 2 : i32
      %add3A_474 = vector.broadcast %add3A_473 : i32 to vector<16xi32>
      %add3A_475 = arith.addi %add3A_466, %add3A_474 : vector<16xi32>
      tpu.vector_store_idx %arg9[%add3A_475], %get3A_462 {add = true} : memref<1024xf32, #tpu.memory_space<vmem>>[vector<16xi32>], vector<16xf32>,
      %add3A_476 = arith.constant 3 : i32
      %add3A_477 = vector.broadcast %add3A_476 : i32 to vector<16xi32>
      %add3A_478 = arith.addi %add3A_466, %add3A_477 : vector<16xi32>
      tpu.vector_store_idx %arg9[%add3A_478], %add3A_469 {add = true} : memref<1024xf32, #tpu.memory_space<vmem>>[vector<16xi32>], vector<16xf32>,
      %mul3A_479 = arith.constant 4 : i32
      %mul3A_480 = arith.muli %scan3A_394, %mul3A_479 : i32
      %add3A_481 = arith.constant 3 : i32
      %add3A_482 = arith.addi %mul3A_480, %add3A_481 : i32
      %mul3A_483 = arith.constant 16 : i32
      %mul3A_484 = arith.muli %add3A_482, %mul3A_483 : i32
      %get3A_485 = arith.index_cast %mul3A_484 : i32 to index
      %get3A_486 = tpu.vector_load %arg8[%get3A_485] {strides = array<i32>} : memref<8192xi32, #tpu.memory_space<vmem>>, vector<16xi32>,
      %get3A_487 = arith.index_cast %mul3A_484 : i32 to index
      %get3A_488 = tpu.vector_load %arg6[%get3A_487] {strides = array<i32>} : memref<8192xf32, #tpu.memory_space<vmem>>, vector<16xf32>,
      %get3A_489 = arith.index_cast %mul3A_484 : i32 to index
      %get3A_490 = tpu.vector_load %arg7[%get3A_489] {strides = array<i32>} : memref<8192xf32, #tpu.memory_space<vmem>>, vector<16xf32>,
      %mul3A_491 = arith.constant 4 : i32
      %mul3A_492 = vector.broadcast %mul3A_491 : i32 to vector<16xi32>
      %mul3A_493 = arith.muli %get3A_486, %mul3A_492 : vector<16xi32>
      %add3A_494 = arith.addi %mul3A_133, %mul3A_493 : vector<16xi32>
      %mul3A_495 = arith.mulf %get3A_488, %get3A_488 : vector<16xf32>
      %mul3A_496 = arith.mulf %get3A_490, %get3A_490 : vector<16xf32>
      %add3A_497 = arith.addf %mul3A_495, %mul3A_496 : vector<16xf32>
      tpu.vector_store_idx %arg9[%add3A_494], %broadcast_in_dim3A_135 {add = true} : memref<1024xf32, #tpu.memory_space<vmem>>[vector<16xi32>], vector<16xf32>,
      %add3A_498 = arith.constant 1 : i32
      %add3A_499 = vector.broadcast %add3A_498 : i32 to vector<16xi32>
      %add3A_500 = arith.addi %add3A_494, %add3A_499 : vector<16xi32>
      tpu.vector_store_idx %arg9[%add3A_500], %get3A_488 {add = true} : memref<1024xf32, #tpu.memory_space<vmem>>[vector<16xi32>], vector<16xf32>,
      %add3A_501 = arith.constant 2 : i32
      %add3A_502 = vector.broadcast %add3A_501 : i32 to vector<16xi32>
      %add3A_503 = arith.addi %add3A_494, %add3A_502 : vector<16xi32>
      tpu.vector_store_idx %arg9[%add3A_503], %get3A_490 {add = true} : memref<1024xf32, #tpu.memory_space<vmem>>[vector<16xi32>], vector<16xf32>,
      %add3A_504 = arith.constant 3 : i32
      %add3A_505 = vector.broadcast %add3A_504 : i32 to vector<16xi32>
      %add3A_506 = arith.addi %add3A_494, %add3A_505 : vector<16xi32>
      tpu.vector_store_idx %arg9[%add3A_506], %add3A_497 {add = true} : memref<1024xf32, #tpu.memory_space<vmem>>[vector<16xi32>], vector<16xf32>,
    }
    %scan3A_142 = arith.constant 128 : i32
    %add3A_143 = arith.constant 8192 : i32
    %add3A_144 = arith.addi %mul3A_2, %add3A_143 : i32
    "tpu.region"() ({
      %run_scoped3A = tpu.sem_alloc : memref<!tpu.dma_semaphore, #tpu.memory_space<semaphore_mem>>
      %dma_start3A = tpu.memref_slice %arg2[%add3A_144] : memref<2097152xf32, #tpu.memory_space<hbm>> -> memref<8192xf32, #tpu.memory_space<hbm>>
      %dma_start3A_394 = tpu.memref_slice %arg2[%add3A_144] : memref<2097152xf32, #tpu.memory_space<hbm>> -> memref<8192xf32, #tpu.memory_space<hbm>>
      tpu.enqueue_dma source(%dma_start3A_394 : memref<8192xf32, #tpu.memory_space<hbm>>) target(%arg6 : memref<8192xf32, #tpu.memory_space<vmem>>) target_semaphore(%run_scoped3A : memref<!tpu.dma_semaphore, #tpu.memory_space<semaphore_mem>>)
      %dma_wait3A = tpu.memref_slice %arg2[%add3A_144] : memref<2097152xf32, #tpu.memory_space<hbm>> -> memref<8192xf32, #tpu.memory_space<hbm>>
      %dma_wait3A_395 = tpu.memref_slice %arg2[%add3A_144] : memref<2097152xf32, #tpu.memory_space<hbm>> -> memref<8192xf32, #tpu.memory_space<hbm>>
      tpu.wait_dma2 semaphore(%run_scoped3A : memref<!tpu.dma_semaphore, #tpu.memory_space<semaphore_mem>>) src(%dma_wait3A_395 : memref<8192xf32, #tpu.memory_space<hbm>>) dst(%arg6 : memref<8192xf32, #tpu.memory_space<vmem>>)
      tpu.yield
    }) : () -> ()
    "tpu.region"() ({
      %run_scoped3A = tpu.sem_alloc : memref<!tpu.dma_semaphore, #tpu.memory_space<semaphore_mem>>
      %dma_start3A = tpu.memref_slice %arg3[%add3A_144] : memref<2097152xf32, #tpu.memory_space<hbm>> -> memref<8192xf32, #tpu.memory_space<hbm>>
      %dma_start3A_394 = tpu.memref_slice %arg3[%add3A_144] : memref<2097152xf32, #tpu.memory_space<hbm>> -> memref<8192xf32, #tpu.memory_space<hbm>>
      tpu.enqueue_dma source(%dma_start3A_394 : memref<8192xf32, #tpu.memory_space<hbm>>) target(%arg7 : memref<8192xf32, #tpu.memory_space<vmem>>) target_semaphore(%run_scoped3A : memref<!tpu.dma_semaphore, #tpu.memory_space<semaphore_mem>>)
      %dma_wait3A = tpu.memref_slice %arg3[%add3A_144] : memref<2097152xf32, #tpu.memory_space<hbm>> -> memref<8192xf32, #tpu.memory_space<hbm>>
      %dma_wait3A_395 = tpu.memref_slice %arg3[%add3A_144] : memref<2097152xf32, #tpu.memory_space<hbm>> -> memref<8192xf32, #tpu.memory_space<hbm>>
      tpu.wait_dma2 semaphore(%run_scoped3A : memref<!tpu.dma_semaphore, #tpu.memory_space<semaphore_mem>>) src(%dma_wait3A_395 : memref<8192xf32, #tpu.memory_space<hbm>>) dst(%arg7 : memref<8192xf32, #tpu.memory_space<vmem>>)
      tpu.yield
    }) : () -> ()
    "tpu.region"() ({
      %run_scoped3A = tpu.sem_alloc : memref<!tpu.dma_semaphore, #tpu.memory_space<semaphore_mem>>
      %dma_start3A = tpu.memref_slice %arg4[%add3A_144] : memref<2097152xi32, #tpu.memory_space<hbm>> -> memref<8192xi32, #tpu.memory_space<hbm>>
      %dma_start3A_394 = tpu.memref_slice %arg4[%add3A_144] : memref<2097152xi32, #tpu.memory_space<hbm>> -> memref<8192xi32, #tpu.memory_space<hbm>>
      tpu.enqueue_dma source(%dma_start3A_394 : memref<8192xi32, #tpu.memory_space<hbm>>) target(%arg8 : memref<8192xi32, #tpu.memory_space<vmem>>) target_semaphore(%run_scoped3A : memref<!tpu.dma_semaphore, #tpu.memory_space<semaphore_mem>>)
      %dma_wait3A = tpu.memref_slice %arg4[%add3A_144] : memref<2097152xi32, #tpu.memory_space<hbm>> -> memref<8192xi32, #tpu.memory_space<hbm>>
      %dma_wait3A_395 = tpu.memref_slice %arg4[%add3A_144] : memref<2097152xi32, #tpu.memory_space<hbm>> -> memref<8192xi32, #tpu.memory_space<hbm>>
      tpu.wait_dma2 semaphore(%run_scoped3A : memref<!tpu.dma_semaphore, #tpu.memory_space<semaphore_mem>>) src(%dma_wait3A_395 : memref<8192xi32, #tpu.memory_space<hbm>>) dst(%arg8 : memref<8192xi32, #tpu.memory_space<vmem>>)
      tpu.yield
    }) : () -> ()
    %scan3A_145 = arith.constant 0 : i32
    %scan3A_146 = arith.constant 0 : i32
    %scan3A_147 = arith.constant 128 : i32
    %scan3A_148 = arith.addi %scan3A_146, %scan3A_147 : i32
    %scan3A_149 = arith.constant 1 : i32
    scf.for %scan3A_394 = %scan3A_146 to %scan3A_148 step %scan3A_149  : i32 {
      %mul3A_395 = arith.constant 4 : i32
      %mul3A_396 = arith.muli %scan3A_394, %mul3A_395 : i32
      %add3A_397 = arith.constant 0 : i32
      %add3A_398 = arith.addi %mul3A_396, %add3A_397 : i32
      %mul3A_399 = arith.constant 16 : i32
      %mul3A_400 = arith.muli %add3A_398, %mul3A_399 : i32
      %get3A_401 = arith.index_cast %mul3A_400 : i32 to index
      %get3A_402 = tpu.vector_load %arg8[%get3A_401] {strides = array<i32>} : memref<8192xi32, #tpu.memory_space<vmem>>, vector<16xi32>,
      %get3A_403 = arith.index_cast %mul3A_400 : i32 to index
      %get3A_404 = tpu.vector_load %arg6[%get3A_403] {strides = array<i32>} : memref<8192xf32, #tpu.memory_space<vmem>>, vector<16xf32>,
      %get3A_405 = arith.index_cast %mul3A_400 : i32 to index
      %get3A_406 = tpu.vector_load %arg7[%get3A_405] {strides = array<i32>} : memref<8192xf32, #tpu.memory_space<vmem>>, vector<16xf32>,
      %mul3A_407 = arith.constant 4 : i32
      %mul3A_408 = vector.broadcast %mul3A_407 : i32 to vector<16xi32>
      %mul3A_409 = arith.muli %get3A_402, %mul3A_408 : vector<16xi32>
      %add3A_410 = arith.addi %mul3A_133, %mul3A_409 : vector<16xi32>
      %mul3A_411 = arith.mulf %get3A_404, %get3A_404 : vector<16xf32>
      %mul3A_412 = arith.mulf %get3A_406, %get3A_406 : vector<16xf32>
      %add3A_413 = arith.addf %mul3A_411, %mul3A_412 : vector<16xf32>
      tpu.vector_store_idx %arg9[%add3A_410], %broadcast_in_dim3A_135 {add = true} : memref<1024xf32, #tpu.memory_space<vmem>>[vector<16xi32>], vector<16xf32>,
      %add3A_414 = arith.constant 1 : i32
      %add3A_415 = vector.broadcast %add3A_414 : i32 to vector<16xi32>
      %add3A_416 = arith.addi %add3A_410, %add3A_415 : vector<16xi32>
      tpu.vector_store_idx %arg9[%add3A_416], %get3A_404 {add = true} : memref<1024xf32, #tpu.memory_space<vmem>>[vector<16xi32>], vector<16xf32>,
      %add3A_417 = arith.constant 2 : i32
      %add3A_418 = vector.broadcast %add3A_417 : i32 to vector<16xi32>
      %add3A_419 = arith.addi %add3A_410, %add3A_418 : vector<16xi32>
      tpu.vector_store_idx %arg9[%add3A_419], %get3A_406 {add = true} : memref<1024xf32, #tpu.memory_space<vmem>>[vector<16xi32>], vector<16xf32>,
      %add3A_420 = arith.constant 3 : i32
      %add3A_421 = vector.broadcast %add3A_420 : i32 to vector<16xi32>
      %add3A_422 = arith.addi %add3A_410, %add3A_421 : vector<16xi32>
      tpu.vector_store_idx %arg9[%add3A_422], %add3A_413 {add = true} : memref<1024xf32, #tpu.memory_space<vmem>>[vector<16xi32>], vector<16xf32>,
      %mul3A_423 = arith.constant 4 : i32
      %mul3A_424 = arith.muli %scan3A_394, %mul3A_423 : i32
      %add3A_425 = arith.constant 1 : i32
      %add3A_426 = arith.addi %mul3A_424, %add3A_425 : i32
      %mul3A_427 = arith.constant 16 : i32
      %mul3A_428 = arith.muli %add3A_426, %mul3A_427 : i32
      %get3A_429 = arith.index_cast %mul3A_428 : i32 to index
      %get3A_430 = tpu.vector_load %arg8[%get3A_429] {strides = array<i32>} : memref<8192xi32, #tpu.memory_space<vmem>>, vector<16xi32>,
      %get3A_431 = arith.index_cast %mul3A_428 : i32 to index
      %get3A_432 = tpu.vector_load %arg6[%get3A_431] {strides = array<i32>} : memref<8192xf32, #tpu.memory_space<vmem>>, vector<16xf32>,
      %get3A_433 = arith.index_cast %mul3A_428 : i32 to index
      %get3A_434 = tpu.vector_load %arg7[%get3A_433] {strides = array<i32>} : memref<8192xf32, #tpu.memory_space<vmem>>, vector<16xf32>,
      %mul3A_435 = arith.constant 4 : i32
      %mul3A_436 = vector.broadcast %mul3A_435 : i32 to vector<16xi32>
      %mul3A_437 = arith.muli %get3A_430, %mul3A_436 : vector<16xi32>
      %add3A_438 = arith.addi %mul3A_133, %mul3A_437 : vector<16xi32>
      %mul3A_439 = arith.mulf %get3A_432, %get3A_432 : vector<16xf32>
      %mul3A_440 = arith.mulf %get3A_434, %get3A_434 : vector<16xf32>
      %add3A_441 = arith.addf %mul3A_439, %mul3A_440 : vector<16xf32>
      tpu.vector_store_idx %arg9[%add3A_438], %broadcast_in_dim3A_135 {add = true} : memref<1024xf32, #tpu.memory_space<vmem>>[vector<16xi32>], vector<16xf32>,
      %add3A_442 = arith.constant 1 : i32
      %add3A_443 = vector.broadcast %add3A_442 : i32 to vector<16xi32>
      %add3A_444 = arith.addi %add3A_438, %add3A_443 : vector<16xi32>
      tpu.vector_store_idx %arg9[%add3A_444], %get3A_432 {add = true} : memref<1024xf32, #tpu.memory_space<vmem>>[vector<16xi32>], vector<16xf32>,
      %add3A_445 = arith.constant 2 : i32
      %add3A_446 = vector.broadcast %add3A_445 : i32 to vector<16xi32>
      %add3A_447 = arith.addi %add3A_438, %add3A_446 : vector<16xi32>
      tpu.vector_store_idx %arg9[%add3A_447], %get3A_434 {add = true} : memref<1024xf32, #tpu.memory_space<vmem>>[vector<16xi32>], vector<16xf32>,
      %add3A_448 = arith.constant 3 : i32
      %add3A_449 = vector.broadcast %add3A_448 : i32 to vector<16xi32>
      %add3A_450 = arith.addi %add3A_438, %add3A_449 : vector<16xi32>
      tpu.vector_store_idx %arg9[%add3A_450], %add3A_441 {add = true} : memref<1024xf32, #tpu.memory_space<vmem>>[vector<16xi32>], vector<16xf32>,
      %mul3A_451 = arith.constant 4 : i32
      %mul3A_452 = arith.muli %scan3A_394, %mul3A_451 : i32
      %add3A_453 = arith.constant 2 : i32
      %add3A_454 = arith.addi %mul3A_452, %add3A_453 : i32
      %mul3A_455 = arith.constant 16 : i32
      %mul3A_456 = arith.muli %add3A_454, %mul3A_455 : i32
      %get3A_457 = arith.index_cast %mul3A_456 : i32 to index
      %get3A_458 = tpu.vector_load %arg8[%get3A_457] {strides = array<i32>} : memref<8192xi32, #tpu.memory_space<vmem>>, vector<16xi32>,
      %get3A_459 = arith.index_cast %mul3A_456 : i32 to index
      %get3A_460 = tpu.vector_load %arg6[%get3A_459] {strides = array<i32>} : memref<8192xf32, #tpu.memory_space<vmem>>, vector<16xf32>,
      %get3A_461 = arith.index_cast %mul3A_456 : i32 to index
      %get3A_462 = tpu.vector_load %arg7[%get3A_461] {strides = array<i32>} : memref<8192xf32, #tpu.memory_space<vmem>>, vector<16xf32>,
      %mul3A_463 = arith.constant 4 : i32
      %mul3A_464 = vector.broadcast %mul3A_463 : i32 to vector<16xi32>
      %mul3A_465 = arith.muli %get3A_458, %mul3A_464 : vector<16xi32>
      %add3A_466 = arith.addi %mul3A_133, %mul3A_465 : vector<16xi32>
      %mul3A_467 = arith.mulf %get3A_460, %get3A_460 : vector<16xf32>
      %mul3A_468 = arith.mulf %get3A_462, %get3A_462 : vector<16xf32>
      %add3A_469 = arith.addf %mul3A_467, %mul3A_468 : vector<16xf32>
      tpu.vector_store_idx %arg9[%add3A_466], %broadcast_in_dim3A_135 {add = true} : memref<1024xf32, #tpu.memory_space<vmem>>[vector<16xi32>], vector<16xf32>,
      %add3A_470 = arith.constant 1 : i32
      %add3A_471 = vector.broadcast %add3A_470 : i32 to vector<16xi32>
      %add3A_472 = arith.addi %add3A_466, %add3A_471 : vector<16xi32>
      tpu.vector_store_idx %arg9[%add3A_472], %get3A_460 {add = true} : memref<1024xf32, #tpu.memory_space<vmem>>[vector<16xi32>], vector<16xf32>,
      %add3A_473 = arith.constant 2 : i32
      %add3A_474 = vector.broadcast %add3A_473 : i32 to vector<16xi32>
      %add3A_475 = arith.addi %add3A_466, %add3A_474 : vector<16xi32>
      tpu.vector_store_idx %arg9[%add3A_475], %get3A_462 {add = true} : memref<1024xf32, #tpu.memory_space<vmem>>[vector<16xi32>], vector<16xf32>,
      %add3A_476 = arith.constant 3 : i32
      %add3A_477 = vector.broadcast %add3A_476 : i32 to vector<16xi32>
      %add3A_478 = arith.addi %add3A_466, %add3A_477 : vector<16xi32>
      tpu.vector_store_idx %arg9[%add3A_478], %add3A_469 {add = true} : memref<1024xf32, #tpu.memory_space<vmem>>[vector<16xi32>], vector<16xf32>,
      %mul3A_479 = arith.constant 4 : i32
      %mul3A_480 = arith.muli %scan3A_394, %mul3A_479 : i32
      %add3A_481 = arith.constant 3 : i32
      %add3A_482 = arith.addi %mul3A_480, %add3A_481 : i32
      %mul3A_483 = arith.constant 16 : i32
      %mul3A_484 = arith.muli %add3A_482, %mul3A_483 : i32
      %get3A_485 = arith.index_cast %mul3A_484 : i32 to index
      %get3A_486 = tpu.vector_load %arg8[%get3A_485] {strides = array<i32>} : memref<8192xi32, #tpu.memory_space<vmem>>, vector<16xi32>,
      %get3A_487 = arith.index_cast %mul3A_484 : i32 to index
      %get3A_488 = tpu.vector_load %arg6[%get3A_487] {strides = array<i32>} : memref<8192xf32, #tpu.memory_space<vmem>>, vector<16xf32>,
      %get3A_489 = arith.index_cast %mul3A_484 : i32 to index
      %get3A_490 = tpu.vector_load %arg7[%get3A_489] {strides = array<i32>} : memref<8192xf32, #tpu.memory_space<vmem>>, vector<16xf32>,
      %mul3A_491 = arith.constant 4 : i32
      %mul3A_492 = vector.broadcast %mul3A_491 : i32 to vector<16xi32>
      %mul3A_493 = arith.muli %get3A_486, %mul3A_492 : vector<16xi32>
      %add3A_494 = arith.addi %mul3A_133, %mul3A_493 : vector<16xi32>
      %mul3A_495 = arith.mulf %get3A_488, %get3A_488 : vector<16xf32>
      %mul3A_496 = arith.mulf %get3A_490, %get3A_490 : vector<16xf32>
      %add3A_497 = arith.addf %mul3A_495, %mul3A_496 : vector<16xf32>
      tpu.vector_store_idx %arg9[%add3A_494], %broadcast_in_dim3A_135 {add = true} : memref<1024xf32, #tpu.memory_space<vmem>>[vector<16xi32>], vector<16xf32>,
      %add3A_498 = arith.constant 1 : i32
      %add3A_499 = vector.broadcast %add3A_498 : i32 to vector<16xi32>
      %add3A_500 = arith.addi %add3A_494, %add3A_499 : vector<16xi32>
      tpu.vector_store_idx %arg9[%add3A_500], %get3A_488 {add = true} : memref<1024xf32, #tpu.memory_space<vmem>>[vector<16xi32>], vector<16xf32>,
      %add3A_501 = arith.constant 2 : i32
      %add3A_502 = vector.broadcast %add3A_501 : i32 to vector<16xi32>
      %add3A_503 = arith.addi %add3A_494, %add3A_502 : vector<16xi32>
      tpu.vector_store_idx %arg9[%add3A_503], %get3A_490 {add = true} : memref<1024xf32, #tpu.memory_space<vmem>>[vector<16xi32>], vector<16xf32>,
      %add3A_504 = arith.constant 3 : i32
      %add3A_505 = vector.broadcast %add3A_504 : i32 to vector<16xi32>
      %add3A_506 = arith.addi %add3A_494, %add3A_505 : vector<16xi32>
      tpu.vector_store_idx %arg9[%add3A_506], %add3A_497 {add = true} : memref<1024xf32, #tpu.memory_space<vmem>>[vector<16xi32>], vector<16xf32>,
    }
    %scan3A_150 = arith.constant 128 : i32
    %add3A_151 = arith.constant 16384 : i32
    %add3A_152 = arith.addi %mul3A_2, %add3A_151 : i32
    "tpu.region"() ({
      %run_scoped3A = tpu.sem_alloc : memref<!tpu.dma_semaphore, #tpu.memory_space<semaphore_mem>>
      %dma_start3A = tpu.memref_slice %arg2[%add3A_152] : memref<2097152xf32, #tpu.memory_space<hbm>> -> memref<8192xf32, #tpu.memory_space<hbm>>
      %dma_start3A_394 = tpu.memref_slice %arg2[%add3A_152] : memref<2097152xf32, #tpu.memory_space<hbm>> -> memref<8192xf32, #tpu.memory_space<hbm>>
      tpu.enqueue_dma source(%dma_start3A_394 : memref<8192xf32, #tpu.memory_space<hbm>>) target(%arg6 : memref<8192xf32, #tpu.memory_space<vmem>>) target_semaphore(%run_scoped3A : memref<!tpu.dma_semaphore, #tpu.memory_space<semaphore_mem>>)
      %dma_wait3A = tpu.memref_slice %arg2[%add3A_152] : memref<2097152xf32, #tpu.memory_space<hbm>> -> memref<8192xf32, #tpu.memory_space<hbm>>
      %dma_wait3A_395 = tpu.memref_slice %arg2[%add3A_152] : memref<2097152xf32, #tpu.memory_space<hbm>> -> memref<8192xf32, #tpu.memory_space<hbm>>
      tpu.wait_dma2 semaphore(%run_scoped3A : memref<!tpu.dma_semaphore, #tpu.memory_space<semaphore_mem>>) src(%dma_wait3A_395 : memref<8192xf32, #tpu.memory_space<hbm>>) dst(%arg6 : memref<8192xf32, #tpu.memory_space<vmem>>)
      tpu.yield
    }) : () -> ()
    "tpu.region"() ({
      %run_scoped3A = tpu.sem_alloc : memref<!tpu.dma_semaphore, #tpu.memory_space<semaphore_mem>>
      %dma_start3A = tpu.memref_slice %arg3[%add3A_152] : memref<2097152xf32, #tpu.memory_space<hbm>> -> memref<8192xf32, #tpu.memory_space<hbm>>
      %dma_start3A_394 = tpu.memref_slice %arg3[%add3A_152] : memref<2097152xf32, #tpu.memory_space<hbm>> -> memref<8192xf32, #tpu.memory_space<hbm>>
      tpu.enqueue_dma source(%dma_start3A_394 : memref<8192xf32, #tpu.memory_space<hbm>>) target(%arg7 : memref<8192xf32, #tpu.memory_space<vmem>>) target_semaphore(%run_scoped3A : memref<!tpu.dma_semaphore, #tpu.memory_space<semaphore_mem>>)
      %dma_wait3A = tpu.memref_slice %arg3[%add3A_152] : memref<2097152xf32, #tpu.memory_space<hbm>> -> memref<8192xf32, #tpu.memory_space<hbm>>
      %dma_wait3A_395 = tpu.memref_slice %arg3[%add3A_152] : memref<2097152xf32, #tpu.memory_space<hbm>> -> memref<8192xf32, #tpu.memory_space<hbm>>
      tpu.wait_dma2 semaphore(%run_scoped3A : memref<!tpu.dma_semaphore, #tpu.memory_space<semaphore_mem>>) src(%dma_wait3A_395 : memref<8192xf32, #tpu.memory_space<hbm>>) dst(%arg7 : memref<8192xf32, #tpu.memory_space<vmem>>)
      tpu.yield
    }) : () -> ()
    "tpu.region"() ({
      %run_scoped3A = tpu.sem_alloc : memref<!tpu.dma_semaphore, #tpu.memory_space<semaphore_mem>>
      %dma_start3A = tpu.memref_slice %arg4[%add3A_152] : memref<2097152xi32, #tpu.memory_space<hbm>> -> memref<8192xi32, #tpu.memory_space<hbm>>
      %dma_start3A_394 = tpu.memref_slice %arg4[%add3A_152] : memref<2097152xi32, #tpu.memory_space<hbm>> -> memref<8192xi32, #tpu.memory_space<hbm>>
      tpu.enqueue_dma source(%dma_start3A_394 : memref<8192xi32, #tpu.memory_space<hbm>>) target(%arg8 : memref<8192xi32, #tpu.memory_space<vmem>>) target_semaphore(%run_scoped3A : memref<!tpu.dma_semaphore, #tpu.memory_space<semaphore_mem>>)
      %dma_wait3A = tpu.memref_slice %arg4[%add3A_152] : memref<2097152xi32, #tpu.memory_space<hbm>> -> memref<8192xi32, #tpu.memory_space<hbm>>
      %dma_wait3A_395 = tpu.memref_slice %arg4[%add3A_152] : memref<2097152xi32, #tpu.memory_space<hbm>> -> memref<8192xi32, #tpu.memory_space<hbm>>
      tpu.wait_dma2 semaphore(%run_scoped3A : memref<!tpu.dma_semaphore, #tpu.memory_space<semaphore_mem>>) src(%dma_wait3A_395 : memref<8192xi32, #tpu.memory_space<hbm>>) dst(%arg8 : memref<8192xi32, #tpu.memory_space<vmem>>)
      tpu.yield
    }) : () -> ()
    %scan3A_153 = arith.constant 0 : i32
    %scan3A_154 = arith.constant 0 : i32
    %scan3A_155 = arith.constant 128 : i32
    %scan3A_156 = arith.addi %scan3A_154, %scan3A_155 : i32
    %scan3A_157 = arith.constant 1 : i32
    scf.for %scan3A_394 = %scan3A_154 to %scan3A_156 step %scan3A_157  : i32 {
      %mul3A_395 = arith.constant 4 : i32
      %mul3A_396 = arith.muli %scan3A_394, %mul3A_395 : i32
      %add3A_397 = arith.constant 0 : i32
      %add3A_398 = arith.addi %mul3A_396, %add3A_397 : i32
      %mul3A_399 = arith.constant 16 : i32
      %mul3A_400 = arith.muli %add3A_398, %mul3A_399 : i32
      %get3A_401 = arith.index_cast %mul3A_400 : i32 to index
      %get3A_402 = tpu.vector_load %arg8[%get3A_401] {strides = array<i32>} : memref<8192xi32, #tpu.memory_space<vmem>>, vector<16xi32>,
      %get3A_403 = arith.index_cast %mul3A_400 : i32 to index
      %get3A_404 = tpu.vector_load %arg6[%get3A_403] {strides = array<i32>} : memref<8192xf32, #tpu.memory_space<vmem>>, vector<16xf32>,
      %get3A_405 = arith.index_cast %mul3A_400 : i32 to index
      %get3A_406 = tpu.vector_load %arg7[%get3A_405] {strides = array<i32>} : memref<8192xf32, #tpu.memory_space<vmem>>, vector<16xf32>,
      %mul3A_407 = arith.constant 4 : i32
      %mul3A_408 = vector.broadcast %mul3A_407 : i32 to vector<16xi32>
      %mul3A_409 = arith.muli %get3A_402, %mul3A_408 : vector<16xi32>
      %add3A_410 = arith.addi %mul3A_133, %mul3A_409 : vector<16xi32>
      %mul3A_411 = arith.mulf %get3A_404, %get3A_404 : vector<16xf32>
      %mul3A_412 = arith.mulf %get3A_406, %get3A_406 : vector<16xf32>
      %add3A_413 = arith.addf %mul3A_411, %mul3A_412 : vector<16xf32>
      tpu.vector_store_idx %arg9[%add3A_410], %broadcast_in_dim3A_135 {add = true} : memref<1024xf32, #tpu.memory_space<vmem>>[vector<16xi32>], vector<16xf32>,
      %add3A_414 = arith.constant 1 : i32
      %add3A_415 = vector.broadcast %add3A_414 : i32 to vector<16xi32>
      %add3A_416 = arith.addi %add3A_410, %add3A_415 : vector<16xi32>
      tpu.vector_store_idx %arg9[%add3A_416], %get3A_404 {add = true} : memref<1024xf32, #tpu.memory_space<vmem>>[vector<16xi32>], vector<16xf32>,
      %add3A_417 = arith.constant 2 : i32
      %add3A_418 = vector.broadcast %add3A_417 : i32 to vector<16xi32>
      %add3A_419 = arith.addi %add3A_410, %add3A_418 : vector<16xi32>
      tpu.vector_store_idx %arg9[%add3A_419], %get3A_406 {add = true} : memref<1024xf32, #tpu.memory_space<vmem>>[vector<16xi32>], vector<16xf32>,
      %add3A_420 = arith.constant 3 : i32
      %add3A_421 = vector.broadcast %add3A_420 : i32 to vector<16xi32>
      %add3A_422 = arith.addi %add3A_410, %add3A_421 : vector<16xi32>
      tpu.vector_store_idx %arg9[%add3A_422], %add3A_413 {add = true} : memref<1024xf32, #tpu.memory_space<vmem>>[vector<16xi32>], vector<16xf32>,
      %mul3A_423 = arith.constant 4 : i32
      %mul3A_424 = arith.muli %scan3A_394, %mul3A_423 : i32
      %add3A_425 = arith.constant 1 : i32
      %add3A_426 = arith.addi %mul3A_424, %add3A_425 : i32
      %mul3A_427 = arith.constant 16 : i32
      %mul3A_428 = arith.muli %add3A_426, %mul3A_427 : i32
      %get3A_429 = arith.index_cast %mul3A_428 : i32 to index
      %get3A_430 = tpu.vector_load %arg8[%get3A_429] {strides = array<i32>} : memref<8192xi32, #tpu.memory_space<vmem>>, vector<16xi32>,
      %get3A_431 = arith.index_cast %mul3A_428 : i32 to index
      %get3A_432 = tpu.vector_load %arg6[%get3A_431] {strides = array<i32>} : memref<8192xf32, #tpu.memory_space<vmem>>, vector<16xf32>,
      %get3A_433 = arith.index_cast %mul3A_428 : i32 to index
      %get3A_434 = tpu.vector_load %arg7[%get3A_433] {strides = array<i32>} : memref<8192xf32, #tpu.memory_space<vmem>>, vector<16xf32>,
      %mul3A_435 = arith.constant 4 : i32
      %mul3A_436 = vector.broadcast %mul3A_435 : i32 to vector<16xi32>
      %mul3A_437 = arith.muli %get3A_430, %mul3A_436 : vector<16xi32>
      %add3A_438 = arith.addi %mul3A_133, %mul3A_437 : vector<16xi32>
      %mul3A_439 = arith.mulf %get3A_432, %get3A_432 : vector<16xf32>
      %mul3A_440 = arith.mulf %get3A_434, %get3A_434 : vector<16xf32>
      %add3A_441 = arith.addf %mul3A_439, %mul3A_440 : vector<16xf32>
      tpu.vector_store_idx %arg9[%add3A_438], %broadcast_in_dim3A_135 {add = true} : memref<1024xf32, #tpu.memory_space<vmem>>[vector<16xi32>], vector<16xf32>,
      %add3A_442 = arith.constant 1 : i32
      %add3A_443 = vector.broadcast %add3A_442 : i32 to vector<16xi32>
      %add3A_444 = arith.addi %add3A_438, %add3A_443 : vector<16xi32>
      tpu.vector_store_idx %arg9[%add3A_444], %get3A_432 {add = true} : memref<1024xf32, #tpu.memory_space<vmem>>[vector<16xi32>], vector<16xf32>,
      %add3A_445 = arith.constant 2 : i32
      %add3A_446 = vector.broadcast %add3A_445 : i32 to vector<16xi32>
      %add3A_447 = arith.addi %add3A_438, %add3A_446 : vector<16xi32>
      tpu.vector_store_idx %arg9[%add3A_447], %get3A_434 {add = true} : memref<1024xf32, #tpu.memory_space<vmem>>[vector<16xi32>], vector<16xf32>,
      %add3A_448 = arith.constant 3 : i32
      %add3A_449 = vector.broadcast %add3A_448 : i32 to vector<16xi32>
      %add3A_450 = arith.addi %add3A_438, %add3A_449 : vector<16xi32>
      tpu.vector_store_idx %arg9[%add3A_450], %add3A_441 {add = true} : memref<1024xf32, #tpu.memory_space<vmem>>[vector<16xi32>], vector<16xf32>,
      %mul3A_451 = arith.constant 4 : i32
      %mul3A_452 = arith.muli %scan3A_394, %mul3A_451 : i32
      %add3A_453 = arith.constant 2 : i32
      %add3A_454 = arith.addi %mul3A_452, %add3A_453 : i32
      %mul3A_455 = arith.constant 16 : i32
      %mul3A_456 = arith.muli %add3A_454, %mul3A_455 : i32
      %get3A_457 = arith.index_cast %mul3A_456 : i32 to index
      %get3A_458 = tpu.vector_load %arg8[%get3A_457] {strides = array<i32>} : memref<8192xi32, #tpu.memory_space<vmem>>, vector<16xi32>,
      %get3A_459 = arith.index_cast %mul3A_456 : i32 to index
      %get3A_460 = tpu.vector_load %arg6[%get3A_459] {strides = array<i32>} : memref<8192xf32, #tpu.memory_space<vmem>>, vector<16xf32>,
      %get3A_461 = arith.index_cast %mul3A_456 : i32 to index
      %get3A_462 = tpu.vector_load %arg7[%get3A_461] {strides = array<i32>} : memref<8192xf32, #tpu.memory_space<vmem>>, vector<16xf32>,
      %mul3A_463 = arith.constant 4 : i32
      %mul3A_464 = vector.broadcast %mul3A_463 : i32 to vector<16xi32>
      %mul3A_465 = arith.muli %get3A_458, %mul3A_464 : vector<16xi32>
      %add3A_466 = arith.addi %mul3A_133, %mul3A_465 : vector<16xi32>
      %mul3A_467 = arith.mulf %get3A_460, %get3A_460 : vector<16xf32>
      %mul3A_468 = arith.mulf %get3A_462, %get3A_462 : vector<16xf32>
      %add3A_469 = arith.addf %mul3A_467, %mul3A_468 : vector<16xf32>
      tpu.vector_store_idx %arg9[%add3A_466], %broadcast_in_dim3A_135 {add = true} : memref<1024xf32, #tpu.memory_space<vmem>>[vector<16xi32>], vector<16xf32>,
      %add3A_470 = arith.constant 1 : i32
      %add3A_471 = vector.broadcast %add3A_470 : i32 to vector<16xi32>
      %add3A_472 = arith.addi %add3A_466, %add3A_471 : vector<16xi32>
      tpu.vector_store_idx %arg9[%add3A_472], %get3A_460 {add = true} : memref<1024xf32, #tpu.memory_space<vmem>>[vector<16xi32>], vector<16xf32>,
      %add3A_473 = arith.constant 2 : i32
      %add3A_474 = vector.broadcast %add3A_473 : i32 to vector<16xi32>
      %add3A_475 = arith.addi %add3A_466, %add3A_474 : vector<16xi32>
      tpu.vector_store_idx %arg9[%add3A_475], %get3A_462 {add = true} : memref<1024xf32, #tpu.memory_space<vmem>>[vector<16xi32>], vector<16xf32>,
      %add3A_476 = arith.constant 3 : i32
      %add3A_477 = vector.broadcast %add3A_476 : i32 to vector<16xi32>
      %add3A_478 = arith.addi %add3A_466, %add3A_477 : vector<16xi32>
      tpu.vector_store_idx %arg9[%add3A_478], %add3A_469 {add = true} : memref<1024xf32, #tpu.memory_space<vmem>>[vector<16xi32>], vector<16xf32>,
      %mul3A_479 = arith.constant 4 : i32
      %mul3A_480 = arith.muli %scan3A_394, %mul3A_479 : i32
      %add3A_481 = arith.constant 3 : i32
      %add3A_482 = arith.addi %mul3A_480, %add3A_481 : i32
      %mul3A_483 = arith.constant 16 : i32
      %mul3A_484 = arith.muli %add3A_482, %mul3A_483 : i32
      %get3A_485 = arith.index_cast %mul3A_484 : i32 to index
      %get3A_486 = tpu.vector_load %arg8[%get3A_485] {strides = array<i32>} : memref<8192xi32, #tpu.memory_space<vmem>>, vector<16xi32>,
      %get3A_487 = arith.index_cast %mul3A_484 : i32 to index
      %get3A_488 = tpu.vector_load %arg6[%get3A_487] {strides = array<i32>} : memref<8192xf32, #tpu.memory_space<vmem>>, vector<16xf32>,
      %get3A_489 = arith.index_cast %mul3A_484 : i32 to index
      %get3A_490 = tpu.vector_load %arg7[%get3A_489] {strides = array<i32>} : memref<8192xf32, #tpu.memory_space<vmem>>, vector<16xf32>,
      %mul3A_491 = arith.constant 4 : i32
      %mul3A_492 = vector.broadcast %mul3A_491 : i32 to vector<16xi32>
      %mul3A_493 = arith.muli %get3A_486, %mul3A_492 : vector<16xi32>
      %add3A_494 = arith.addi %mul3A_133, %mul3A_493 : vector<16xi32>
      %mul3A_495 = arith.mulf %get3A_488, %get3A_488 : vector<16xf32>
      %mul3A_496 = arith.mulf %get3A_490, %get3A_490 : vector<16xf32>
      %add3A_497 = arith.addf %mul3A_495, %mul3A_496 : vector<16xf32>
      tpu.vector_store_idx %arg9[%add3A_494], %broadcast_in_dim3A_135 {add = true} : memref<1024xf32, #tpu.memory_space<vmem>>[vector<16xi32>], vector<16xf32>,
      %add3A_498 = arith.constant 1 : i32
      %add3A_499 = vector.broadcast %add3A_498 : i32 to vector<16xi32>
      %add3A_500 = arith.addi %add3A_494, %add3A_499 : vector<16xi32>
      tpu.vector_store_idx %arg9[%add3A_500], %get3A_488 {add = true} : memref<1024xf32, #tpu.memory_space<vmem>>[vector<16xi32>], vector<16xf32>,
      %add3A_501 = arith.constant 2 : i32
      %add3A_502 = vector.broadcast %add3A_501 : i32 to vector<16xi32>
      %add3A_503 = arith.addi %add3A_494, %add3A_502 : vector<16xi32>
      tpu.vector_store_idx %arg9[%add3A_503], %get3A_490 {add = true} : memref<1024xf32, #tpu.memory_space<vmem>>[vector<16xi32>], vector<16xf32>,
      %add3A_504 = arith.constant 3 : i32
      %add3A_505 = vector.broadcast %add3A_504 : i32 to vector<16xi32>
      %add3A_506 = arith.addi %add3A_494, %add3A_505 : vector<16xi32>
      tpu.vector_store_idx %arg9[%add3A_506], %add3A_497 {add = true} : memref<1024xf32, #tpu.memory_space<vmem>>[vector<16xi32>], vector<16xf32>,
    }
    %scan3A_158 = arith.constant 128 : i32
    %add3A_159 = arith.constant 24576 : i32
    %add3A_160 = arith.addi %mul3A_2, %add3A_159 : i32
    "tpu.region"() ({
      %run_scoped3A = tpu.sem_alloc : memref<!tpu.dma_semaphore, #tpu.memory_space<semaphore_mem>>
      %dma_start3A = tpu.memref_slice %arg2[%add3A_160] : memref<2097152xf32, #tpu.memory_space<hbm>> -> memref<8192xf32, #tpu.memory_space<hbm>>
      %dma_start3A_394 = tpu.memref_slice %arg2[%add3A_160] : memref<2097152xf32, #tpu.memory_space<hbm>> -> memref<8192xf32, #tpu.memory_space<hbm>>
      tpu.enqueue_dma source(%dma_start3A_394 : memref<8192xf32, #tpu.memory_space<hbm>>) target(%arg6 : memref<8192xf32, #tpu.memory_space<vmem>>) target_semaphore(%run_scoped3A : memref<!tpu.dma_semaphore, #tpu.memory_space<semaphore_mem>>)
      %dma_wait3A = tpu.memref_slice %arg2[%add3A_160] : memref<2097152xf32, #tpu.memory_space<hbm>> -> memref<8192xf32, #tpu.memory_space<hbm>>
      %dma_wait3A_395 = tpu.memref_slice %arg2[%add3A_160] : memref<2097152xf32, #tpu.memory_space<hbm>> -> memref<8192xf32, #tpu.memory_space<hbm>>
      tpu.wait_dma2 semaphore(%run_scoped3A : memref<!tpu.dma_semaphore, #tpu.memory_space<semaphore_mem>>) src(%dma_wait3A_395 : memref<8192xf32, #tpu.memory_space<hbm>>) dst(%arg6 : memref<8192xf32, #tpu.memory_space<vmem>>)
      tpu.yield
    }) : () -> ()
    "tpu.region"() ({
      %run_scoped3A = tpu.sem_alloc : memref<!tpu.dma_semaphore, #tpu.memory_space<semaphore_mem>>
      %dma_start3A = tpu.memref_slice %arg3[%add3A_160] : memref<2097152xf32, #tpu.memory_space<hbm>> -> memref<8192xf32, #tpu.memory_space<hbm>>
      %dma_start3A_394 = tpu.memref_slice %arg3[%add3A_160] : memref<2097152xf32, #tpu.memory_space<hbm>> -> memref<8192xf32, #tpu.memory_space<hbm>>
      tpu.enqueue_dma source(%dma_start3A_394 : memref<8192xf32, #tpu.memory_space<hbm>>) target(%arg7 : memref<8192xf32, #tpu.memory_space<vmem>>) target_semaphore(%run_scoped3A : memref<!tpu.dma_semaphore, #tpu.memory_space<semaphore_mem>>)
      %dma_wait3A = tpu.memref_slice %arg3[%add3A_160] : memref<2097152xf32, #tpu.memory_space<hbm>> -> memref<8192xf32, #tpu.memory_space<hbm>>
      %dma_wait3A_395 = tpu.memref_slice %arg3[%add3A_160] : memref<2097152xf32, #tpu.memory_space<hbm>> -> memref<8192xf32, #tpu.memory_space<hbm>>
      tpu.wait_dma2 semaphore(%run_scoped3A : memref<!tpu.dma_semaphore, #tpu.memory_space<semaphore_mem>>) src(%dma_wait3A_395 : memref<8192xf32, #tpu.memory_space<hbm>>) dst(%arg7 : memref<8192xf32, #tpu.memory_space<vmem>>)
      tpu.yield
    }) : () -> ()
    "tpu.region"() ({
      %run_scoped3A = tpu.sem_alloc : memref<!tpu.dma_semaphore, #tpu.memory_space<semaphore_mem>>
      %dma_start3A = tpu.memref_slice %arg4[%add3A_160] : memref<2097152xi32, #tpu.memory_space<hbm>> -> memref<8192xi32, #tpu.memory_space<hbm>>
      %dma_start3A_394 = tpu.memref_slice %arg4[%add3A_160] : memref<2097152xi32, #tpu.memory_space<hbm>> -> memref<8192xi32, #tpu.memory_space<hbm>>
      tpu.enqueue_dma source(%dma_start3A_394 : memref<8192xi32, #tpu.memory_space<hbm>>) target(%arg8 : memref<8192xi32, #tpu.memory_space<vmem>>) target_semaphore(%run_scoped3A : memref<!tpu.dma_semaphore, #tpu.memory_space<semaphore_mem>>)
      %dma_wait3A = tpu.memref_slice %arg4[%add3A_160] : memref<2097152xi32, #tpu.memory_space<hbm>> -> memref<8192xi32, #tpu.memory_space<hbm>>
      %dma_wait3A_395 = tpu.memref_slice %arg4[%add3A_160] : memref<2097152xi32, #tpu.memory_space<hbm>> -> memref<8192xi32, #tpu.memory_space<hbm>>
      tpu.wait_dma2 semaphore(%run_scoped3A : memref<!tpu.dma_semaphore, #tpu.memory_space<semaphore_mem>>) src(%dma_wait3A_395 : memref<8192xi32, #tpu.memory_space<hbm>>) dst(%arg8 : memref<8192xi32, #tpu.memory_space<vmem>>)
      tpu.yield
    }) : () -> ()
    %scan3A_161 = arith.constant 0 : i32
    %scan3A_162 = arith.constant 0 : i32
    %scan3A_163 = arith.constant 128 : i32
    %scan3A_164 = arith.addi %scan3A_162, %scan3A_163 : i32
    %scan3A_165 = arith.constant 1 : i32
    scf.for %scan3A_394 = %scan3A_162 to %scan3A_164 step %scan3A_165  : i32 {
      %mul3A_395 = arith.constant 4 : i32
      %mul3A_396 = arith.muli %scan3A_394, %mul3A_395 : i32
      %add3A_397 = arith.constant 0 : i32
      %add3A_398 = arith.addi %mul3A_396, %add3A_397 : i32
      %mul3A_399 = arith.constant 16 : i32
      %mul3A_400 = arith.muli %add3A_398, %mul3A_399 : i32
      %get3A_401 = arith.index_cast %mul3A_400 : i32 to index
      %get3A_402 = tpu.vector_load %arg8[%get3A_401] {strides = array<i32>} : memref<8192xi32, #tpu.memory_space<vmem>>, vector<16xi32>,
      %get3A_403 = arith.index_cast %mul3A_400 : i32 to index
      %get3A_404 = tpu.vector_load %arg6[%get3A_403] {strides = array<i32>} : memref<8192xf32, #tpu.memory_space<vmem>>, vector<16xf32>,
      %get3A_405 = arith.index_cast %mul3A_400 : i32 to index
      %get3A_406 = tpu.vector_load %arg7[%get3A_405] {strides = array<i32>} : memref<8192xf32, #tpu.memory_space<vmem>>, vector<16xf32>,
      %mul3A_407 = arith.constant 4 : i32
      %mul3A_408 = vector.broadcast %mul3A_407 : i32 to vector<16xi32>
      %mul3A_409 = arith.muli %get3A_402, %mul3A_408 : vector<16xi32>
      %add3A_410 = arith.addi %mul3A_133, %mul3A_409 : vector<16xi32>
      %mul3A_411 = arith.mulf %get3A_404, %get3A_404 : vector<16xf32>
      %mul3A_412 = arith.mulf %get3A_406, %get3A_406 : vector<16xf32>
      %add3A_413 = arith.addf %mul3A_411, %mul3A_412 : vector<16xf32>
      tpu.vector_store_idx %arg9[%add3A_410], %broadcast_in_dim3A_135 {add = true} : memref<1024xf32, #tpu.memory_space<vmem>>[vector<16xi32>], vector<16xf32>,
      %add3A_414 = arith.constant 1 : i32
      %add3A_415 = vector.broadcast %add3A_414 : i32 to vector<16xi32>
      %add3A_416 = arith.addi %add3A_410, %add3A_415 : vector<16xi32>
      tpu.vector_store_idx %arg9[%add3A_416], %get3A_404 {add = true} : memref<1024xf32, #tpu.memory_space<vmem>>[vector<16xi32>], vector<16xf32>,
      %add3A_417 = arith.constant 2 : i32
      %add3A_418 = vector.broadcast %add3A_417 : i32 to vector<16xi32>
      %add3A_419 = arith.addi %add3A_410, %add3A_418 : vector<16xi32>
      tpu.vector_store_idx %arg9[%add3A_419], %get3A_406 {add = true} : memref<1024xf32, #tpu.memory_space<vmem>>[vector<16xi32>], vector<16xf32>,
      %add3A_420 = arith.constant 3 : i32
      %add3A_421 = vector.broadcast %add3A_420 : i32 to vector<16xi32>
      %add3A_422 = arith.addi %add3A_410, %add3A_421 : vector<16xi32>
      tpu.vector_store_idx %arg9[%add3A_422], %add3A_413 {add = true} : memref<1024xf32, #tpu.memory_space<vmem>>[vector<16xi32>], vector<16xf32>,
      %mul3A_423 = arith.constant 4 : i32
      %mul3A_424 = arith.muli %scan3A_394, %mul3A_423 : i32
      %add3A_425 = arith.constant 1 : i32
      %add3A_426 = arith.addi %mul3A_424, %add3A_425 : i32
      %mul3A_427 = arith.constant 16 : i32
      %mul3A_428 = arith.muli %add3A_426, %mul3A_427 : i32
      %get3A_429 = arith.index_cast %mul3A_428 : i32 to index
      %get3A_430 = tpu.vector_load %arg8[%get3A_429] {strides = array<i32>} : memref<8192xi32, #tpu.memory_space<vmem>>, vector<16xi32>,
      %get3A_431 = arith.index_cast %mul3A_428 : i32 to index
      %get3A_432 = tpu.vector_load %arg6[%get3A_431] {strides = array<i32>} : memref<8192xf32, #tpu.memory_space<vmem>>, vector<16xf32>,
      %get3A_433 = arith.index_cast %mul3A_428 : i32 to index
      %get3A_434 = tpu.vector_load %arg7[%get3A_433] {strides = array<i32>} : memref<8192xf32, #tpu.memory_space<vmem>>, vector<16xf32>,
      %mul3A_435 = arith.constant 4 : i32
      %mul3A_436 = vector.broadcast %mul3A_435 : i32 to vector<16xi32>
      %mul3A_437 = arith.muli %get3A_430, %mul3A_436 : vector<16xi32>
      %add3A_438 = arith.addi %mul3A_133, %mul3A_437 : vector<16xi32>
      %mul3A_439 = arith.mulf %get3A_432, %get3A_432 : vector<16xf32>
      %mul3A_440 = arith.mulf %get3A_434, %get3A_434 : vector<16xf32>
      %add3A_441 = arith.addf %mul3A_439, %mul3A_440 : vector<16xf32>
      tpu.vector_store_idx %arg9[%add3A_438], %broadcast_in_dim3A_135 {add = true} : memref<1024xf32, #tpu.memory_space<vmem>>[vector<16xi32>], vector<16xf32>,
      %add3A_442 = arith.constant 1 : i32
      %add3A_443 = vector.broadcast %add3A_442 : i32 to vector<16xi32>
      %add3A_444 = arith.addi %add3A_438, %add3A_443 : vector<16xi32>
      tpu.vector_store_idx %arg9[%add3A_444], %get3A_432 {add = true} : memref<1024xf32, #tpu.memory_space<vmem>>[vector<16xi32>], vector<16xf32>,
      %add3A_445 = arith.constant 2 : i32
      %add3A_446 = vector.broadcast %add3A_445 : i32 to vector<16xi32>
      %add3A_447 = arith.addi %add3A_438, %add3A_446 : vector<16xi32>
      tpu.vector_store_idx %arg9[%add3A_447], %get3A_434 {add = true} : memref<1024xf32, #tpu.memory_space<vmem>>[vector<16xi32>], vector<16xf32>,
      %add3A_448 = arith.constant 3 : i32
      %add3A_449 = vector.broadcast %add3A_448 : i32 to vector<16xi32>
      %add3A_450 = arith.addi %add3A_438, %add3A_449 : vector<16xi32>
      tpu.vector_store_idx %arg9[%add3A_450], %add3A_441 {add = true} : memref<1024xf32, #tpu.memory_space<vmem>>[vector<16xi32>], vector<16xf32>,
      %mul3A_451 = arith.constant 4 : i32
      %mul3A_452 = arith.muli %scan3A_394, %mul3A_451 : i32
      %add3A_453 = arith.constant 2 : i32
      %add3A_454 = arith.addi %mul3A_452, %add3A_453 : i32
      %mul3A_455 = arith.constant 16 : i32
      %mul3A_456 = arith.muli %add3A_454, %mul3A_455 : i32
      %get3A_457 = arith.index_cast %mul3A_456 : i32 to index
      %get3A_458 = tpu.vector_load %arg8[%get3A_457] {strides = array<i32>} : memref<8192xi32, #tpu.memory_space<vmem>>, vector<16xi32>,
      %get3A_459 = arith.index_cast %mul3A_456 : i32 to index
      %get3A_460 = tpu.vector_load %arg6[%get3A_459] {strides = array<i32>} : memref<8192xf32, #tpu.memory_space<vmem>>, vector<16xf32>,
      %get3A_461 = arith.index_cast %mul3A_456 : i32 to index
      %get3A_462 = tpu.vector_load %arg7[%get3A_461] {strides = array<i32>} : memref<8192xf32, #tpu.memory_space<vmem>>, vector<16xf32>,
      %mul3A_463 = arith.constant 4 : i32
      %mul3A_464 = vector.broadcast %mul3A_463 : i32 to vector<16xi32>
      %mul3A_465 = arith.muli %get3A_458, %mul3A_464 : vector<16xi32>
      %add3A_466 = arith.addi %mul3A_133, %mul3A_465 : vector<16xi32>
      %mul3A_467 = arith.mulf %get3A_460, %get3A_460 : vector<16xf32>
      %mul3A_468 = arith.mulf %get3A_462, %get3A_462 : vector<16xf32>
      %add3A_469 = arith.addf %mul3A_467, %mul3A_468 : vector<16xf32>
      tpu.vector_store_idx %arg9[%add3A_466], %broadcast_in_dim3A_135 {add = true} : memref<1024xf32, #tpu.memory_space<vmem>>[vector<16xi32>], vector<16xf32>,
      %add3A_470 = arith.constant 1 : i32
      %add3A_471 = vector.broadcast %add3A_470 : i32 to vector<16xi32>
      %add3A_472 = arith.addi %add3A_466, %add3A_471 : vector<16xi32>
      tpu.vector_store_idx %arg9[%add3A_472], %get3A_460 {add = true} : memref<1024xf32, #tpu.memory_space<vmem>>[vector<16xi32>], vector<16xf32>,
      %add3A_473 = arith.constant 2 : i32
      %add3A_474 = vector.broadcast %add3A_473 : i32 to vector<16xi32>
      %add3A_475 = arith.addi %add3A_466, %add3A_474 : vector<16xi32>
      tpu.vector_store_idx %arg9[%add3A_475], %get3A_462 {add = true} : memref<1024xf32, #tpu.memory_space<vmem>>[vector<16xi32>], vector<16xf32>,
      %add3A_476 = arith.constant 3 : i32
      %add3A_477 = vector.broadcast %add3A_476 : i32 to vector<16xi32>
      %add3A_478 = arith.addi %add3A_466, %add3A_477 : vector<16xi32>
      tpu.vector_store_idx %arg9[%add3A_478], %add3A_469 {add = true} : memref<1024xf32, #tpu.memory_space<vmem>>[vector<16xi32>], vector<16xf32>,
      %mul3A_479 = arith.constant 4 : i32
      %mul3A_480 = arith.muli %scan3A_394, %mul3A_479 : i32
      %add3A_481 = arith.constant 3 : i32
      %add3A_482 = arith.addi %mul3A_480, %add3A_481 : i32
      %mul3A_483 = arith.constant 16 : i32
      %mul3A_484 = arith.muli %add3A_482, %mul3A_483 : i32
      %get3A_485 = arith.index_cast %mul3A_484 : i32 to index
      %get3A_486 = tpu.vector_load %arg8[%get3A_485] {strides = array<i32>} : memref<8192xi32, #tpu.memory_space<vmem>>, vector<16xi32>,
      %get3A_487 = arith.index_cast %mul3A_484 : i32 to index
      %get3A_488 = tpu.vector_load %arg6[%get3A_487] {strides = array<i32>} : memref<8192xf32, #tpu.memory_space<vmem>>, vector<16xf32>,
      %get3A_489 = arith.index_cast %mul3A_484 : i32 to index
      %get3A_490 = tpu.vector_load %arg7[%get3A_489] {strides = array<i32>} : memref<8192xf32, #tpu.memory_space<vmem>>, vector<16xf32>,
      %mul3A_491 = arith.constant 4 : i32
      %mul3A_492 = vector.broadcast %mul3A_491 : i32 to vector<16xi32>
      %mul3A_493 = arith.muli %get3A_486, %mul3A_492 : vector<16xi32>
      %add3A_494 = arith.addi %mul3A_133, %mul3A_493 : vector<16xi32>
      %mul3A_495 = arith.mulf %get3A_488, %get3A_488 : vector<16xf32>
      %mul3A_496 = arith.mulf %get3A_490, %get3A_490 : vector<16xf32>
      %add3A_497 = arith.addf %mul3A_495, %mul3A_496 : vector<16xf32>
      tpu.vector_store_idx %arg9[%add3A_494], %broadcast_in_dim3A_135 {add = true} : memref<1024xf32, #tpu.memory_space<vmem>>[vector<16xi32>], vector<16xf32>,
      %add3A_498 = arith.constant 1 : i32
      %add3A_499 = vector.broadcast %add3A_498 : i32 to vector<16xi32>
      %add3A_500 = arith.addi %add3A_494, %add3A_499 : vector<16xi32>
      tpu.vector_store_idx %arg9[%add3A_500], %get3A_488 {add = true} : memref<1024xf32, #tpu.memory_space<vmem>>[vector<16xi32>], vector<16xf32>,
      %add3A_501 = arith.constant 2 : i32
      %add3A_502 = vector.broadcast %add3A_501 : i32 to vector<16xi32>
      %add3A_503 = arith.addi %add3A_494, %add3A_502 : vector<16xi32>
      tpu.vector_store_idx %arg9[%add3A_503], %get3A_490 {add = true} : memref<1024xf32, #tpu.memory_space<vmem>>[vector<16xi32>], vector<16xf32>,
      %add3A_504 = arith.constant 3 : i32
      %add3A_505 = vector.broadcast %add3A_504 : i32 to vector<16xi32>
      %add3A_506 = arith.addi %add3A_494, %add3A_505 : vector<16xi32>
      tpu.vector_store_idx %arg9[%add3A_506], %add3A_497 {add = true} : memref<1024xf32, #tpu.memory_space<vmem>>[vector<16xi32>], vector<16xf32>,
    }
    %scan3A_166 = arith.constant 128 : i32
    %add3A_167 = arith.constant 32768 : i32
    %add3A_168 = arith.addi %mul3A_2, %add3A_167 : i32
    "tpu.region"() ({
      %run_scoped3A = tpu.sem_alloc : memref<!tpu.dma_semaphore, #tpu.memory_space<semaphore_mem>>
      %dma_start3A = tpu.memref_slice %arg2[%add3A_168] : memref<2097152xf32, #tpu.memory_space<hbm>> -> memref<8192xf32, #tpu.memory_space<hbm>>
      %dma_start3A_394 = tpu.memref_slice %arg2[%add3A_168] : memref<2097152xf32, #tpu.memory_space<hbm>> -> memref<8192xf32, #tpu.memory_space<hbm>>
      tpu.enqueue_dma source(%dma_start3A_394 : memref<8192xf32, #tpu.memory_space<hbm>>) target(%arg6 : memref<8192xf32, #tpu.memory_space<vmem>>) target_semaphore(%run_scoped3A : memref<!tpu.dma_semaphore, #tpu.memory_space<semaphore_mem>>)
      %dma_wait3A = tpu.memref_slice %arg2[%add3A_168] : memref<2097152xf32, #tpu.memory_space<hbm>> -> memref<8192xf32, #tpu.memory_space<hbm>>
      %dma_wait3A_395 = tpu.memref_slice %arg2[%add3A_168] : memref<2097152xf32, #tpu.memory_space<hbm>> -> memref<8192xf32, #tpu.memory_space<hbm>>
      tpu.wait_dma2 semaphore(%run_scoped3A : memref<!tpu.dma_semaphore, #tpu.memory_space<semaphore_mem>>) src(%dma_wait3A_395 : memref<8192xf32, #tpu.memory_space<hbm>>) dst(%arg6 : memref<8192xf32, #tpu.memory_space<vmem>>)
      tpu.yield
    }) : () -> ()
    "tpu.region"() ({
      %run_scoped3A = tpu.sem_alloc : memref<!tpu.dma_semaphore, #tpu.memory_space<semaphore_mem>>
      %dma_start3A = tpu.memref_slice %arg3[%add3A_168] : memref<2097152xf32, #tpu.memory_space<hbm>> -> memref<8192xf32, #tpu.memory_space<hbm>>
      %dma_start3A_394 = tpu.memref_slice %arg3[%add3A_168] : memref<2097152xf32, #tpu.memory_space<hbm>> -> memref<8192xf32, #tpu.memory_space<hbm>>
      tpu.enqueue_dma source(%dma_start3A_394 : memref<8192xf32, #tpu.memory_space<hbm>>) target(%arg7 : memref<8192xf32, #tpu.memory_space<vmem>>) target_semaphore(%run_scoped3A : memref<!tpu.dma_semaphore, #tpu.memory_space<semaphore_mem>>)
      %dma_wait3A = tpu.memref_slice %arg3[%add3A_168] : memref<2097152xf32, #tpu.memory_space<hbm>> -> memref<8192xf32, #tpu.memory_space<hbm>>
      %dma_wait3A_395 = tpu.memref_slice %arg3[%add3A_168] : memref<2097152xf32, #tpu.memory_space<hbm>> -> memref<8192xf32, #tpu.memory_space<hbm>>
      tpu.wait_dma2 semaphore(%run_scoped3A : memref<!tpu.dma_semaphore, #tpu.memory_space<semaphore_mem>>) src(%dma_wait3A_395 : memref<8192xf32, #tpu.memory_space<hbm>>) dst(%arg7 : memref<8192xf32, #tpu.memory_space<vmem>>)
      tpu.yield
    }) : () -> ()
    "tpu.region"() ({
      %run_scoped3A = tpu.sem_alloc : memref<!tpu.dma_semaphore, #tpu.memory_space<semaphore_mem>>
      %dma_start3A = tpu.memref_slice %arg4[%add3A_168] : memref<2097152xi32, #tpu.memory_space<hbm>> -> memref<8192xi32, #tpu.memory_space<hbm>>
      %dma_start3A_394 = tpu.memref_slice %arg4[%add3A_168] : memref<2097152xi32, #tpu.memory_space<hbm>> -> memref<8192xi32, #tpu.memory_space<hbm>>
      tpu.enqueue_dma source(%dma_start3A_394 : memref<8192xi32, #tpu.memory_space<hbm>>) target(%arg8 : memref<8192xi32, #tpu.memory_space<vmem>>) target_semaphore(%run_scoped3A : memref<!tpu.dma_semaphore, #tpu.memory_space<semaphore_mem>>)
      %dma_wait3A = tpu.memref_slice %arg4[%add3A_168] : memref<2097152xi32, #tpu.memory_space<hbm>> -> memref<8192xi32, #tpu.memory_space<hbm>>
      %dma_wait3A_395 = tpu.memref_slice %arg4[%add3A_168] : memref<2097152xi32, #tpu.memory_space<hbm>> -> memref<8192xi32, #tpu.memory_space<hbm>>
      tpu.wait_dma2 semaphore(%run_scoped3A : memref<!tpu.dma_semaphore, #tpu.memory_space<semaphore_mem>>) src(%dma_wait3A_395 : memref<8192xi32, #tpu.memory_space<hbm>>) dst(%arg8 : memref<8192xi32, #tpu.memory_space<vmem>>)
      tpu.yield
    }) : () -> ()
    %scan3A_169 = arith.constant 0 : i32
    %scan3A_170 = arith.constant 0 : i32
    %scan3A_171 = arith.constant 128 : i32
    %scan3A_172 = arith.addi %scan3A_170, %scan3A_171 : i32
    %scan3A_173 = arith.constant 1 : i32
    scf.for %scan3A_394 = %scan3A_170 to %scan3A_172 step %scan3A_173  : i32 {
      %mul3A_395 = arith.constant 4 : i32
      %mul3A_396 = arith.muli %scan3A_394, %mul3A_395 : i32
      %add3A_397 = arith.constant 0 : i32
      %add3A_398 = arith.addi %mul3A_396, %add3A_397 : i32
      %mul3A_399 = arith.constant 16 : i32
      %mul3A_400 = arith.muli %add3A_398, %mul3A_399 : i32
      %get3A_401 = arith.index_cast %mul3A_400 : i32 to index
      %get3A_402 = tpu.vector_load %arg8[%get3A_401] {strides = array<i32>} : memref<8192xi32, #tpu.memory_space<vmem>>, vector<16xi32>,
      %get3A_403 = arith.index_cast %mul3A_400 : i32 to index
      %get3A_404 = tpu.vector_load %arg6[%get3A_403] {strides = array<i32>} : memref<8192xf32, #tpu.memory_space<vmem>>, vector<16xf32>,
      %get3A_405 = arith.index_cast %mul3A_400 : i32 to index
      %get3A_406 = tpu.vector_load %arg7[%get3A_405] {strides = array<i32>} : memref<8192xf32, #tpu.memory_space<vmem>>, vector<16xf32>,
      %mul3A_407 = arith.constant 4 : i32
      %mul3A_408 = vector.broadcast %mul3A_407 : i32 to vector<16xi32>
      %mul3A_409 = arith.muli %get3A_402, %mul3A_408 : vector<16xi32>
      %add3A_410 = arith.addi %mul3A_133, %mul3A_409 : vector<16xi32>
      %mul3A_411 = arith.mulf %get3A_404, %get3A_404 : vector<16xf32>
      %mul3A_412 = arith.mulf %get3A_406, %get3A_406 : vector<16xf32>
      %add3A_413 = arith.addf %mul3A_411, %mul3A_412 : vector<16xf32>
      tpu.vector_store_idx %arg9[%add3A_410], %broadcast_in_dim3A_135 {add = true} : memref<1024xf32, #tpu.memory_space<vmem>>[vector<16xi32>], vector<16xf32>,
      %add3A_414 = arith.constant 1 : i32
      %add3A_415 = vector.broadcast %add3A_414 : i32 to vector<16xi32>
      %add3A_416 = arith.addi %add3A_410, %add3A_415 : vector<16xi32>
      tpu.vector_store_idx %arg9[%add3A_416], %get3A_404 {add = true} : memref<1024xf32, #tpu.memory_space<vmem>>[vector<16xi32>], vector<16xf32>,
      %add3A_417 = arith.constant 2 : i32
      %add3A_418 = vector.broadcast %add3A_417 : i32 to vector<16xi32>
      %add3A_419 = arith.addi %add3A_410, %add3A_418 : vector<16xi32>
      tpu.vector_store_idx %arg9[%add3A_419], %get3A_406 {add = true} : memref<1024xf32, #tpu.memory_space<vmem>>[vector<16xi32>], vector<16xf32>,
      %add3A_420 = arith.constant 3 : i32
      %add3A_421 = vector.broadcast %add3A_420 : i32 to vector<16xi32>
      %add3A_422 = arith.addi %add3A_410, %add3A_421 : vector<16xi32>
      tpu.vector_store_idx %arg9[%add3A_422], %add3A_413 {add = true} : memref<1024xf32, #tpu.memory_space<vmem>>[vector<16xi32>], vector<16xf32>,
      %mul3A_423 = arith.constant 4 : i32
      %mul3A_424 = arith.muli %scan3A_394, %mul3A_423 : i32
      %add3A_425 = arith.constant 1 : i32
      %add3A_426 = arith.addi %mul3A_424, %add3A_425 : i32
      %mul3A_427 = arith.constant 16 : i32
      %mul3A_428 = arith.muli %add3A_426, %mul3A_427 : i32
      %get3A_429 = arith.index_cast %mul3A_428 : i32 to index
      %get3A_430 = tpu.vector_load %arg8[%get3A_429] {strides = array<i32>} : memref<8192xi32, #tpu.memory_space<vmem>>, vector<16xi32>,
      %get3A_431 = arith.index_cast %mul3A_428 : i32 to index
      %get3A_432 = tpu.vector_load %arg6[%get3A_431] {strides = array<i32>} : memref<8192xf32, #tpu.memory_space<vmem>>, vector<16xf32>,
      %get3A_433 = arith.index_cast %mul3A_428 : i32 to index
      %get3A_434 = tpu.vector_load %arg7[%get3A_433] {strides = array<i32>} : memref<8192xf32, #tpu.memory_space<vmem>>, vector<16xf32>,
      %mul3A_435 = arith.constant 4 : i32
      %mul3A_436 = vector.broadcast %mul3A_435 : i32 to vector<16xi32>
      %mul3A_437 = arith.muli %get3A_430, %mul3A_436 : vector<16xi32>
      %add3A_438 = arith.addi %mul3A_133, %mul3A_437 : vector<16xi32>
      %mul3A_439 = arith.mulf %get3A_432, %get3A_432 : vector<16xf32>
      %mul3A_440 = arith.mulf %get3A_434, %get3A_434 : vector<16xf32>
      %add3A_441 = arith.addf %mul3A_439, %mul3A_440 : vector<16xf32>
      tpu.vector_store_idx %arg9[%add3A_438], %broadcast_in_dim3A_135 {add = true} : memref<1024xf32, #tpu.memory_space<vmem>>[vector<16xi32>], vector<16xf32>,
      %add3A_442 = arith.constant 1 : i32
      %add3A_443 = vector.broadcast %add3A_442 : i32 to vector<16xi32>
      %add3A_444 = arith.addi %add3A_438, %add3A_443 : vector<16xi32>
      tpu.vector_store_idx %arg9[%add3A_444], %get3A_432 {add = true} : memref<1024xf32, #tpu.memory_space<vmem>>[vector<16xi32>], vector<16xf32>,
      %add3A_445 = arith.constant 2 : i32
      %add3A_446 = vector.broadcast %add3A_445 : i32 to vector<16xi32>
      %add3A_447 = arith.addi %add3A_438, %add3A_446 : vector<16xi32>
      tpu.vector_store_idx %arg9[%add3A_447], %get3A_434 {add = true} : memref<1024xf32, #tpu.memory_space<vmem>>[vector<16xi32>], vector<16xf32>,
      %add3A_448 = arith.constant 3 : i32
      %add3A_449 = vector.broadcast %add3A_448 : i32 to vector<16xi32>
      %add3A_450 = arith.addi %add3A_438, %add3A_449 : vector<16xi32>
      tpu.vector_store_idx %arg9[%add3A_450], %add3A_441 {add = true} : memref<1024xf32, #tpu.memory_space<vmem>>[vector<16xi32>], vector<16xf32>,
      %mul3A_451 = arith.constant 4 : i32
      %mul3A_452 = arith.muli %scan3A_394, %mul3A_451 : i32
      %add3A_453 = arith.constant 2 : i32
      %add3A_454 = arith.addi %mul3A_452, %add3A_453 : i32
      %mul3A_455 = arith.constant 16 : i32
      %mul3A_456 = arith.muli %add3A_454, %mul3A_455 : i32
      %get3A_457 = arith.index_cast %mul3A_456 : i32 to index
      %get3A_458 = tpu.vector_load %arg8[%get3A_457] {strides = array<i32>} : memref<8192xi32, #tpu.memory_space<vmem>>, vector<16xi32>,
      %get3A_459 = arith.index_cast %mul3A_456 : i32 to index
      %get3A_460 = tpu.vector_load %arg6[%get3A_459] {strides = array<i32>} : memref<8192xf32, #tpu.memory_space<vmem>>, vector<16xf32>,
      %get3A_461 = arith.index_cast %mul3A_456 : i32 to index
      %get3A_462 = tpu.vector_load %arg7[%get3A_461] {strides = array<i32>} : memref<8192xf32, #tpu.memory_space<vmem>>, vector<16xf32>,
      %mul3A_463 = arith.constant 4 : i32
      %mul3A_464 = vector.broadcast %mul3A_463 : i32 to vector<16xi32>
      %mul3A_465 = arith.muli %get3A_458, %mul3A_464 : vector<16xi32>
      %add3A_466 = arith.addi %mul3A_133, %mul3A_465 : vector<16xi32>
      %mul3A_467 = arith.mulf %get3A_460, %get3A_460 : vector<16xf32>
      %mul3A_468 = arith.mulf %get3A_462, %get3A_462 : vector<16xf32>
      %add3A_469 = arith.addf %mul3A_467, %mul3A_468 : vector<16xf32>
      tpu.vector_store_idx %arg9[%add3A_466], %broadcast_in_dim3A_135 {add = true} : memref<1024xf32, #tpu.memory_space<vmem>>[vector<16xi32>], vector<16xf32>,
      %add3A_470 = arith.constant 1 : i32
      %add3A_471 = vector.broadcast %add3A_470 : i32 to vector<16xi32>
      %add3A_472 = arith.addi %add3A_466, %add3A_471 : vector<16xi32>
      tpu.vector_store_idx %arg9[%add3A_472], %get3A_460 {add = true} : memref<1024xf32, #tpu.memory_space<vmem>>[vector<16xi32>], vector<16xf32>,
      %add3A_473 = arith.constant 2 : i32
      %add3A_474 = vector.broadcast %add3A_473 : i32 to vector<16xi32>
      %add3A_475 = arith.addi %add3A_466, %add3A_474 : vector<16xi32>
      tpu.vector_store_idx %arg9[%add3A_475], %get3A_462 {add = true} : memref<1024xf32, #tpu.memory_space<vmem>>[vector<16xi32>], vector<16xf32>,
      %add3A_476 = arith.constant 3 : i32
      %add3A_477 = vector.broadcast %add3A_476 : i32 to vector<16xi32>
      %add3A_478 = arith.addi %add3A_466, %add3A_477 : vector<16xi32>
      tpu.vector_store_idx %arg9[%add3A_478], %add3A_469 {add = true} : memref<1024xf32, #tpu.memory_space<vmem>>[vector<16xi32>], vector<16xf32>,
      %mul3A_479 = arith.constant 4 : i32
      %mul3A_480 = arith.muli %scan3A_394, %mul3A_479 : i32
      %add3A_481 = arith.constant 3 : i32
      %add3A_482 = arith.addi %mul3A_480, %add3A_481 : i32
      %mul3A_483 = arith.constant 16 : i32
      %mul3A_484 = arith.muli %add3A_482, %mul3A_483 : i32
      %get3A_485 = arith.index_cast %mul3A_484 : i32 to index
      %get3A_486 = tpu.vector_load %arg8[%get3A_485] {strides = array<i32>} : memref<8192xi32, #tpu.memory_space<vmem>>, vector<16xi32>,
      %get3A_487 = arith.index_cast %mul3A_484 : i32 to index
      %get3A_488 = tpu.vector_load %arg6[%get3A_487] {strides = array<i32>} : memref<8192xf32, #tpu.memory_space<vmem>>, vector<16xf32>,
      %get3A_489 = arith.index_cast %mul3A_484 : i32 to index
      %get3A_490 = tpu.vector_load %arg7[%get3A_489] {strides = array<i32>} : memref<8192xf32, #tpu.memory_space<vmem>>, vector<16xf32>,
      %mul3A_491 = arith.constant 4 : i32
      %mul3A_492 = vector.broadcast %mul3A_491 : i32 to vector<16xi32>
      %mul3A_493 = arith.muli %get3A_486, %mul3A_492 : vector<16xi32>
      %add3A_494 = arith.addi %mul3A_133, %mul3A_493 : vector<16xi32>
      %mul3A_495 = arith.mulf %get3A_488, %get3A_488 : vector<16xf32>
      %mul3A_496 = arith.mulf %get3A_490, %get3A_490 : vector<16xf32>
      %add3A_497 = arith.addf %mul3A_495, %mul3A_496 : vector<16xf32>
      tpu.vector_store_idx %arg9[%add3A_494], %broadcast_in_dim3A_135 {add = true} : memref<1024xf32, #tpu.memory_space<vmem>>[vector<16xi32>], vector<16xf32>,
      %add3A_498 = arith.constant 1 : i32
      %add3A_499 = vector.broadcast %add3A_498 : i32 to vector<16xi32>
      %add3A_500 = arith.addi %add3A_494, %add3A_499 : vector<16xi32>
      tpu.vector_store_idx %arg9[%add3A_500], %get3A_488 {add = true} : memref<1024xf32, #tpu.memory_space<vmem>>[vector<16xi32>], vector<16xf32>,
      %add3A_501 = arith.constant 2 : i32
      %add3A_502 = vector.broadcast %add3A_501 : i32 to vector<16xi32>
      %add3A_503 = arith.addi %add3A_494, %add3A_502 : vector<16xi32>
      tpu.vector_store_idx %arg9[%add3A_503], %get3A_490 {add = true} : memref<1024xf32, #tpu.memory_space<vmem>>[vector<16xi32>], vector<16xf32>,
      %add3A_504 = arith.constant 3 : i32
      %add3A_505 = vector.broadcast %add3A_504 : i32 to vector<16xi32>
      %add3A_506 = arith.addi %add3A_494, %add3A_505 : vector<16xi32>
      tpu.vector_store_idx %arg9[%add3A_506], %add3A_497 {add = true} : memref<1024xf32, #tpu.memory_space<vmem>>[vector<16xi32>], vector<16xf32>,
    }
    %scan3A_174 = arith.constant 128 : i32
    %add3A_175 = arith.constant 40960 : i32
    %add3A_176 = arith.addi %mul3A_2, %add3A_175 : i32
    "tpu.region"() ({
      %run_scoped3A = tpu.sem_alloc : memref<!tpu.dma_semaphore, #tpu.memory_space<semaphore_mem>>
      %dma_start3A = tpu.memref_slice %arg2[%add3A_176] : memref<2097152xf32, #tpu.memory_space<hbm>> -> memref<8192xf32, #tpu.memory_space<hbm>>
      %dma_start3A_394 = tpu.memref_slice %arg2[%add3A_176] : memref<2097152xf32, #tpu.memory_space<hbm>> -> memref<8192xf32, #tpu.memory_space<hbm>>
      tpu.enqueue_dma source(%dma_start3A_394 : memref<8192xf32, #tpu.memory_space<hbm>>) target(%arg6 : memref<8192xf32, #tpu.memory_space<vmem>>) target_semaphore(%run_scoped3A : memref<!tpu.dma_semaphore, #tpu.memory_space<semaphore_mem>>)
      %dma_wait3A = tpu.memref_slice %arg2[%add3A_176] : memref<2097152xf32, #tpu.memory_space<hbm>> -> memref<8192xf32, #tpu.memory_space<hbm>>
      %dma_wait3A_395 = tpu.memref_slice %arg2[%add3A_176] : memref<2097152xf32, #tpu.memory_space<hbm>> -> memref<8192xf32, #tpu.memory_space<hbm>>
      tpu.wait_dma2 semaphore(%run_scoped3A : memref<!tpu.dma_semaphore, #tpu.memory_space<semaphore_mem>>) src(%dma_wait3A_395 : memref<8192xf32, #tpu.memory_space<hbm>>) dst(%arg6 : memref<8192xf32, #tpu.memory_space<vmem>>)
      tpu.yield
    }) : () -> ()
    "tpu.region"() ({
      %run_scoped3A = tpu.sem_alloc : memref<!tpu.dma_semaphore, #tpu.memory_space<semaphore_mem>>
      %dma_start3A = tpu.memref_slice %arg3[%add3A_176] : memref<2097152xf32, #tpu.memory_space<hbm>> -> memref<8192xf32, #tpu.memory_space<hbm>>
      %dma_start3A_394 = tpu.memref_slice %arg3[%add3A_176] : memref<2097152xf32, #tpu.memory_space<hbm>> -> memref<8192xf32, #tpu.memory_space<hbm>>
      tpu.enqueue_dma source(%dma_start3A_394 : memref<8192xf32, #tpu.memory_space<hbm>>) target(%arg7 : memref<8192xf32, #tpu.memory_space<vmem>>) target_semaphore(%run_scoped3A : memref<!tpu.dma_semaphore, #tpu.memory_space<semaphore_mem>>)
      %dma_wait3A = tpu.memref_slice %arg3[%add3A_176] : memref<2097152xf32, #tpu.memory_space<hbm>> -> memref<8192xf32, #tpu.memory_space<hbm>>
      %dma_wait3A_395 = tpu.memref_slice %arg3[%add3A_176] : memref<2097152xf32, #tpu.memory_space<hbm>> -> memref<8192xf32, #tpu.memory_space<hbm>>
      tpu.wait_dma2 semaphore(%run_scoped3A : memref<!tpu.dma_semaphore, #tpu.memory_space<semaphore_mem>>) src(%dma_wait3A_395 : memref<8192xf32, #tpu.memory_space<hbm>>) dst(%arg7 : memref<8192xf32, #tpu.memory_space<vmem>>)
      tpu.yield
    }) : () -> ()
    "tpu.region"() ({
      %run_scoped3A = tpu.sem_alloc : memref<!tpu.dma_semaphore, #tpu.memory_space<semaphore_mem>>
      %dma_start3A = tpu.memref_slice %arg4[%add3A_176] : memref<2097152xi32, #tpu.memory_space<hbm>> -> memref<8192xi32, #tpu.memory_space<hbm>>
      %dma_start3A_394 = tpu.memref_slice %arg4[%add3A_176] : memref<2097152xi32, #tpu.memory_space<hbm>> -> memref<8192xi32, #tpu.memory_space<hbm>>
      tpu.enqueue_dma source(%dma_start3A_394 : memref<8192xi32, #tpu.memory_space<hbm>>) target(%arg8 : memref<8192xi32, #tpu.memory_space<vmem>>) target_semaphore(%run_scoped3A : memref<!tpu.dma_semaphore, #tpu.memory_space<semaphore_mem>>)
      %dma_wait3A = tpu.memref_slice %arg4[%add3A_176] : memref<2097152xi32, #tpu.memory_space<hbm>> -> memref<8192xi32, #tpu.memory_space<hbm>>
      %dma_wait3A_395 = tpu.memref_slice %arg4[%add3A_176] : memref<2097152xi32, #tpu.memory_space<hbm>> -> memref<8192xi32, #tpu.memory_space<hbm>>
      tpu.wait_dma2 semaphore(%run_scoped3A : memref<!tpu.dma_semaphore, #tpu.memory_space<semaphore_mem>>) src(%dma_wait3A_395 : memref<8192xi32, #tpu.memory_space<hbm>>) dst(%arg8 : memref<8192xi32, #tpu.memory_space<vmem>>)
      tpu.yield
    }) : () -> ()
    %scan3A_177 = arith.constant 0 : i32
    %scan3A_178 = arith.constant 0 : i32
    %scan3A_179 = arith.constant 128 : i32
    %scan3A_180 = arith.addi %scan3A_178, %scan3A_179 : i32
    %scan3A_181 = arith.constant 1 : i32
    scf.for %scan3A_394 = %scan3A_178 to %scan3A_180 step %scan3A_181  : i32 {
      %mul3A_395 = arith.constant 4 : i32
      %mul3A_396 = arith.muli %scan3A_394, %mul3A_395 : i32
      %add3A_397 = arith.constant 0 : i32
      %add3A_398 = arith.addi %mul3A_396, %add3A_397 : i32
      %mul3A_399 = arith.constant 16 : i32
      %mul3A_400 = arith.muli %add3A_398, %mul3A_399 : i32
      %get3A_401 = arith.index_cast %mul3A_400 : i32 to index
      %get3A_402 = tpu.vector_load %arg8[%get3A_401] {strides = array<i32>} : memref<8192xi32, #tpu.memory_space<vmem>>, vector<16xi32>,
      %get3A_403 = arith.index_cast %mul3A_400 : i32 to index
      %get3A_404 = tpu.vector_load %arg6[%get3A_403] {strides = array<i32>} : memref<8192xf32, #tpu.memory_space<vmem>>, vector<16xf32>,
      %get3A_405 = arith.index_cast %mul3A_400 : i32 to index
      %get3A_406 = tpu.vector_load %arg7[%get3A_405] {strides = array<i32>} : memref<8192xf32, #tpu.memory_space<vmem>>, vector<16xf32>,
      %mul3A_407 = arith.constant 4 : i32
      %mul3A_408 = vector.broadcast %mul3A_407 : i32 to vector<16xi32>
      %mul3A_409 = arith.muli %get3A_402, %mul3A_408 : vector<16xi32>
      %add3A_410 = arith.addi %mul3A_133, %mul3A_409 : vector<16xi32>
      %mul3A_411 = arith.mulf %get3A_404, %get3A_404 : vector<16xf32>
      %mul3A_412 = arith.mulf %get3A_406, %get3A_406 : vector<16xf32>
      %add3A_413 = arith.addf %mul3A_411, %mul3A_412 : vector<16xf32>
      tpu.vector_store_idx %arg9[%add3A_410], %broadcast_in_dim3A_135 {add = true} : memref<1024xf32, #tpu.memory_space<vmem>>[vector<16xi32>], vector<16xf32>,
      %add3A_414 = arith.constant 1 : i32
      %add3A_415 = vector.broadcast %add3A_414 : i32 to vector<16xi32>
      %add3A_416 = arith.addi %add3A_410, %add3A_415 : vector<16xi32>
      tpu.vector_store_idx %arg9[%add3A_416], %get3A_404 {add = true} : memref<1024xf32, #tpu.memory_space<vmem>>[vector<16xi32>], vector<16xf32>,
      %add3A_417 = arith.constant 2 : i32
      %add3A_418 = vector.broadcast %add3A_417 : i32 to vector<16xi32>
      %add3A_419 = arith.addi %add3A_410, %add3A_418 : vector<16xi32>
      tpu.vector_store_idx %arg9[%add3A_419], %get3A_406 {add = true} : memref<1024xf32, #tpu.memory_space<vmem>>[vector<16xi32>], vector<16xf32>,
      %add3A_420 = arith.constant 3 : i32
      %add3A_421 = vector.broadcast %add3A_420 : i32 to vector<16xi32>
      %add3A_422 = arith.addi %add3A_410, %add3A_421 : vector<16xi32>
      tpu.vector_store_idx %arg9[%add3A_422], %add3A_413 {add = true} : memref<1024xf32, #tpu.memory_space<vmem>>[vector<16xi32>], vector<16xf32>,
      %mul3A_423 = arith.constant 4 : i32
      %mul3A_424 = arith.muli %scan3A_394, %mul3A_423 : i32
      %add3A_425 = arith.constant 1 : i32
      %add3A_426 = arith.addi %mul3A_424, %add3A_425 : i32
      %mul3A_427 = arith.constant 16 : i32
      %mul3A_428 = arith.muli %add3A_426, %mul3A_427 : i32
      %get3A_429 = arith.index_cast %mul3A_428 : i32 to index
      %get3A_430 = tpu.vector_load %arg8[%get3A_429] {strides = array<i32>} : memref<8192xi32, #tpu.memory_space<vmem>>, vector<16xi32>,
      %get3A_431 = arith.index_cast %mul3A_428 : i32 to index
      %get3A_432 = tpu.vector_load %arg6[%get3A_431] {strides = array<i32>} : memref<8192xf32, #tpu.memory_space<vmem>>, vector<16xf32>,
      %get3A_433 = arith.index_cast %mul3A_428 : i32 to index
      %get3A_434 = tpu.vector_load %arg7[%get3A_433] {strides = array<i32>} : memref<8192xf32, #tpu.memory_space<vmem>>, vector<16xf32>,
      %mul3A_435 = arith.constant 4 : i32
      %mul3A_436 = vector.broadcast %mul3A_435 : i32 to vector<16xi32>
      %mul3A_437 = arith.muli %get3A_430, %mul3A_436 : vector<16xi32>
      %add3A_438 = arith.addi %mul3A_133, %mul3A_437 : vector<16xi32>
      %mul3A_439 = arith.mulf %get3A_432, %get3A_432 : vector<16xf32>
      %mul3A_440 = arith.mulf %get3A_434, %get3A_434 : vector<16xf32>
      %add3A_441 = arith.addf %mul3A_439, %mul3A_440 : vector<16xf32>
      tpu.vector_store_idx %arg9[%add3A_438], %broadcast_in_dim3A_135 {add = true} : memref<1024xf32, #tpu.memory_space<vmem>>[vector<16xi32>], vector<16xf32>,
      %add3A_442 = arith.constant 1 : i32
      %add3A_443 = vector.broadcast %add3A_442 : i32 to vector<16xi32>
      %add3A_444 = arith.addi %add3A_438, %add3A_443 : vector<16xi32>
      tpu.vector_store_idx %arg9[%add3A_444], %get3A_432 {add = true} : memref<1024xf32, #tpu.memory_space<vmem>>[vector<16xi32>], vector<16xf32>,
      %add3A_445 = arith.constant 2 : i32
      %add3A_446 = vector.broadcast %add3A_445 : i32 to vector<16xi32>
      %add3A_447 = arith.addi %add3A_438, %add3A_446 : vector<16xi32>
      tpu.vector_store_idx %arg9[%add3A_447], %get3A_434 {add = true} : memref<1024xf32, #tpu.memory_space<vmem>>[vector<16xi32>], vector<16xf32>,
      %add3A_448 = arith.constant 3 : i32
      %add3A_449 = vector.broadcast %add3A_448 : i32 to vector<16xi32>
      %add3A_450 = arith.addi %add3A_438, %add3A_449 : vector<16xi32>
      tpu.vector_store_idx %arg9[%add3A_450], %add3A_441 {add = true} : memref<1024xf32, #tpu.memory_space<vmem>>[vector<16xi32>], vector<16xf32>,
      %mul3A_451 = arith.constant 4 : i32
      %mul3A_452 = arith.muli %scan3A_394, %mul3A_451 : i32
      %add3A_453 = arith.constant 2 : i32
      %add3A_454 = arith.addi %mul3A_452, %add3A_453 : i32
      %mul3A_455 = arith.constant 16 : i32
      %mul3A_456 = arith.muli %add3A_454, %mul3A_455 : i32
      %get3A_457 = arith.index_cast %mul3A_456 : i32 to index
      %get3A_458 = tpu.vector_load %arg8[%get3A_457] {strides = array<i32>} : memref<8192xi32, #tpu.memory_space<vmem>>, vector<16xi32>,
      %get3A_459 = arith.index_cast %mul3A_456 : i32 to index
      %get3A_460 = tpu.vector_load %arg6[%get3A_459] {strides = array<i32>} : memref<8192xf32, #tpu.memory_space<vmem>>, vector<16xf32>,
      %get3A_461 = arith.index_cast %mul3A_456 : i32 to index
      %get3A_462 = tpu.vector_load %arg7[%get3A_461] {strides = array<i32>} : memref<8192xf32, #tpu.memory_space<vmem>>, vector<16xf32>,
      %mul3A_463 = arith.constant 4 : i32
      %mul3A_464 = vector.broadcast %mul3A_463 : i32 to vector<16xi32>
      %mul3A_465 = arith.muli %get3A_458, %mul3A_464 : vector<16xi32>
      %add3A_466 = arith.addi %mul3A_133, %mul3A_465 : vector<16xi32>
      %mul3A_467 = arith.mulf %get3A_460, %get3A_460 : vector<16xf32>
      %mul3A_468 = arith.mulf %get3A_462, %get3A_462 : vector<16xf32>
      %add3A_469 = arith.addf %mul3A_467, %mul3A_468 : vector<16xf32>
      tpu.vector_store_idx %arg9[%add3A_466], %broadcast_in_dim3A_135 {add = true} : memref<1024xf32, #tpu.memory_space<vmem>>[vector<16xi32>], vector<16xf32>,
      %add3A_470 = arith.constant 1 : i32
      %add3A_471 = vector.broadcast %add3A_470 : i32 to vector<16xi32>
      %add3A_472 = arith.addi %add3A_466, %add3A_471 : vector<16xi32>
      tpu.vector_store_idx %arg9[%add3A_472], %get3A_460 {add = true} : memref<1024xf32, #tpu.memory_space<vmem>>[vector<16xi32>], vector<16xf32>,
      %add3A_473 = arith.constant 2 : i32
      %add3A_474 = vector.broadcast %add3A_473 : i32 to vector<16xi32>
      %add3A_475 = arith.addi %add3A_466, %add3A_474 : vector<16xi32>
      tpu.vector_store_idx %arg9[%add3A_475], %get3A_462 {add = true} : memref<1024xf32, #tpu.memory_space<vmem>>[vector<16xi32>], vector<16xf32>,
      %add3A_476 = arith.constant 3 : i32
      %add3A_477 = vector.broadcast %add3A_476 : i32 to vector<16xi32>
      %add3A_478 = arith.addi %add3A_466, %add3A_477 : vector<16xi32>
      tpu.vector_store_idx %arg9[%add3A_478], %add3A_469 {add = true} : memref<1024xf32, #tpu.memory_space<vmem>>[vector<16xi32>], vector<16xf32>,
      %mul3A_479 = arith.constant 4 : i32
      %mul3A_480 = arith.muli %scan3A_394, %mul3A_479 : i32
      %add3A_481 = arith.constant 3 : i32
      %add3A_482 = arith.addi %mul3A_480, %add3A_481 : i32
      %mul3A_483 = arith.constant 16 : i32
      %mul3A_484 = arith.muli %add3A_482, %mul3A_483 : i32
      %get3A_485 = arith.index_cast %mul3A_484 : i32 to index
      %get3A_486 = tpu.vector_load %arg8[%get3A_485] {strides = array<i32>} : memref<8192xi32, #tpu.memory_space<vmem>>, vector<16xi32>,
      %get3A_487 = arith.index_cast %mul3A_484 : i32 to index
      %get3A_488 = tpu.vector_load %arg6[%get3A_487] {strides = array<i32>} : memref<8192xf32, #tpu.memory_space<vmem>>, vector<16xf32>,
      %get3A_489 = arith.index_cast %mul3A_484 : i32 to index
      %get3A_490 = tpu.vector_load %arg7[%get3A_489] {strides = array<i32>} : memref<8192xf32, #tpu.memory_space<vmem>>, vector<16xf32>,
      %mul3A_491 = arith.constant 4 : i32
      %mul3A_492 = vector.broadcast %mul3A_491 : i32 to vector<16xi32>
      %mul3A_493 = arith.muli %get3A_486, %mul3A_492 : vector<16xi32>
      %add3A_494 = arith.addi %mul3A_133, %mul3A_493 : vector<16xi32>
      %mul3A_495 = arith.mulf %get3A_488, %get3A_488 : vector<16xf32>
      %mul3A_496 = arith.mulf %get3A_490, %get3A_490 : vector<16xf32>
      %add3A_497 = arith.addf %mul3A_495, %mul3A_496 : vector<16xf32>
      tpu.vector_store_idx %arg9[%add3A_494], %broadcast_in_dim3A_135 {add = true} : memref<1024xf32, #tpu.memory_space<vmem>>[vector<16xi32>], vector<16xf32>,
      %add3A_498 = arith.constant 1 : i32
      %add3A_499 = vector.broadcast %add3A_498 : i32 to vector<16xi32>
      %add3A_500 = arith.addi %add3A_494, %add3A_499 : vector<16xi32>
      tpu.vector_store_idx %arg9[%add3A_500], %get3A_488 {add = true} : memref<1024xf32, #tpu.memory_space<vmem>>[vector<16xi32>], vector<16xf32>,
      %add3A_501 = arith.constant 2 : i32
      %add3A_502 = vector.broadcast %add3A_501 : i32 to vector<16xi32>
      %add3A_503 = arith.addi %add3A_494, %add3A_502 : vector<16xi32>
      tpu.vector_store_idx %arg9[%add3A_503], %get3A_490 {add = true} : memref<1024xf32, #tpu.memory_space<vmem>>[vector<16xi32>], vector<16xf32>,
      %add3A_504 = arith.constant 3 : i32
      %add3A_505 = vector.broadcast %add3A_504 : i32 to vector<16xi32>
      %add3A_506 = arith.addi %add3A_494, %add3A_505 : vector<16xi32>
      tpu.vector_store_idx %arg9[%add3A_506], %add3A_497 {add = true} : memref<1024xf32, #tpu.memory_space<vmem>>[vector<16xi32>], vector<16xf32>,
    }
    %scan3A_182 = arith.constant 128 : i32
    %add3A_183 = arith.constant 49152 : i32
    %add3A_184 = arith.addi %mul3A_2, %add3A_183 : i32
    "tpu.region"() ({
      %run_scoped3A = tpu.sem_alloc : memref<!tpu.dma_semaphore, #tpu.memory_space<semaphore_mem>>
      %dma_start3A = tpu.memref_slice %arg2[%add3A_184] : memref<2097152xf32, #tpu.memory_space<hbm>> -> memref<8192xf32, #tpu.memory_space<hbm>>
      %dma_start3A_394 = tpu.memref_slice %arg2[%add3A_184] : memref<2097152xf32, #tpu.memory_space<hbm>> -> memref<8192xf32, #tpu.memory_space<hbm>>
      tpu.enqueue_dma source(%dma_start3A_394 : memref<8192xf32, #tpu.memory_space<hbm>>) target(%arg6 : memref<8192xf32, #tpu.memory_space<vmem>>) target_semaphore(%run_scoped3A : memref<!tpu.dma_semaphore, #tpu.memory_space<semaphore_mem>>)
      %dma_wait3A = tpu.memref_slice %arg2[%add3A_184] : memref<2097152xf32, #tpu.memory_space<hbm>> -> memref<8192xf32, #tpu.memory_space<hbm>>
      %dma_wait3A_395 = tpu.memref_slice %arg2[%add3A_184] : memref<2097152xf32, #tpu.memory_space<hbm>> -> memref<8192xf32, #tpu.memory_space<hbm>>
      tpu.wait_dma2 semaphore(%run_scoped3A : memref<!tpu.dma_semaphore, #tpu.memory_space<semaphore_mem>>) src(%dma_wait3A_395 : memref<8192xf32, #tpu.memory_space<hbm>>) dst(%arg6 : memref<8192xf32, #tpu.memory_space<vmem>>)
      tpu.yield
    }) : () -> ()
    "tpu.region"() ({
      %run_scoped3A = tpu.sem_alloc : memref<!tpu.dma_semaphore, #tpu.memory_space<semaphore_mem>>
      %dma_start3A = tpu.memref_slice %arg3[%add3A_184] : memref<2097152xf32, #tpu.memory_space<hbm>> -> memref<8192xf32, #tpu.memory_space<hbm>>
      %dma_start3A_394 = tpu.memref_slice %arg3[%add3A_184] : memref<2097152xf32, #tpu.memory_space<hbm>> -> memref<8192xf32, #tpu.memory_space<hbm>>
      tpu.enqueue_dma source(%dma_start3A_394 : memref<8192xf32, #tpu.memory_space<hbm>>) target(%arg7 : memref<8192xf32, #tpu.memory_space<vmem>>) target_semaphore(%run_scoped3A : memref<!tpu.dma_semaphore, #tpu.memory_space<semaphore_mem>>)
      %dma_wait3A = tpu.memref_slice %arg3[%add3A_184] : memref<2097152xf32, #tpu.memory_space<hbm>> -> memref<8192xf32, #tpu.memory_space<hbm>>
      %dma_wait3A_395 = tpu.memref_slice %arg3[%add3A_184] : memref<2097152xf32, #tpu.memory_space<hbm>> -> memref<8192xf32, #tpu.memory_space<hbm>>
      tpu.wait_dma2 semaphore(%run_scoped3A : memref<!tpu.dma_semaphore, #tpu.memory_space<semaphore_mem>>) src(%dma_wait3A_395 : memref<8192xf32, #tpu.memory_space<hbm>>) dst(%arg7 : memref<8192xf32, #tpu.memory_space<vmem>>)
      tpu.yield
    }) : () -> ()
    "tpu.region"() ({
      %run_scoped3A = tpu.sem_alloc : memref<!tpu.dma_semaphore, #tpu.memory_space<semaphore_mem>>
      %dma_start3A = tpu.memref_slice %arg4[%add3A_184] : memref<2097152xi32, #tpu.memory_space<hbm>> -> memref<8192xi32, #tpu.memory_space<hbm>>
      %dma_start3A_394 = tpu.memref_slice %arg4[%add3A_184] : memref<2097152xi32, #tpu.memory_space<hbm>> -> memref<8192xi32, #tpu.memory_space<hbm>>
      tpu.enqueue_dma source(%dma_start3A_394 : memref<8192xi32, #tpu.memory_space<hbm>>) target(%arg8 : memref<8192xi32, #tpu.memory_space<vmem>>) target_semaphore(%run_scoped3A : memref<!tpu.dma_semaphore, #tpu.memory_space<semaphore_mem>>)
      %dma_wait3A = tpu.memref_slice %arg4[%add3A_184] : memref<2097152xi32, #tpu.memory_space<hbm>> -> memref<8192xi32, #tpu.memory_space<hbm>>
      %dma_wait3A_395 = tpu.memref_slice %arg4[%add3A_184] : memref<2097152xi32, #tpu.memory_space<hbm>> -> memref<8192xi32, #tpu.memory_space<hbm>>
      tpu.wait_dma2 semaphore(%run_scoped3A : memref<!tpu.dma_semaphore, #tpu.memory_space<semaphore_mem>>) src(%dma_wait3A_395 : memref<8192xi32, #tpu.memory_space<hbm>>) dst(%arg8 : memref<8192xi32, #tpu.memory_space<vmem>>)
      tpu.yield
    }) : () -> ()
    %scan3A_185 = arith.constant 0 : i32
    %scan3A_186 = arith.constant 0 : i32
    %scan3A_187 = arith.constant 128 : i32
    %scan3A_188 = arith.addi %scan3A_186, %scan3A_187 : i32
    %scan3A_189 = arith.constant 1 : i32
    scf.for %scan3A_394 = %scan3A_186 to %scan3A_188 step %scan3A_189  : i32 {
      %mul3A_395 = arith.constant 4 : i32
      %mul3A_396 = arith.muli %scan3A_394, %mul3A_395 : i32
      %add3A_397 = arith.constant 0 : i32
      %add3A_398 = arith.addi %mul3A_396, %add3A_397 : i32
      %mul3A_399 = arith.constant 16 : i32
      %mul3A_400 = arith.muli %add3A_398, %mul3A_399 : i32
      %get3A_401 = arith.index_cast %mul3A_400 : i32 to index
      %get3A_402 = tpu.vector_load %arg8[%get3A_401] {strides = array<i32>} : memref<8192xi32, #tpu.memory_space<vmem>>, vector<16xi32>,
      %get3A_403 = arith.index_cast %mul3A_400 : i32 to index
      %get3A_404 = tpu.vector_load %arg6[%get3A_403] {strides = array<i32>} : memref<8192xf32, #tpu.memory_space<vmem>>, vector<16xf32>,
      %get3A_405 = arith.index_cast %mul3A_400 : i32 to index
      %get3A_406 = tpu.vector_load %arg7[%get3A_405] {strides = array<i32>} : memref<8192xf32, #tpu.memory_space<vmem>>, vector<16xf32>,
      %mul3A_407 = arith.constant 4 : i32
      %mul3A_408 = vector.broadcast %mul3A_407 : i32 to vector<16xi32>
      %mul3A_409 = arith.muli %get3A_402, %mul3A_408 : vector<16xi32>
      %add3A_410 = arith.addi %mul3A_133, %mul3A_409 : vector<16xi32>
      %mul3A_411 = arith.mulf %get3A_404, %get3A_404 : vector<16xf32>
      %mul3A_412 = arith.mulf %get3A_406, %get3A_406 : vector<16xf32>
      %add3A_413 = arith.addf %mul3A_411, %mul3A_412 : vector<16xf32>
      tpu.vector_store_idx %arg9[%add3A_410], %broadcast_in_dim3A_135 {add = true} : memref<1024xf32, #tpu.memory_space<vmem>>[vector<16xi32>], vector<16xf32>,
      %add3A_414 = arith.constant 1 : i32
      %add3A_415 = vector.broadcast %add3A_414 : i32 to vector<16xi32>
      %add3A_416 = arith.addi %add3A_410, %add3A_415 : vector<16xi32>
      tpu.vector_store_idx %arg9[%add3A_416], %get3A_404 {add = true} : memref<1024xf32, #tpu.memory_space<vmem>>[vector<16xi32>], vector<16xf32>,
      %add3A_417 = arith.constant 2 : i32
      %add3A_418 = vector.broadcast %add3A_417 : i32 to vector<16xi32>
      %add3A_419 = arith.addi %add3A_410, %add3A_418 : vector<16xi32>
      tpu.vector_store_idx %arg9[%add3A_419], %get3A_406 {add = true} : memref<1024xf32, #tpu.memory_space<vmem>>[vector<16xi32>], vector<16xf32>,
      %add3A_420 = arith.constant 3 : i32
      %add3A_421 = vector.broadcast %add3A_420 : i32 to vector<16xi32>
      %add3A_422 = arith.addi %add3A_410, %add3A_421 : vector<16xi32>
      tpu.vector_store_idx %arg9[%add3A_422], %add3A_413 {add = true} : memref<1024xf32, #tpu.memory_space<vmem>>[vector<16xi32>], vector<16xf32>,
      %mul3A_423 = arith.constant 4 : i32
      %mul3A_424 = arith.muli %scan3A_394, %mul3A_423 : i32
      %add3A_425 = arith.constant 1 : i32
      %add3A_426 = arith.addi %mul3A_424, %add3A_425 : i32
      %mul3A_427 = arith.constant 16 : i32
      %mul3A_428 = arith.muli %add3A_426, %mul3A_427 : i32
      %get3A_429 = arith.index_cast %mul3A_428 : i32 to index
      %get3A_430 = tpu.vector_load %arg8[%get3A_429] {strides = array<i32>} : memref<8192xi32, #tpu.memory_space<vmem>>, vector<16xi32>,
      %get3A_431 = arith.index_cast %mul3A_428 : i32 to index
      %get3A_432 = tpu.vector_load %arg6[%get3A_431] {strides = array<i32>} : memref<8192xf32, #tpu.memory_space<vmem>>, vector<16xf32>,
      %get3A_433 = arith.index_cast %mul3A_428 : i32 to index
      %get3A_434 = tpu.vector_load %arg7[%get3A_433] {strides = array<i32>} : memref<8192xf32, #tpu.memory_space<vmem>>, vector<16xf32>,
      %mul3A_435 = arith.constant 4 : i32
      %mul3A_436 = vector.broadcast %mul3A_435 : i32 to vector<16xi32>
      %mul3A_437 = arith.muli %get3A_430, %mul3A_436 : vector<16xi32>
      %add3A_438 = arith.addi %mul3A_133, %mul3A_437 : vector<16xi32>
      %mul3A_439 = arith.mulf %get3A_432, %get3A_432 : vector<16xf32>
      %mul3A_440 = arith.mulf %get3A_434, %get3A_434 : vector<16xf32>
      %add3A_441 = arith.addf %mul3A_439, %mul3A_440 : vector<16xf32>
      tpu.vector_store_idx %arg9[%add3A_438], %broadcast_in_dim3A_135 {add = true} : memref<1024xf32, #tpu.memory_space<vmem>>[vector<16xi32>], vector<16xf32>,
      %add3A_442 = arith.constant 1 : i32
      %add3A_443 = vector.broadcast %add3A_442 : i32 to vector<16xi32>
      %add3A_444 = arith.addi %add3A_438, %add3A_443 : vector<16xi32>
      tpu.vector_store_idx %arg9[%add3A_444], %get3A_432 {add = true} : memref<1024xf32, #tpu.memory_space<vmem>>[vector<16xi32>], vector<16xf32>,
      %add3A_445 = arith.constant 2 : i32
      %add3A_446 = vector.broadcast %add3A_445 : i32 to vector<16xi32>
      %add3A_447 = arith.addi %add3A_438, %add3A_446 : vector<16xi32>
      tpu.vector_store_idx %arg9[%add3A_447], %get3A_434 {add = true} : memref<1024xf32, #tpu.memory_space<vmem>>[vector<16xi32>], vector<16xf32>,
      %add3A_448 = arith.constant 3 : i32
      %add3A_449 = vector.broadcast %add3A_448 : i32 to vector<16xi32>
      %add3A_450 = arith.addi %add3A_438, %add3A_449 : vector<16xi32>
      tpu.vector_store_idx %arg9[%add3A_450], %add3A_441 {add = true} : memref<1024xf32, #tpu.memory_space<vmem>>[vector<16xi32>], vector<16xf32>,
      %mul3A_451 = arith.constant 4 : i32
      %mul3A_452 = arith.muli %scan3A_394, %mul3A_451 : i32
      %add3A_453 = arith.constant 2 : i32
      %add3A_454 = arith.addi %mul3A_452, %add3A_453 : i32
      %mul3A_455 = arith.constant 16 : i32
      %mul3A_456 = arith.muli %add3A_454, %mul3A_455 : i32
      %get3A_457 = arith.index_cast %mul3A_456 : i32 to index
      %get3A_458 = tpu.vector_load %arg8[%get3A_457] {strides = array<i32>} : memref<8192xi32, #tpu.memory_space<vmem>>, vector<16xi32>,
      %get3A_459 = arith.index_cast %mul3A_456 : i32 to index
      %get3A_460 = tpu.vector_load %arg6[%get3A_459] {strides = array<i32>} : memref<8192xf32, #tpu.memory_space<vmem>>, vector<16xf32>,
      %get3A_461 = arith.index_cast %mul3A_456 : i32 to index
      %get3A_462 = tpu.vector_load %arg7[%get3A_461] {strides = array<i32>} : memref<8192xf32, #tpu.memory_space<vmem>>, vector<16xf32>,
      %mul3A_463 = arith.constant 4 : i32
      %mul3A_464 = vector.broadcast %mul3A_463 : i32 to vector<16xi32>
      %mul3A_465 = arith.muli %get3A_458, %mul3A_464 : vector<16xi32>
      %add3A_466 = arith.addi %mul3A_133, %mul3A_465 : vector<16xi32>
      %mul3A_467 = arith.mulf %get3A_460, %get3A_460 : vector<16xf32>
      %mul3A_468 = arith.mulf %get3A_462, %get3A_462 : vector<16xf32>
      %add3A_469 = arith.addf %mul3A_467, %mul3A_468 : vector<16xf32>
      tpu.vector_store_idx %arg9[%add3A_466], %broadcast_in_dim3A_135 {add = true} : memref<1024xf32, #tpu.memory_space<vmem>>[vector<16xi32>], vector<16xf32>,
      %add3A_470 = arith.constant 1 : i32
      %add3A_471 = vector.broadcast %add3A_470 : i32 to vector<16xi32>
      %add3A_472 = arith.addi %add3A_466, %add3A_471 : vector<16xi32>
      tpu.vector_store_idx %arg9[%add3A_472], %get3A_460 {add = true} : memref<1024xf32, #tpu.memory_space<vmem>>[vector<16xi32>], vector<16xf32>,
      %add3A_473 = arith.constant 2 : i32
      %add3A_474 = vector.broadcast %add3A_473 : i32 to vector<16xi32>
      %add3A_475 = arith.addi %add3A_466, %add3A_474 : vector<16xi32>
      tpu.vector_store_idx %arg9[%add3A_475], %get3A_462 {add = true} : memref<1024xf32, #tpu.memory_space<vmem>>[vector<16xi32>], vector<16xf32>,
      %add3A_476 = arith.constant 3 : i32
      %add3A_477 = vector.broadcast %add3A_476 : i32 to vector<16xi32>
      %add3A_478 = arith.addi %add3A_466, %add3A_477 : vector<16xi32>
      tpu.vector_store_idx %arg9[%add3A_478], %add3A_469 {add = true} : memref<1024xf32, #tpu.memory_space<vmem>>[vector<16xi32>], vector<16xf32>,
      %mul3A_479 = arith.constant 4 : i32
      %mul3A_480 = arith.muli %scan3A_394, %mul3A_479 : i32
      %add3A_481 = arith.constant 3 : i32
      %add3A_482 = arith.addi %mul3A_480, %add3A_481 : i32
      %mul3A_483 = arith.constant 16 : i32
      %mul3A_484 = arith.muli %add3A_482, %mul3A_483 : i32
      %get3A_485 = arith.index_cast %mul3A_484 : i32 to index
      %get3A_486 = tpu.vector_load %arg8[%get3A_485] {strides = array<i32>} : memref<8192xi32, #tpu.memory_space<vmem>>, vector<16xi32>,
      %get3A_487 = arith.index_cast %mul3A_484 : i32 to index
      %get3A_488 = tpu.vector_load %arg6[%get3A_487] {strides = array<i32>} : memref<8192xf32, #tpu.memory_space<vmem>>, vector<16xf32>,
      %get3A_489 = arith.index_cast %mul3A_484 : i32 to index
      %get3A_490 = tpu.vector_load %arg7[%get3A_489] {strides = array<i32>} : memref<8192xf32, #tpu.memory_space<vmem>>, vector<16xf32>,
      %mul3A_491 = arith.constant 4 : i32
      %mul3A_492 = vector.broadcast %mul3A_491 : i32 to vector<16xi32>
      %mul3A_493 = arith.muli %get3A_486, %mul3A_492 : vector<16xi32>
      %add3A_494 = arith.addi %mul3A_133, %mul3A_493 : vector<16xi32>
      %mul3A_495 = arith.mulf %get3A_488, %get3A_488 : vector<16xf32>
      %mul3A_496 = arith.mulf %get3A_490, %get3A_490 : vector<16xf32>
      %add3A_497 = arith.addf %mul3A_495, %mul3A_496 : vector<16xf32>
      tpu.vector_store_idx %arg9[%add3A_494], %broadcast_in_dim3A_135 {add = true} : memref<1024xf32, #tpu.memory_space<vmem>>[vector<16xi32>], vector<16xf32>,
      %add3A_498 = arith.constant 1 : i32
      %add3A_499 = vector.broadcast %add3A_498 : i32 to vector<16xi32>
      %add3A_500 = arith.addi %add3A_494, %add3A_499 : vector<16xi32>
      tpu.vector_store_idx %arg9[%add3A_500], %get3A_488 {add = true} : memref<1024xf32, #tpu.memory_space<vmem>>[vector<16xi32>], vector<16xf32>,
      %add3A_501 = arith.constant 2 : i32
      %add3A_502 = vector.broadcast %add3A_501 : i32 to vector<16xi32>
      %add3A_503 = arith.addi %add3A_494, %add3A_502 : vector<16xi32>
      tpu.vector_store_idx %arg9[%add3A_503], %get3A_490 {add = true} : memref<1024xf32, #tpu.memory_space<vmem>>[vector<16xi32>], vector<16xf32>,
      %add3A_504 = arith.constant 3 : i32
      %add3A_505 = vector.broadcast %add3A_504 : i32 to vector<16xi32>
      %add3A_506 = arith.addi %add3A_494, %add3A_505 : vector<16xi32>
      tpu.vector_store_idx %arg9[%add3A_506], %add3A_497 {add = true} : memref<1024xf32, #tpu.memory_space<vmem>>[vector<16xi32>], vector<16xf32>,
    }
    %scan3A_190 = arith.constant 128 : i32
    %add3A_191 = arith.constant 57344 : i32
    %add3A_192 = arith.addi %mul3A_2, %add3A_191 : i32
    "tpu.region"() ({
      %run_scoped3A = tpu.sem_alloc : memref<!tpu.dma_semaphore, #tpu.memory_space<semaphore_mem>>
      %dma_start3A = tpu.memref_slice %arg2[%add3A_192] : memref<2097152xf32, #tpu.memory_space<hbm>> -> memref<8192xf32, #tpu.memory_space<hbm>>
      %dma_start3A_394 = tpu.memref_slice %arg2[%add3A_192] : memref<2097152xf32, #tpu.memory_space<hbm>> -> memref<8192xf32, #tpu.memory_space<hbm>>
      tpu.enqueue_dma source(%dma_start3A_394 : memref<8192xf32, #tpu.memory_space<hbm>>) target(%arg6 : memref<8192xf32, #tpu.memory_space<vmem>>) target_semaphore(%run_scoped3A : memref<!tpu.dma_semaphore, #tpu.memory_space<semaphore_mem>>)
      %dma_wait3A = tpu.memref_slice %arg2[%add3A_192] : memref<2097152xf32, #tpu.memory_space<hbm>> -> memref<8192xf32, #tpu.memory_space<hbm>>
      %dma_wait3A_395 = tpu.memref_slice %arg2[%add3A_192] : memref<2097152xf32, #tpu.memory_space<hbm>> -> memref<8192xf32, #tpu.memory_space<hbm>>
      tpu.wait_dma2 semaphore(%run_scoped3A : memref<!tpu.dma_semaphore, #tpu.memory_space<semaphore_mem>>) src(%dma_wait3A_395 : memref<8192xf32, #tpu.memory_space<hbm>>) dst(%arg6 : memref<8192xf32, #tpu.memory_space<vmem>>)
      tpu.yield
    }) : () -> ()
    "tpu.region"() ({
      %run_scoped3A = tpu.sem_alloc : memref<!tpu.dma_semaphore, #tpu.memory_space<semaphore_mem>>
      %dma_start3A = tpu.memref_slice %arg3[%add3A_192] : memref<2097152xf32, #tpu.memory_space<hbm>> -> memref<8192xf32, #tpu.memory_space<hbm>>
      %dma_start3A_394 = tpu.memref_slice %arg3[%add3A_192] : memref<2097152xf32, #tpu.memory_space<hbm>> -> memref<8192xf32, #tpu.memory_space<hbm>>
      tpu.enqueue_dma source(%dma_start3A_394 : memref<8192xf32, #tpu.memory_space<hbm>>) target(%arg7 : memref<8192xf32, #tpu.memory_space<vmem>>) target_semaphore(%run_scoped3A : memref<!tpu.dma_semaphore, #tpu.memory_space<semaphore_mem>>)
      %dma_wait3A = tpu.memref_slice %arg3[%add3A_192] : memref<2097152xf32, #tpu.memory_space<hbm>> -> memref<8192xf32, #tpu.memory_space<hbm>>
      %dma_wait3A_395 = tpu.memref_slice %arg3[%add3A_192] : memref<2097152xf32, #tpu.memory_space<hbm>> -> memref<8192xf32, #tpu.memory_space<hbm>>
      tpu.wait_dma2 semaphore(%run_scoped3A : memref<!tpu.dma_semaphore, #tpu.memory_space<semaphore_mem>>) src(%dma_wait3A_395 : memref<8192xf32, #tpu.memory_space<hbm>>) dst(%arg7 : memref<8192xf32, #tpu.memory_space<vmem>>)
      tpu.yield
    }) : () -> ()
    "tpu.region"() ({
      %run_scoped3A = tpu.sem_alloc : memref<!tpu.dma_semaphore, #tpu.memory_space<semaphore_mem>>
      %dma_start3A = tpu.memref_slice %arg4[%add3A_192] : memref<2097152xi32, #tpu.memory_space<hbm>> -> memref<8192xi32, #tpu.memory_space<hbm>>
      %dma_start3A_394 = tpu.memref_slice %arg4[%add3A_192] : memref<2097152xi32, #tpu.memory_space<hbm>> -> memref<8192xi32, #tpu.memory_space<hbm>>
      tpu.enqueue_dma source(%dma_start3A_394 : memref<8192xi32, #tpu.memory_space<hbm>>) target(%arg8 : memref<8192xi32, #tpu.memory_space<vmem>>) target_semaphore(%run_scoped3A : memref<!tpu.dma_semaphore, #tpu.memory_space<semaphore_mem>>)
      %dma_wait3A = tpu.memref_slice %arg4[%add3A_192] : memref<2097152xi32, #tpu.memory_space<hbm>> -> memref<8192xi32, #tpu.memory_space<hbm>>
      %dma_wait3A_395 = tpu.memref_slice %arg4[%add3A_192] : memref<2097152xi32, #tpu.memory_space<hbm>> -> memref<8192xi32, #tpu.memory_space<hbm>>
      tpu.wait_dma2 semaphore(%run_scoped3A : memref<!tpu.dma_semaphore, #tpu.memory_space<semaphore_mem>>) src(%dma_wait3A_395 : memref<8192xi32, #tpu.memory_space<hbm>>) dst(%arg8 : memref<8192xi32, #tpu.memory_space<vmem>>)
      tpu.yield
    }) : () -> ()
    %scan3A_193 = arith.constant 0 : i32
    %scan3A_194 = arith.constant 0 : i32
    %scan3A_195 = arith.constant 128 : i32
    %scan3A_196 = arith.addi %scan3A_194, %scan3A_195 : i32
    %scan3A_197 = arith.constant 1 : i32
    scf.for %scan3A_394 = %scan3A_194 to %scan3A_196 step %scan3A_197  : i32 {
      %mul3A_395 = arith.constant 4 : i32
      %mul3A_396 = arith.muli %scan3A_394, %mul3A_395 : i32
      %add3A_397 = arith.constant 0 : i32
      %add3A_398 = arith.addi %mul3A_396, %add3A_397 : i32
      %mul3A_399 = arith.constant 16 : i32
      %mul3A_400 = arith.muli %add3A_398, %mul3A_399 : i32
      %get3A_401 = arith.index_cast %mul3A_400 : i32 to index
      %get3A_402 = tpu.vector_load %arg8[%get3A_401] {strides = array<i32>} : memref<8192xi32, #tpu.memory_space<vmem>>, vector<16xi32>,
      %get3A_403 = arith.index_cast %mul3A_400 : i32 to index
      %get3A_404 = tpu.vector_load %arg6[%get3A_403] {strides = array<i32>} : memref<8192xf32, #tpu.memory_space<vmem>>, vector<16xf32>,
      %get3A_405 = arith.index_cast %mul3A_400 : i32 to index
      %get3A_406 = tpu.vector_load %arg7[%get3A_405] {strides = array<i32>} : memref<8192xf32, #tpu.memory_space<vmem>>, vector<16xf32>,
      %mul3A_407 = arith.constant 4 : i32
      %mul3A_408 = vector.broadcast %mul3A_407 : i32 to vector<16xi32>
      %mul3A_409 = arith.muli %get3A_402, %mul3A_408 : vector<16xi32>
      %add3A_410 = arith.addi %mul3A_133, %mul3A_409 : vector<16xi32>
      %mul3A_411 = arith.mulf %get3A_404, %get3A_404 : vector<16xf32>
      %mul3A_412 = arith.mulf %get3A_406, %get3A_406 : vector<16xf32>
      %add3A_413 = arith.addf %mul3A_411, %mul3A_412 : vector<16xf32>
      tpu.vector_store_idx %arg9[%add3A_410], %broadcast_in_dim3A_135 {add = true} : memref<1024xf32, #tpu.memory_space<vmem>>[vector<16xi32>], vector<16xf32>,
      %add3A_414 = arith.constant 1 : i32
      %add3A_415 = vector.broadcast %add3A_414 : i32 to vector<16xi32>
      %add3A_416 = arith.addi %add3A_410, %add3A_415 : vector<16xi32>
      tpu.vector_store_idx %arg9[%add3A_416], %get3A_404 {add = true} : memref<1024xf32, #tpu.memory_space<vmem>>[vector<16xi32>], vector<16xf32>,
      %add3A_417 = arith.constant 2 : i32
      %add3A_418 = vector.broadcast %add3A_417 : i32 to vector<16xi32>
      %add3A_419 = arith.addi %add3A_410, %add3A_418 : vector<16xi32>
      tpu.vector_store_idx %arg9[%add3A_419], %get3A_406 {add = true} : memref<1024xf32, #tpu.memory_space<vmem>>[vector<16xi32>], vector<16xf32>,
      %add3A_420 = arith.constant 3 : i32
      %add3A_421 = vector.broadcast %add3A_420 : i32 to vector<16xi32>
      %add3A_422 = arith.addi %add3A_410, %add3A_421 : vector<16xi32>
      tpu.vector_store_idx %arg9[%add3A_422], %add3A_413 {add = true} : memref<1024xf32, #tpu.memory_space<vmem>>[vector<16xi32>], vector<16xf32>,
      %mul3A_423 = arith.constant 4 : i32
      %mul3A_424 = arith.muli %scan3A_394, %mul3A_423 : i32
      %add3A_425 = arith.constant 1 : i32
      %add3A_426 = arith.addi %mul3A_424, %add3A_425 : i32
      %mul3A_427 = arith.constant 16 : i32
      %mul3A_428 = arith.muli %add3A_426, %mul3A_427 : i32
      %get3A_429 = arith.index_cast %mul3A_428 : i32 to index
      %get3A_430 = tpu.vector_load %arg8[%get3A_429] {strides = array<i32>} : memref<8192xi32, #tpu.memory_space<vmem>>, vector<16xi32>,
      %get3A_431 = arith.index_cast %mul3A_428 : i32 to index
      %get3A_432 = tpu.vector_load %arg6[%get3A_431] {strides = array<i32>} : memref<8192xf32, #tpu.memory_space<vmem>>, vector<16xf32>,
      %get3A_433 = arith.index_cast %mul3A_428 : i32 to index
      %get3A_434 = tpu.vector_load %arg7[%get3A_433] {strides = array<i32>} : memref<8192xf32, #tpu.memory_space<vmem>>, vector<16xf32>,
      %mul3A_435 = arith.constant 4 : i32
      %mul3A_436 = vector.broadcast %mul3A_435 : i32 to vector<16xi32>
      %mul3A_437 = arith.muli %get3A_430, %mul3A_436 : vector<16xi32>
      %add3A_438 = arith.addi %mul3A_133, %mul3A_437 : vector<16xi32>
      %mul3A_439 = arith.mulf %get3A_432, %get3A_432 : vector<16xf32>
      %mul3A_440 = arith.mulf %get3A_434, %get3A_434 : vector<16xf32>
      %add3A_441 = arith.addf %mul3A_439, %mul3A_440 : vector<16xf32>
      tpu.vector_store_idx %arg9[%add3A_438], %broadcast_in_dim3A_135 {add = true} : memref<1024xf32, #tpu.memory_space<vmem>>[vector<16xi32>], vector<16xf32>,
      %add3A_442 = arith.constant 1 : i32
      %add3A_443 = vector.broadcast %add3A_442 : i32 to vector<16xi32>
      %add3A_444 = arith.addi %add3A_438, %add3A_443 : vector<16xi32>
      tpu.vector_store_idx %arg9[%add3A_444], %get3A_432 {add = true} : memref<1024xf32, #tpu.memory_space<vmem>>[vector<16xi32>], vector<16xf32>,
      %add3A_445 = arith.constant 2 : i32
      %add3A_446 = vector.broadcast %add3A_445 : i32 to vector<16xi32>
      %add3A_447 = arith.addi %add3A_438, %add3A_446 : vector<16xi32>
      tpu.vector_store_idx %arg9[%add3A_447], %get3A_434 {add = true} : memref<1024xf32, #tpu.memory_space<vmem>>[vector<16xi32>], vector<16xf32>,
      %add3A_448 = arith.constant 3 : i32
      %add3A_449 = vector.broadcast %add3A_448 : i32 to vector<16xi32>
      %add3A_450 = arith.addi %add3A_438, %add3A_449 : vector<16xi32>
      tpu.vector_store_idx %arg9[%add3A_450], %add3A_441 {add = true} : memref<1024xf32, #tpu.memory_space<vmem>>[vector<16xi32>], vector<16xf32>,
      %mul3A_451 = arith.constant 4 : i32
      %mul3A_452 = arith.muli %scan3A_394, %mul3A_451 : i32
      %add3A_453 = arith.constant 2 : i32
      %add3A_454 = arith.addi %mul3A_452, %add3A_453 : i32
      %mul3A_455 = arith.constant 16 : i32
      %mul3A_456 = arith.muli %add3A_454, %mul3A_455 : i32
      %get3A_457 = arith.index_cast %mul3A_456 : i32 to index
      %get3A_458 = tpu.vector_load %arg8[%get3A_457] {strides = array<i32>} : memref<8192xi32, #tpu.memory_space<vmem>>, vector<16xi32>,
      %get3A_459 = arith.index_cast %mul3A_456 : i32 to index
      %get3A_460 = tpu.vector_load %arg6[%get3A_459] {strides = array<i32>} : memref<8192xf32, #tpu.memory_space<vmem>>, vector<16xf32>,
      %get3A_461 = arith.index_cast %mul3A_456 : i32 to index
      %get3A_462 = tpu.vector_load %arg7[%get3A_461] {strides = array<i32>} : memref<8192xf32, #tpu.memory_space<vmem>>, vector<16xf32>,
      %mul3A_463 = arith.constant 4 : i32
      %mul3A_464 = vector.broadcast %mul3A_463 : i32 to vector<16xi32>
      %mul3A_465 = arith.muli %get3A_458, %mul3A_464 : vector<16xi32>
      %add3A_466 = arith.addi %mul3A_133, %mul3A_465 : vector<16xi32>
      %mul3A_467 = arith.mulf %get3A_460, %get3A_460 : vector<16xf32>
      %mul3A_468 = arith.mulf %get3A_462, %get3A_462 : vector<16xf32>
      %add3A_469 = arith.addf %mul3A_467, %mul3A_468 : vector<16xf32>
      tpu.vector_store_idx %arg9[%add3A_466], %broadcast_in_dim3A_135 {add = true} : memref<1024xf32, #tpu.memory_space<vmem>>[vector<16xi32>], vector<16xf32>,
      %add3A_470 = arith.constant 1 : i32
      %add3A_471 = vector.broadcast %add3A_470 : i32 to vector<16xi32>
      %add3A_472 = arith.addi %add3A_466, %add3A_471 : vector<16xi32>
      tpu.vector_store_idx %arg9[%add3A_472], %get3A_460 {add = true} : memref<1024xf32, #tpu.memory_space<vmem>>[vector<16xi32>], vector<16xf32>,
      %add3A_473 = arith.constant 2 : i32
      %add3A_474 = vector.broadcast %add3A_473 : i32 to vector<16xi32>
      %add3A_475 = arith.addi %add3A_466, %add3A_474 : vector<16xi32>
      tpu.vector_store_idx %arg9[%add3A_475], %get3A_462 {add = true} : memref<1024xf32, #tpu.memory_space<vmem>>[vector<16xi32>], vector<16xf32>,
      %add3A_476 = arith.constant 3 : i32
      %add3A_477 = vector.broadcast %add3A_476 : i32 to vector<16xi32>
      %add3A_478 = arith.addi %add3A_466, %add3A_477 : vector<16xi32>
      tpu.vector_store_idx %arg9[%add3A_478], %add3A_469 {add = true} : memref<1024xf32, #tpu.memory_space<vmem>>[vector<16xi32>], vector<16xf32>,
      %mul3A_479 = arith.constant 4 : i32
      %mul3A_480 = arith.muli %scan3A_394, %mul3A_479 : i32
      %add3A_481 = arith.constant 3 : i32
      %add3A_482 = arith.addi %mul3A_480, %add3A_481 : i32
      %mul3A_483 = arith.constant 16 : i32
      %mul3A_484 = arith.muli %add3A_482, %mul3A_483 : i32
      %get3A_485 = arith.index_cast %mul3A_484 : i32 to index
      %get3A_486 = tpu.vector_load %arg8[%get3A_485] {strides = array<i32>} : memref<8192xi32, #tpu.memory_space<vmem>>, vector<16xi32>,
      %get3A_487 = arith.index_cast %mul3A_484 : i32 to index
      %get3A_488 = tpu.vector_load %arg6[%get3A_487] {strides = array<i32>} : memref<8192xf32, #tpu.memory_space<vmem>>, vector<16xf32>,
      %get3A_489 = arith.index_cast %mul3A_484 : i32 to index
      %get3A_490 = tpu.vector_load %arg7[%get3A_489] {strides = array<i32>} : memref<8192xf32, #tpu.memory_space<vmem>>, vector<16xf32>,
      %mul3A_491 = arith.constant 4 : i32
      %mul3A_492 = vector.broadcast %mul3A_491 : i32 to vector<16xi32>
      %mul3A_493 = arith.muli %get3A_486, %mul3A_492 : vector<16xi32>
      %add3A_494 = arith.addi %mul3A_133, %mul3A_493 : vector<16xi32>
      %mul3A_495 = arith.mulf %get3A_488, %get3A_488 : vector<16xf32>
      %mul3A_496 = arith.mulf %get3A_490, %get3A_490 : vector<16xf32>
      %add3A_497 = arith.addf %mul3A_495, %mul3A_496 : vector<16xf32>
      tpu.vector_store_idx %arg9[%add3A_494], %broadcast_in_dim3A_135 {add = true} : memref<1024xf32, #tpu.memory_space<vmem>>[vector<16xi32>], vector<16xf32>,
      %add3A_498 = arith.constant 1 : i32
      %add3A_499 = vector.broadcast %add3A_498 : i32 to vector<16xi32>
      %add3A_500 = arith.addi %add3A_494, %add3A_499 : vector<16xi32>
      tpu.vector_store_idx %arg9[%add3A_500], %get3A_488 {add = true} : memref<1024xf32, #tpu.memory_space<vmem>>[vector<16xi32>], vector<16xf32>,
      %add3A_501 = arith.constant 2 : i32
      %add3A_502 = vector.broadcast %add3A_501 : i32 to vector<16xi32>
      %add3A_503 = arith.addi %add3A_494, %add3A_502 : vector<16xi32>
      tpu.vector_store_idx %arg9[%add3A_503], %get3A_490 {add = true} : memref<1024xf32, #tpu.memory_space<vmem>>[vector<16xi32>], vector<16xf32>,
      %add3A_504 = arith.constant 3 : i32
      %add3A_505 = vector.broadcast %add3A_504 : i32 to vector<16xi32>
      %add3A_506 = arith.addi %add3A_494, %add3A_505 : vector<16xi32>
      tpu.vector_store_idx %arg9[%add3A_506], %add3A_497 {add = true} : memref<1024xf32, #tpu.memory_space<vmem>>[vector<16xi32>], vector<16xf32>,
    }
    %scan3A_198 = arith.constant 128 : i32
    %get3A = arith.constant 0 : index
    %get3A_199 = tpu.vector_load %arg9[%get3A] {strides = array<i32>} : memref<1024xf32, #tpu.memory_space<vmem>>, vector<16xf32>,
    %get3A_200 = arith.constant 64 : index
    %get3A_201 = tpu.vector_load %arg9[%get3A_200] {strides = array<i32>} : memref<1024xf32, #tpu.memory_space<vmem>>, vector<16xf32>,
    %add3A_202 = arith.addf %get3A_199, %get3A_201 : vector<16xf32>
    %get3A_203 = arith.constant 128 : index
    %get3A_204 = tpu.vector_load %arg9[%get3A_203] {strides = array<i32>} : memref<1024xf32, #tpu.memory_space<vmem>>, vector<16xf32>,
    %add3A_205 = arith.addf %add3A_202, %get3A_204 : vector<16xf32>
    %get3A_206 = arith.constant 192 : index
    %get3A_207 = tpu.vector_load %arg9[%get3A_206] {strides = array<i32>} : memref<1024xf32, #tpu.memory_space<vmem>>, vector<16xf32>,
    %add3A_208 = arith.addf %add3A_205, %get3A_207 : vector<16xf32>
    %get3A_209 = arith.constant 256 : index
    %get3A_210 = tpu.vector_load %arg9[%get3A_209] {strides = array<i32>} : memref<1024xf32, #tpu.memory_space<vmem>>, vector<16xf32>,
    %add3A_211 = arith.addf %add3A_208, %get3A_210 : vector<16xf32>
    %get3A_212 = arith.constant 320 : index
    %get3A_213 = tpu.vector_load %arg9[%get3A_212] {strides = array<i32>} : memref<1024xf32, #tpu.memory_space<vmem>>, vector<16xf32>,
    %add3A_214 = arith.addf %add3A_211, %get3A_213 : vector<16xf32>
    %get3A_215 = arith.constant 384 : index
    %get3A_216 = tpu.vector_load %arg9[%get3A_215] {strides = array<i32>} : memref<1024xf32, #tpu.memory_space<vmem>>, vector<16xf32>,
    %add3A_217 = arith.addf %add3A_214, %get3A_216 : vector<16xf32>
    %get3A_218 = arith.constant 448 : index
    %get3A_219 = tpu.vector_load %arg9[%get3A_218] {strides = array<i32>} : memref<1024xf32, #tpu.memory_space<vmem>>, vector<16xf32>,
    %add3A_220 = arith.addf %add3A_217, %get3A_219 : vector<16xf32>
    %get3A_221 = arith.constant 512 : index
    %get3A_222 = tpu.vector_load %arg9[%get3A_221] {strides = array<i32>} : memref<1024xf32, #tpu.memory_space<vmem>>, vector<16xf32>,
    %add3A_223 = arith.addf %add3A_220, %get3A_222 : vector<16xf32>
    %get3A_224 = arith.constant 576 : index
    %get3A_225 = tpu.vector_load %arg9[%get3A_224] {strides = array<i32>} : memref<1024xf32, #tpu.memory_space<vmem>>, vector<16xf32>,
    %add3A_226 = arith.addf %add3A_223, %get3A_225 : vector<16xf32>
    %get3A_227 = arith.constant 640 : index
    %get3A_228 = tpu.vector_load %arg9[%get3A_227] {strides = array<i32>} : memref<1024xf32, #tpu.memory_space<vmem>>, vector<16xf32>,
    %add3A_229 = arith.addf %add3A_226, %get3A_228 : vector<16xf32>
    %get3A_230 = arith.constant 704 : index
    %get3A_231 = tpu.vector_load %arg9[%get3A_230] {strides = array<i32>} : memref<1024xf32, #tpu.memory_space<vmem>>, vector<16xf32>,
    %add3A_232 = arith.addf %add3A_229, %get3A_231 : vector<16xf32>
    %get3A_233 = arith.constant 768 : index
    %get3A_234 = tpu.vector_load %arg9[%get3A_233] {strides = array<i32>} : memref<1024xf32, #tpu.memory_space<vmem>>, vector<16xf32>,
    %add3A_235 = arith.addf %add3A_232, %get3A_234 : vector<16xf32>
    %get3A_236 = arith.constant 832 : index
    %get3A_237 = tpu.vector_load %arg9[%get3A_236] {strides = array<i32>} : memref<1024xf32, #tpu.memory_space<vmem>>, vector<16xf32>,
    %add3A_238 = arith.addf %add3A_235, %get3A_237 : vector<16xf32>
    %get3A_239 = arith.constant 896 : index
    %get3A_240 = tpu.vector_load %arg9[%get3A_239] {strides = array<i32>} : memref<1024xf32, #tpu.memory_space<vmem>>, vector<16xf32>,
    %add3A_241 = arith.addf %add3A_238, %get3A_240 : vector<16xf32>
    %get3A_242 = arith.constant 960 : index
    %get3A_243 = tpu.vector_load %arg9[%get3A_242] {strides = array<i32>} : memref<1024xf32, #tpu.memory_space<vmem>>, vector<16xf32>,
    %add3A_244 = arith.addf %add3A_241, %get3A_243 : vector<16xf32>
    %swap3A_245 = arith.constant 0 : index
    %swap3A_246 = tpu.vector_load %arg10[%swap3A_245] {strides = array<i32>} : memref<64xf32, #tpu.memory_space<vmem>>, vector<16xf32>,
    tpu.vector_store %arg10[%swap3A_245], %add3A_244 {strides = array<i32>} : memref<64xf32, #tpu.memory_space<vmem>>, vector<16xf32>,
    %get3A_247 = arith.constant 16 : index
    %get3A_248 = tpu.vector_load %arg9[%get3A_247] {strides = array<i32>} : memref<1024xf32, #tpu.memory_space<vmem>>, vector<16xf32>,
    %get3A_249 = arith.constant 80 : index
    %get3A_250 = tpu.vector_load %arg9[%get3A_249] {strides = array<i32>} : memref<1024xf32, #tpu.memory_space<vmem>>, vector<16xf32>,
    %add3A_251 = arith.addf %get3A_248, %get3A_250 : vector<16xf32>
    %get3A_252 = arith.constant 144 : index
    %get3A_253 = tpu.vector_load %arg9[%get3A_252] {strides = array<i32>} : memref<1024xf32, #tpu.memory_space<vmem>>, vector<16xf32>,
    %add3A_254 = arith.addf %add3A_251, %get3A_253 : vector<16xf32>
    %get3A_255 = arith.constant 208 : index
    %get3A_256 = tpu.vector_load %arg9[%get3A_255] {strides = array<i32>} : memref<1024xf32, #tpu.memory_space<vmem>>, vector<16xf32>,
    %add3A_257 = arith.addf %add3A_254, %get3A_256 : vector<16xf32>
    %get3A_258 = arith.constant 272 : index
    %get3A_259 = tpu.vector_load %arg9[%get3A_258] {strides = array<i32>} : memref<1024xf32, #tpu.memory_space<vmem>>, vector<16xf32>,
    %add3A_260 = arith.addf %add3A_257, %get3A_259 : vector<16xf32>
    %get3A_261 = arith.constant 336 : index
    %get3A_262 = tpu.vector_load %arg9[%get3A_261] {strides = array<i32>} : memref<1024xf32, #tpu.memory_space<vmem>>, vector<16xf32>,
    %add3A_263 = arith.addf %add3A_260, %get3A_262 : vector<16xf32>
    %get3A_264 = arith.constant 400 : index
    %get3A_265 = tpu.vector_load %arg9[%get3A_264] {strides = array<i32>} : memref<1024xf32, #tpu.memory_space<vmem>>, vector<16xf32>,
    %add3A_266 = arith.addf %add3A_263, %get3A_265 : vector<16xf32>
    %get3A_267 = arith.constant 464 : index
    %get3A_268 = tpu.vector_load %arg9[%get3A_267] {strides = array<i32>} : memref<1024xf32, #tpu.memory_space<vmem>>, vector<16xf32>,
    %add3A_269 = arith.addf %add3A_266, %get3A_268 : vector<16xf32>
    %get3A_270 = arith.constant 528 : index
    %get3A_271 = tpu.vector_load %arg9[%get3A_270] {strides = array<i32>} : memref<1024xf32, #tpu.memory_space<vmem>>, vector<16xf32>,
    %add3A_272 = arith.addf %add3A_269, %get3A_271 : vector<16xf32>
    %get3A_273 = arith.constant 592 : index
    %get3A_274 = tpu.vector_load %arg9[%get3A_273] {strides = array<i32>} : memref<1024xf32, #tpu.memory_space<vmem>>, vector<16xf32>,
    %add3A_275 = arith.addf %add3A_272, %get3A_274 : vector<16xf32>
    %get3A_276 = arith.constant 656 : index
    %get3A_277 = tpu.vector_load %arg9[%get3A_276] {strides = array<i32>} : memref<1024xf32, #tpu.memory_space<vmem>>, vector<16xf32>,
    %add3A_278 = arith.addf %add3A_275, %get3A_277 : vector<16xf32>
    %get3A_279 = arith.constant 720 : index
    %get3A_280 = tpu.vector_load %arg9[%get3A_279] {strides = array<i32>} : memref<1024xf32, #tpu.memory_space<vmem>>, vector<16xf32>,
    %add3A_281 = arith.addf %add3A_278, %get3A_280 : vector<16xf32>
    %get3A_282 = arith.constant 784 : index
    %get3A_283 = tpu.vector_load %arg9[%get3A_282] {strides = array<i32>} : memref<1024xf32, #tpu.memory_space<vmem>>, vector<16xf32>,
    %add3A_284 = arith.addf %add3A_281, %get3A_283 : vector<16xf32>
    %get3A_285 = arith.constant 848 : index
    %get3A_286 = tpu.vector_load %arg9[%get3A_285] {strides = array<i32>} : memref<1024xf32, #tpu.memory_space<vmem>>, vector<16xf32>,
    %add3A_287 = arith.addf %add3A_284, %get3A_286 : vector<16xf32>
    %get3A_288 = arith.constant 912 : index
    %get3A_289 = tpu.vector_load %arg9[%get3A_288] {strides = array<i32>} : memref<1024xf32, #tpu.memory_space<vmem>>, vector<16xf32>,
    %add3A_290 = arith.addf %add3A_287, %get3A_289 : vector<16xf32>
    %get3A_291 = arith.constant 976 : index
    %get3A_292 = tpu.vector_load %arg9[%get3A_291] {strides = array<i32>} : memref<1024xf32, #tpu.memory_space<vmem>>, vector<16xf32>,
    %add3A_293 = arith.addf %add3A_290, %get3A_292 : vector<16xf32>
    %swap3A_294 = arith.constant 16 : index
    %swap3A_295 = tpu.vector_load %arg10[%swap3A_294] {strides = array<i32>} : memref<64xf32, #tpu.memory_space<vmem>>, vector<16xf32>,
    tpu.vector_store %arg10[%swap3A_294], %add3A_293 {strides = array<i32>} : memref<64xf32, #tpu.memory_space<vmem>>, vector<16xf32>,
    %get3A_296 = arith.constant 32 : index
    %get3A_297 = tpu.vector_load %arg9[%get3A_296] {strides = array<i32>} : memref<1024xf32, #tpu.memory_space<vmem>>, vector<16xf32>,
    %get3A_298 = arith.constant 96 : index
    %get3A_299 = tpu.vector_load %arg9[%get3A_298] {strides = array<i32>} : memref<1024xf32, #tpu.memory_space<vmem>>, vector<16xf32>,
    %add3A_300 = arith.addf %get3A_297, %get3A_299 : vector<16xf32>
    %get3A_301 = arith.constant 160 : index
    %get3A_302 = tpu.vector_load %arg9[%get3A_301] {strides = array<i32>} : memref<1024xf32, #tpu.memory_space<vmem>>, vector<16xf32>,
    %add3A_303 = arith.addf %add3A_300, %get3A_302 : vector<16xf32>
    %get3A_304 = arith.constant 224 : index
    %get3A_305 = tpu.vector_load %arg9[%get3A_304] {strides = array<i32>} : memref<1024xf32, #tpu.memory_space<vmem>>, vector<16xf32>,
    %add3A_306 = arith.addf %add3A_303, %get3A_305 : vector<16xf32>
    %get3A_307 = arith.constant 288 : index
    %get3A_308 = tpu.vector_load %arg9[%get3A_307] {strides = array<i32>} : memref<1024xf32, #tpu.memory_space<vmem>>, vector<16xf32>,
    %add3A_309 = arith.addf %add3A_306, %get3A_308 : vector<16xf32>
    %get3A_310 = arith.constant 352 : index
    %get3A_311 = tpu.vector_load %arg9[%get3A_310] {strides = array<i32>} : memref<1024xf32, #tpu.memory_space<vmem>>, vector<16xf32>,
    %add3A_312 = arith.addf %add3A_309, %get3A_311 : vector<16xf32>
    %get3A_313 = arith.constant 416 : index
    %get3A_314 = tpu.vector_load %arg9[%get3A_313] {strides = array<i32>} : memref<1024xf32, #tpu.memory_space<vmem>>, vector<16xf32>,
    %add3A_315 = arith.addf %add3A_312, %get3A_314 : vector<16xf32>
    %get3A_316 = arith.constant 480 : index
    %get3A_317 = tpu.vector_load %arg9[%get3A_316] {strides = array<i32>} : memref<1024xf32, #tpu.memory_space<vmem>>, vector<16xf32>,
    %add3A_318 = arith.addf %add3A_315, %get3A_317 : vector<16xf32>
    %get3A_319 = arith.constant 544 : index
    %get3A_320 = tpu.vector_load %arg9[%get3A_319] {strides = array<i32>} : memref<1024xf32, #tpu.memory_space<vmem>>, vector<16xf32>,
    %add3A_321 = arith.addf %add3A_318, %get3A_320 : vector<16xf32>
    %get3A_322 = arith.constant 608 : index
    %get3A_323 = tpu.vector_load %arg9[%get3A_322] {strides = array<i32>} : memref<1024xf32, #tpu.memory_space<vmem>>, vector<16xf32>,
    %add3A_324 = arith.addf %add3A_321, %get3A_323 : vector<16xf32>
    %get3A_325 = arith.constant 672 : index
    %get3A_326 = tpu.vector_load %arg9[%get3A_325] {strides = array<i32>} : memref<1024xf32, #tpu.memory_space<vmem>>, vector<16xf32>,
    %add3A_327 = arith.addf %add3A_324, %get3A_326 : vector<16xf32>
    %get3A_328 = arith.constant 736 : index
    %get3A_329 = tpu.vector_load %arg9[%get3A_328] {strides = array<i32>} : memref<1024xf32, #tpu.memory_space<vmem>>, vector<16xf32>,
    %add3A_330 = arith.addf %add3A_327, %get3A_329 : vector<16xf32>
    %get3A_331 = arith.constant 800 : index
    %get3A_332 = tpu.vector_load %arg9[%get3A_331] {strides = array<i32>} : memref<1024xf32, #tpu.memory_space<vmem>>, vector<16xf32>,
    %add3A_333 = arith.addf %add3A_330, %get3A_332 : vector<16xf32>
    %get3A_334 = arith.constant 864 : index
    %get3A_335 = tpu.vector_load %arg9[%get3A_334] {strides = array<i32>} : memref<1024xf32, #tpu.memory_space<vmem>>, vector<16xf32>,
    %add3A_336 = arith.addf %add3A_333, %get3A_335 : vector<16xf32>
    %get3A_337 = arith.constant 928 : index
    %get3A_338 = tpu.vector_load %arg9[%get3A_337] {strides = array<i32>} : memref<1024xf32, #tpu.memory_space<vmem>>, vector<16xf32>,
    %add3A_339 = arith.addf %add3A_336, %get3A_338 : vector<16xf32>
    %get3A_340 = arith.constant 992 : index
    %get3A_341 = tpu.vector_load %arg9[%get3A_340] {strides = array<i32>} : memref<1024xf32, #tpu.memory_space<vmem>>, vector<16xf32>,
    %add3A_342 = arith.addf %add3A_339, %get3A_341 : vector<16xf32>
    %swap3A_343 = arith.constant 32 : index
    %swap3A_344 = tpu.vector_load %arg10[%swap3A_343] {strides = array<i32>} : memref<64xf32, #tpu.memory_space<vmem>>, vector<16xf32>,
    tpu.vector_store %arg10[%swap3A_343], %add3A_342 {strides = array<i32>} : memref<64xf32, #tpu.memory_space<vmem>>, vector<16xf32>,
    %get3A_345 = arith.constant 48 : index
    %get3A_346 = tpu.vector_load %arg9[%get3A_345] {strides = array<i32>} : memref<1024xf32, #tpu.memory_space<vmem>>, vector<16xf32>,
    %get3A_347 = arith.constant 112 : index
    %get3A_348 = tpu.vector_load %arg9[%get3A_347] {strides = array<i32>} : memref<1024xf32, #tpu.memory_space<vmem>>, vector<16xf32>,
    %add3A_349 = arith.addf %get3A_346, %get3A_348 : vector<16xf32>
    %get3A_350 = arith.constant 176 : index
    %get3A_351 = tpu.vector_load %arg9[%get3A_350] {strides = array<i32>} : memref<1024xf32, #tpu.memory_space<vmem>>, vector<16xf32>,
    %add3A_352 = arith.addf %add3A_349, %get3A_351 : vector<16xf32>
    %get3A_353 = arith.constant 240 : index
    %get3A_354 = tpu.vector_load %arg9[%get3A_353] {strides = array<i32>} : memref<1024xf32, #tpu.memory_space<vmem>>, vector<16xf32>,
    %add3A_355 = arith.addf %add3A_352, %get3A_354 : vector<16xf32>
    %get3A_356 = arith.constant 304 : index
    %get3A_357 = tpu.vector_load %arg9[%get3A_356] {strides = array<i32>} : memref<1024xf32, #tpu.memory_space<vmem>>, vector<16xf32>,
    %add3A_358 = arith.addf %add3A_355, %get3A_357 : vector<16xf32>
    %get3A_359 = arith.constant 368 : index
    %get3A_360 = tpu.vector_load %arg9[%get3A_359] {strides = array<i32>} : memref<1024xf32, #tpu.memory_space<vmem>>, vector<16xf32>,
    %add3A_361 = arith.addf %add3A_358, %get3A_360 : vector<16xf32>
    %get3A_362 = arith.constant 432 : index
    %get3A_363 = tpu.vector_load %arg9[%get3A_362] {strides = array<i32>} : memref<1024xf32, #tpu.memory_space<vmem>>, vector<16xf32>,
    %add3A_364 = arith.addf %add3A_361, %get3A_363 : vector<16xf32>
    %get3A_365 = arith.constant 496 : index
    %get3A_366 = tpu.vector_load %arg9[%get3A_365] {strides = array<i32>} : memref<1024xf32, #tpu.memory_space<vmem>>, vector<16xf32>,
    %add3A_367 = arith.addf %add3A_364, %get3A_366 : vector<16xf32>
    %get3A_368 = arith.constant 560 : index
    %get3A_369 = tpu.vector_load %arg9[%get3A_368] {strides = array<i32>} : memref<1024xf32, #tpu.memory_space<vmem>>, vector<16xf32>,
    %add3A_370 = arith.addf %add3A_367, %get3A_369 : vector<16xf32>
    %get3A_371 = arith.constant 624 : index
    %get3A_372 = tpu.vector_load %arg9[%get3A_371] {strides = array<i32>} : memref<1024xf32, #tpu.memory_space<vmem>>, vector<16xf32>,
    %add3A_373 = arith.addf %add3A_370, %get3A_372 : vector<16xf32>
    %get3A_374 = arith.constant 688 : index
    %get3A_375 = tpu.vector_load %arg9[%get3A_374] {strides = array<i32>} : memref<1024xf32, #tpu.memory_space<vmem>>, vector<16xf32>,
    %add3A_376 = arith.addf %add3A_373, %get3A_375 : vector<16xf32>
    %get3A_377 = arith.constant 752 : index
    %get3A_378 = tpu.vector_load %arg9[%get3A_377] {strides = array<i32>} : memref<1024xf32, #tpu.memory_space<vmem>>, vector<16xf32>,
    %add3A_379 = arith.addf %add3A_376, %get3A_378 : vector<16xf32>
    %get3A_380 = arith.constant 816 : index
    %get3A_381 = tpu.vector_load %arg9[%get3A_380] {strides = array<i32>} : memref<1024xf32, #tpu.memory_space<vmem>>, vector<16xf32>,
    %add3A_382 = arith.addf %add3A_379, %get3A_381 : vector<16xf32>
    %get3A_383 = arith.constant 880 : index
    %get3A_384 = tpu.vector_load %arg9[%get3A_383] {strides = array<i32>} : memref<1024xf32, #tpu.memory_space<vmem>>, vector<16xf32>,
    %add3A_385 = arith.addf %add3A_382, %get3A_384 : vector<16xf32>
    %get3A_386 = arith.constant 944 : index
    %get3A_387 = tpu.vector_load %arg9[%get3A_386] {strides = array<i32>} : memref<1024xf32, #tpu.memory_space<vmem>>, vector<16xf32>,
    %add3A_388 = arith.addf %add3A_385, %get3A_387 : vector<16xf32>
    %get3A_389 = arith.constant 1008 : index
    %get3A_390 = tpu.vector_load %arg9[%get3A_389] {strides = array<i32>} : memref<1024xf32, #tpu.memory_space<vmem>>, vector<16xf32>,
    %add3A_391 = arith.addf %add3A_388, %get3A_390 : vector<16xf32>
    %swap3A_392 = arith.constant 48 : index
    %swap3A_393 = tpu.vector_load %arg10[%swap3A_392] {strides = array<i32>} : memref<64xf32, #tpu.memory_space<vmem>>, vector<16xf32>,
    tpu.vector_store %arg10[%swap3A_392], %add3A_391 {strides = array<i32>} : memref<64xf32, #tpu.memory_space<vmem>>, vector<16xf32>,
    "tpu.region"() ({
      %run_scoped3A = tpu.sem_alloc : memref<!tpu.dma_semaphore, #tpu.memory_space<semaphore_mem>>
      %dma_start3A = arith.constant 0 : i32
      %dma_start3A_394 = tpu.memref_slice %arg5[%add3A, %dma_start3A] : memref<32x64xf32, #tpu.memory_space<hbm>> -> memref<1x64xf32, #tpu.memory_space<hbm>>
      %dma_start3A_395 = tpu.memref_squeeze %dma_start3A_394 : memref<1x64xf32, #tpu.memory_space<hbm>> -> memref<64xf32, #tpu.memory_space<hbm>>
      %dma_start3A_396 = arith.constant 0 : i32
      %dma_start3A_397 = tpu.memref_slice %arg5[%add3A, %dma_start3A_396] : memref<32x64xf32, #tpu.memory_space<hbm>> -> memref<1x64xf32, #tpu.memory_space<hbm>>
      %dma_start3A_398 = tpu.memref_squeeze %dma_start3A_397 : memref<1x64xf32, #tpu.memory_space<hbm>> -> memref<64xf32, #tpu.memory_space<hbm>>
      tpu.enqueue_dma source(%arg10 : memref<64xf32, #tpu.memory_space<vmem>>) target(%dma_start3A_398 : memref<64xf32, #tpu.memory_space<hbm>>) target_semaphore(%run_scoped3A : memref<!tpu.dma_semaphore, #tpu.memory_space<semaphore_mem>>)
      %dma_wait3A = arith.constant 0 : i32
      %dma_wait3A_399 = tpu.memref_slice %arg5[%add3A, %dma_wait3A] : memref<32x64xf32, #tpu.memory_space<hbm>> -> memref<1x64xf32, #tpu.memory_space<hbm>>
      %dma_wait3A_400 = tpu.memref_squeeze %dma_wait3A_399 : memref<1x64xf32, #tpu.memory_space<hbm>> -> memref<64xf32, #tpu.memory_space<hbm>>
      %dma_wait3A_401 = arith.constant 0 : i32
      %dma_wait3A_402 = tpu.memref_slice %arg5[%add3A, %dma_wait3A_401] : memref<32x64xf32, #tpu.memory_space<hbm>> -> memref<1x64xf32, #tpu.memory_space<hbm>>
      %dma_wait3A_403 = tpu.memref_squeeze %dma_wait3A_402 : memref<1x64xf32, #tpu.memory_space<hbm>> -> memref<64xf32, #tpu.memory_space<hbm>>
      tpu.wait_dma2 semaphore(%run_scoped3A : memref<!tpu.dma_semaphore, #tpu.memory_space<semaphore_mem>>) src(%arg10 : memref<64xf32, #tpu.memory_space<vmem>>) dst(%dma_wait3A_403 : memref<64xf32, #tpu.memory_space<hbm>>)
      tpu.yield
    }) : () -> ()
    return
  }
}

</mosaic_0001>

<sc_bundles>
// kernel: kernel.3.cloned.1.call-start
scs
__scs_entry_jumppad:
0x0: {  	(pc) =	sbr.rel $0x88, $3  }
0x1: {  	(tag) =	ssettag $0x0;
	lr =	simm.s32 $0x1  }
0x2: {  	[smem:$0x3F9F] =	sst lr;
	_ =	strace $0xD0000000  }
0x3: {  	_ = 	snop  }
0x4: {  	_ = 	snop  }
0x5: {  	_ = 	snop  }
0x6: {  	_ = 	snop  }
0x7: {  	_ = 	snop  }
__scs_overlays_trampoline_lowered:
0x8: {  	[smem:$0x3FAE] =	sst s0  }
0x9: {  	[smem:$0x3FAF] =	sst s1  }
0xa: {  	[smem:$0x3FB0] =	sst s2  }
0xb: {  	[smem:$0x3FB1] =	sst s3  }
0xc: {  	[smem:$0x3FB2] =	sst s4  }
0xd: {  	[smem:$0x3FB3] =	sst s5  }
0xe: {  	[smem:$0x3FB4] =	sst s6  }
0xf: {  	[smem:$0x3FB5] =	sst s7  }
0x10: {  	[smem:$0x3FB6] =	sst s8  }
0x11: {  	[smem:$0x3FB7] =	sst s9;
	s0 =	simm.s32 @!p0 $0x0  }
0x12: {  	s1 =	sld [smem:$0x3F9D];
	s0 =	simm.s32 @p0 $0x1  }
0x13: {  	[smem:$0x3FB8] =	sst s0;
	s0 =	simm.s32 @!p1 $0x0  }
0x14: {  	s2 =	sld [smem:$0x3F9C];
	s0 =	simm.s32 @p1 $0x1  }
0x15: {  	[smem:$0x3FB9] =	sst s0;
	s0 =	simm.s32 @!p2 $0x0  }
0x16: {  	s3 =	sld [smem:$0x3FDB];
	s0 =	simm.s32 @p2 $0x1  }
0x17: {  	s4 =	simm.s32 $0x1BF5;
	[smem:$0x3FBB] =	sst s0  }
0x18: {  	s0 =	sld [smem:$0x3F9E];
	_ =	swait.ge [sflag:s4], $0x0  }
0x19: {  	s7 =	sld [smem:$0x3F9F]  }
0x1a: {  	s8 =	sadd.s32 $0xFFFFE003, lr  }
0x1b: {  	s9 =	sadd.s32 $0xFFFFFEF7, lr;
	s5 =	simm.s32 $0xFFFFFFFF;
	p2 =	slt.u32 s8, $0xFFFFF086  }
0x1c: {  	p1 =	slt.u32 s9, $0xF7A;
	s5 =	simm.s32 @!p2 $0x0  }
0x1d: {  	s5 =	simm.s32 @p1 $0x1;
	p0 =	seq.s32 s7, s2  }
0x1e: {  	s7 =	smul.u32 @!p0 $0xF7A, s2;
	p2 =	seq.s32 @!p0 s5, $0x0  }
0x1f: {  	s9 =	smul.u32 $0xF7A, s1;
	s8 =	simm.s32 @!p0 $0x1BF5;
	p2 =	por !p2, p0  }
0x20: {  	[sflag:s8] =	ssyncset.s32 @!p0 $0xFFFFF086;
	s6 =	sadd.s32 @!p0 s3, s7;
	s7 =	simm.s32 @!p0 $0x108  }
0x21: {  	s3 =	sadd.s32 s3, s9;
	s6 =	sadd.s32 @!p0 $0x88, s6;
	s7 =	simm.s32 @p2 $0x1082  }
0x22: {  	[simem:s7], [sflag:s8] =	dma.local @!p0 [hbm:s6], $0xF7A  }
0x23: {  	s9 =	sor.u32 $0xD0000000, s2;
	s6 =	simm.s32 $0x108;
	_ =	swait.ge @!p0 [sflag:s8], $0x0  }
0x24: {  	s3 =	sadd.s32 $0x88, s3;
	s6 =	simm.s32 @!p1 $0x1082;
	[sflag:s4] =	ssyncset.s32 $0xFFFFF086  }
0x25: {  	[simem:s6], [sflag:s4] =	dma.local [hbm:s3], $0xF7A  }
0x26: {  	[smem:$0x3F9F] =	sst s1;
	(tag) =	ssettag s2;
	_ =	strace s9  }
0x27: {  	s1 =	sld [smem:$0x3FAF]  }
0x28: {  	s2 =	sld [smem:$0x3FB0]  }
0x29: {  	s4 =	sld [smem:$0x3FB2]  }
0x2a: {  	p0 =	seq.s32 s5, $0x0;
	s5 =	sld [smem:$0x3FB3]  }
0x2b: {  	s6 =	sld [smem:$0x3FB4]  }
0x2c: {  	s7 =	sld [smem:$0x3FB5]  }
0x2d: {  	s3 =	simm.s32 $0x108;
	s8 =	sld [smem:$0x3FB6]  }
0x2e: {  	s3 =	simm.s32 @!p0 $0x1082;
	s9 =	sld [smem:$0x3FB7]  }
0x2f: {  	lr =	sadd.s32 s0, s3;
	s0 =	sld [smem:$0x3FAE]  }
0x30: {  	s3 =	sld [smem:$0x3FB1]  }
0x31: {  	[smem:$0x3FBA] =	sst s10  }
0x32: {  	s10 =	sld [smem:$0x3FB8];
	_ =	sdelay $0x3  }
0x33: {  	p0 =	seq.s32 s10, $0x1;
	s10 =	sld [smem:$0x3FBA];
	_ =	sdelay $0x3  }
0x34: {  	[smem:$0x3FBA] =	sst s10  }
0x35: {  	s10 =	sld [smem:$0x3FB9];
	_ =	sdelay $0x3  }
0x36: {  	p1 =	seq.s32 s10, $0x1;
	s10 =	sld [smem:$0x3FBA];
	_ =	sdelay $0x3  }
0x37: {  	[smem:$0x3FBA] =	sst s10  }
0x38: {  	s10 =	sld [smem:$0x3FBB]  }
0x39: {  	_ = 	snop;
	(pc) =	sbr.ind lr, $3  }
0x3a: {  	_ = 	snop  }
0x3b: {  	_ = 	snop  }
0x3c: {  	p2 =	seq.s32 s10, $0x1;
	s10 =	sld [smem:$0x3FBA]  }
0x3d: {  	_ =	shalt  }
0x3e: {  	_ =	shalt  }
0x3f: {  	_ =	shalt  }
0x40: {  	_ =	shalt  }
0x41: {  	_ =	shalt  }
0x42: {  	_ =	shalt  }
0x43: {  	_ =	shalt  }
0x44: {  	_ =	shalt  }
0x45: {  	_ =	shalt  }
0x46: {  	_ =	shalt  }
0x47: {  	_ =	shalt  }
0x48: {  	_ =	shalt  }
0x49: {  	_ =	shalt  }
0x4a: {  	_ =	shalt  }
0x4b: {  	_ =	shalt  }
0x4c: {  	_ =	shalt  }
0x4d: {  	_ =	shalt  }
0x4e: {  	_ =	shalt  }
0x4f: {  	_ =	shalt  }
0x50: {  	_ =	shalt  }
0x51: {  	_ =	shalt  }
0x52: {  	_ =	shalt  }
0x53: {  	_ =	shalt  }
0x54: {  	_ =	shalt  }
0x55: {  	_ =	shalt  }
0x56: {  	_ =	shalt  }
0x57: {  	_ =	shalt  }
0x58: {  	_ =	shalt  }
0x59: {  	_ =	shalt  }
0x5a: {  	_ =	shalt  }
0x5b: {  	_ =	shalt  }
0x5c: {  	_ =	shalt  }
0x5d: {  	_ =	shalt  }
0x5e: {  	_ =	shalt  }
0x5f: {  	_ =	shalt  }
0x60: {  	_ =	shalt  }
0x61: {  	_ =	shalt  }
0x62: {  	_ =	shalt  }
0x63: {  	_ =	shalt  }
0x64: {  	_ =	shalt  }
0x65: {  	_ =	shalt  }
0x66: {  	_ =	shalt  }
0x67: {  	_ =	shalt  }
0x68: {  	_ =	shalt  }
0x69: {  	_ =	shalt  }
0x6a: {  	_ =	shalt  }
0x6b: {  	_ =	shalt  }
0x6c: {  	_ =	shalt  }
0x6d: {  	_ =	shalt  }
0x6e: {  	_ =	shalt  }
0x6f: {  	_ =	shalt  }
0x70: {  	_ =	shalt  }
0x71: {  	_ =	shalt  }
0x72: {  	_ =	shalt  }
0x73: {  	_ =	shalt  }
0x74: {  	_ =	shalt  }
0x75: {  	_ =	shalt  }
0x76: {  	_ =	shalt  }
0x77: {  	_ =	shalt  }
0x78: {  	_ =	shalt  }
0x79: {  	_ =	shalt  }
0x7a: {  	_ =	shalt  }
0x7b: {  	_ =	shalt  }
0x7c: {  	_ =	shalt  }
0x7d: {  	_ =	shalt  }
0x7e: {  	_ =	shalt  }
0x7f: {  	_ =	shalt  }
0x80: {  	_ =	shalt  }
0x81: {  	_ =	shalt  }
0x82: {  	_ =	shalt  }
0x83: {  	_ =	shalt  }
0x84: {  	_ =	shalt  }
0x85: {  	_ =	shalt  }
0x86: {  	_ =	shalt  }
0x87: {  	_ =	shalt  }
.Lfunc_end0:
.L_simem_size_0:
called_computation_lowered:
.L_overlay_start_0:
0x88: {  	s2 =	sld [smem:$0x3FD9]  }
0x89: {  	s3 =	sld [smem:$0x3FFE];
	_ =	sdelay $0x1  }
0x8a: {  	s1 =	srdreg.scid  }
0x8b: {  	s0 =	sand.u32 $0x1, s1  }
0x8c: {  	s16 =	sshll.u32 s0, $0xA;
	s2 =	sadd.s32 s3, s2  }
0x8d: {  	s2 =	sadd.s32 s2, s16  }
0x8e: {  	[smem:$0x3FC6] =	sst s2  }
0x8f: {  	_ = 	snop  }
0x90: {  	(tm) =	ssettm $0x1  }
0x91: {  	s17 =	sld [smem:$0x3FFB];
	_ =	sdelay $0x3  }
0x92: {  	_ =	strace s17  }
0x93: {  	s2 =	sld [smem:$0x3FFC];
	_ =	sdelay $0x3  }
0x94: {  	_ =	strace s2  }
0x95: {  	s2 =	sld [smem:$0x3FFD];
	_ =	sdelay $0x3  }
0x96: {  	_ =	strace s2  }
0x97: {  	_ =	strace $0x8FFFFFFF  }
0x98: {  	s18 =	sld [smem:$0x3FDB];
	_ =	sdelay $0x1  }
0x99: {  	s19 =	simm.s32 $_scs_section_size  }
0x9a: {  	s4 =	simm.s32 $_size__tile_overlayer_lowered;
	s5 =	simm.s32 $_tile_overlayer_lowered  }
0x9b: {  	s22 =	simm.s32 $0x1BFF;
	s21 =	sshll.u32 s5, $0x1;
	s2 =	sadd.s32 s19, s18  }
0x9c: {  	s6 =	simm.s32 $0x0;
	s20 =	sshll.u32 s4, $0x1;
	s4 =	sadd.s32 s21, s2  }
0x9d: {  	[timem:s6], [sflag:s22] =	dma.local [hbm:s4], s20  }
0x9e: {  	_ =	swait.ge [sflag:s22], s20  }
0x9f: {  	s3 =	ssub.s32 $0x0, s20;
	[sflag:s22] =	ssyncset.done $0x0  }
0xa0: {  	[sflag:s22] =	ssyncadd.s32 s3;
	_ =	sdelay $0x1  }
0xa1: {  	s23 =	simm.s32 $0x1B8B  }
0xa2: {  	_ =	swait.ge [sflag:s23], $0x1  }
0xa3: {  	[sflag:s23] =	ssyncset.done $0x0  }
0xa4: {  	s25 =	simm.s32 $0x1B8E;
	s24 =	sld [smem:$0x3FFE];
	[sflag:s23] =	ssyncadd.s32 $0xFFFFFFFF  }
0xa5: {  	s26 =	simm.s32 $execute0_lowered;
	[smem:$0x3FD2] =	sst s25  }
0xa6: {  	s4 =	sshll.u32 s26, $0x1;
	_ =	strace $0x80000046;
	[dreg:$0x1] =	wrdreg $0xFFFFFFFF  }
0xa7: {  	s28 =	simm.s32 $_size_execute0_lowered;
	s2 =	sadd.s32 s2, s4;
	[dreg:$0x0] =	wrdreg $0x0  }
0xa8: {  	s4 =	sshll.u32 s28, $0x1;
	[dreg:$0x2] =	wrdreg s2  }
0xa9: {  	[dreg:$0x3] =	wrdreg s4  }
0xaa: {  	[dreg:$0x4] =	wrdreg $0xC0  }
0xab: {  	_ =	task [dreg:s6], $0x5FFFF  }
0xac: {  	[dreg:$0x1] =	wrdreg $0xFFFFFFFF  }
0xad: {  	[dreg:$0x0] =	wrdreg $0x60  }
0xae: {  	[dreg:$0x2] =	wrdreg s24  }
0xaf: {  	[dreg:$0x3] =	wrdreg $0x9  }
0xb0: {  	_ =	task.clear_ibuf [dreg:s6], $0x4FFFF;
	_ =	strace $0x90000046  }
0xb1: {  	s29 =	simm.s32 $0x9;
	_ =	strace $0x80000048  }
0xb2: {  	_ =	swait.ge [sflag:s29], $0x1  }
0xb3: {  	[sflag:s29] =	ssyncadd.s32 $0xFFFFFFFF  }
0xb4: {  	_ =	strace $0x90000048  }
0xb5: {  	_ =	sfence  }
0xb6: {  	s30 =	sld [smem:$0x0];
	_ =	sdelay $0x2  }
0xb7: {  	s31 =	sshll.u32 s1, $0xD;
	s1 =	sshrl.u32 s1, $0x2  }
0xb8: {  	s3 =	sand.u32 $0x4000, s31;
	s1 =	sadd.s32 s1, s30  }
0xb9: {  	s0 =	sor.u32 s3, s0;
	s1 =	sshll.u32 s1, $0x11  }
0xba: {  	s0 =	sor.u32 s1, s0  }
0xbb: {  	s0 =	sadd.s32 $0x8F2B, s0  }
0xbc: {  	[sflag:s0] =	ssyncadd.remote.s32 $0x1  }
0xbd: {  	_ =	sfence.sel $0xFFFF  }
0xbe: {  	[dreg:$0x0] =	wrdreg $0xFFFFFFFF;
	(pc) =	sbr.abs _section_cstart, $3  }
0xbf: {  	[dreg:$0x1] =	wrdreg $0xFFFFFFFF  }
0xc0: {  	_ =	task.clear_ibuf [dreg:s6], $0x2FFFF;
	_ =	strace $0x9FFFFFFF  }
0xc1: {  	(tm) =	ssettm $0x7FFFFFFF  }
tec
execute0_lowered:
.L_overlay_start_1:
0x0: {  	(tag) =	ssettag $0x1  }
0x1: {  	s0 =	rddreg [dreg:$0x0]  }
0x2: {  	s2 =	srdreg.scid;
	s3 =	stileid.u32;
	s1 =	simm.s32 $0x0  }
0x3: {  	s30 =	simm.s32 $0x1;
	s31 =	simm.s32 $0x2000;
	s2 =	sand.u32 $0x1, s2  }
0x4: {  	s3 =	sshll.u32 s3, $0x1;
	[smem:$0x7FF] =	sst s1;
	s21 =	sadd.s32 $0x40000, s0  }
0x5: {  	s26 =	sadd.s32 $0x80000, s0;
	s3 =	sor.u32 s2, s3;
	s2 =	ssub.s32 $0x2, s2  }
0x6: {  	s4 =	sshll.u32 s3, $0x4;
	s22 =	sshrl.u32 s2, $0x1;
	s3 =	sshll.u32 s3, $0xD  }
0x7: {  	s28 =	sadd.s32 s4, s0;
	s2 =	ssub.s32 s2, s22;
	s23 =	sadd.s32 s0, s3  }
0x8: {  	s6 =	sor.u32 $0x400, s3;
	s24 =	sadd.s32 s21, s3;
	s9 =	sor.u32 $0x800, s3  }
0x9: {  	s12 =	sor.u32 $0xC00, s3;
	s15 =	sor.u32 $0x1000, s3;
	[dreg:$0x2] =	wrdreg s23  }
0xa: {  	s18 =	sor.u32 $0x1400, s3;
	s19 =	sadd.s32 s26, s3;
	[dreg:$0x3] =	wrdreg s24  }
0xb: {  	s25 =	sadd.s32 s0, s6;
	s5 =	sadd.s32 s21, s6;
	s6 =	sadd.s32 s26, s6  }
0xc: {  	s7 =	sadd.s32 s0, s9;
	s8 =	sadd.s32 s21, s9;
	s9 =	sadd.s32 s26, s9  }
0xd: {  	s10 =	sadd.s32 s0, s12;
	s11 =	sadd.s32 s21, s12;
	s12 =	sadd.s32 s26, s12  }
0xe: {  	s13 =	sadd.s32 s0, s15;
	s14 =	sadd.s32 s21, s15;
	s15 =	sadd.s32 s26, s15  }
0xf: {  	s16 =	sadd.s32 s0, s18;
	s17 =	sadd.s32 s21, s18;
	s18 =	sadd.s32 s26, s18  }
0x10: {  	s23 =	sor.u32 $0x1800, s3;
	s3 =	sor.u32 $0x1C00, s3;
	s28 =	sadd.s32 $0xC0000, s28  }
0x11: {  	v0 =	vlaneseq.u32;
	s29 =	smax.u32 s2, $0x1;
	s2 =	simm.s32 $0x0;
	[dreg:$0x4] =	wrdreg s25  }
0x12: {  	v0 =	vmul.u32 $0x40, v0;
	s20 =	sadd.s32 s0, s23;
	s22 =	sadd.s32 s21, s23;
	s23 =	sadd.s32 s26, s23  }
0x13: {  	v1 =	vimm.f32 $0.0e+00;
	v2 =	vimm.f32 $1.000000000e+00;
	s24 =	sadd.s32 s0, s3;
	s25 =	sadd.s32 s21, s3;
	s26 =	sadd.s32 s26, s3  }
0x14: {  	v3 =	vor.u32 $0x1, v0;
	v4 =	vor.u32 $0x2, v0;
	v5 =	vor.u32 $0x3, v0;
	s21 =	simm.s32 $0x4000;
	s0 =	simm.s32 $0x6000;
	_ =	strace $0x80000047  }
.LBB2_1:
0x15: {  	[tilespmem:$0x6000] =	vst v1  }
0x16: {  	[tilespmem:$0x6010] =	vst v1  }
0x17: {  	[tilespmem:$0x6020] =	vst v1  }
0x18: {  	[tilespmem:$0x6030] =	vst v1  }
0x19: {  	[tilespmem:$0x6040] =	vst v1  }
0x1a: {  	[tilespmem:$0x6050] =	vst v1  }
0x1b: {  	[tilespmem:$0x6060] =	vst v1  }
0x1c: {  	[tilespmem:$0x6070] =	vst v1  }
0x1d: {  	[tilespmem:$0x6080] =	vst v1  }
0x1e: {  	[tilespmem:$0x6090] =	vst v1  }
0x1f: {  	[tilespmem:$0x60A0] =	vst v1  }
0x20: {  	[tilespmem:$0x60B0] =	vst v1  }
0x21: {  	[tilespmem:$0x60C0] =	vst v1  }
0x22: {  	[tilespmem:$0x60D0] =	vst v1  }
0x23: {  	[tilespmem:$0x60E0] =	vst v1  }
0x24: {  	[tilespmem:$0x60F0] =	vst v1  }
0x25: {  	[tilespmem:$0x6100] =	vst v1  }
0x26: {  	[tilespmem:$0x6110] =	vst v1  }
0x27: {  	[tilespmem:$0x6120] =	vst v1  }
0x28: {  	[tilespmem:$0x6130] =	vst v1  }
0x29: {  	[tilespmem:$0x6140] =	vst v1  }
0x2a: {  	[tilespmem:$0x6150] =	vst v1  }
0x2b: {  	[tilespmem:$0x6160] =	vst v1  }
0x2c: {  	[tilespmem:$0x6170] =	vst v1  }
0x2d: {  	[tilespmem:$0x6180] =	vst v1  }
0x2e: {  	[tilespmem:$0x6190] =	vst v1  }
0x2f: {  	[tilespmem:$0x61A0] =	vst v1  }
0x30: {  	[tilespmem:$0x61B0] =	vst v1  }
0x31: {  	[tilespmem:$0x61C0] =	vst v1  }
0x32: {  	[tilespmem:$0x61D0] =	vst v1  }
0x33: {  	[tilespmem:$0x61E0] =	vst v1  }
0x34: {  	[tilespmem:$0x61F0] =	vst v1  }
0x35: {  	[tilespmem:$0x6200] =	vst v1  }
0x36: {  	[tilespmem:$0x6210] =	vst v1  }
0x37: {  	[tilespmem:$0x6220] =	vst v1  }
0x38: {  	[tilespmem:$0x6230] =	vst v1  }
0x39: {  	[tilespmem:$0x6240] =	vst v1  }
0x3a: {  	[tilespmem:$0x6250] =	vst v1  }
0x3b: {  	[tilespmem:$0x6260] =	vst v1  }
0x3c: {  	[tilespmem:$0x6270] =	vst v1  }
0x3d: {  	[tilespmem:$0x6280] =	vst v1  }
0x3e: {  	[tilespmem:$0x6290] =	vst v1  }
0x3f: {  	[tilespmem:$0x62A0] =	vst v1  }
0x40: {  	[tilespmem:$0x62B0] =	vst v1  }
0x41: {  	[tilespmem:$0x62C0] =	vst v1  }
0x42: {  	[tilespmem:$0x62D0] =	vst v1  }
0x43: {  	[tilespmem:$0x62E0] =	vst v1  }
0x44: {  	[tilespmem:$0x62F0] =	vst v1  }
0x45: {  	[tilespmem:$0x6300] =	vst v1  }
0x46: {  	[tilespmem:$0x6310] =	vst v1  }
0x47: {  	[tilespmem:$0x6320] =	vst v1  }
0x48: {  	[tilespmem:$0x6330] =	vst v1  }
0x49: {  	[tilespmem:$0x6340] =	vst v1  }
0x4a: {  	[tilespmem:$0x6350] =	vst v1  }
0x4b: {  	[tilespmem:$0x6360] =	vst v1  }
0x4c: {  	[tilespmem:$0x6370] =	vst v1  }
0x4d: {  	[tilespmem:$0x6380] =	vst v1  }
0x4e: {  	[tilespmem:$0x6390] =	vst v1  }
0x4f: {  	[tilespmem:$0x63A0] =	vst v1  }
0x50: {  	[tilespmem:$0x63B0] =	vst v1  }
0x51: {  	[tilespmem:$0x63C0] =	vst v1  }
0x52: {  	[tilespmem:$0x63D0] =	vst v1  }
0x53: {  	[tilespmem:$0x63E0] =	vst v1  }
0x54: {  	[tilespmem:$0x63F0] =	vst v1;
	s3 =	rddreg [dreg:$0x2]  }
0x55: {  	[tilespmem:s1], [sflag:$0x1] =	stream.linear.gather [hbm4b:s3+s1], $0x2000, $0x38;
	[tilespmem:$0x6480] =	vst v63  }
0x56: {  	_ =	swait.ge [sflag:s30], $0x2000  }
0x57: {  	[sflag:s30] =	ssyncset.done $0x0  }
0x58: {  	s4 =	rddreg [dreg:$0x3];
	[sflag:s30] =	ssyncadd.s32 $0xFFFFE000  }
0x59: {  	[tilespmem:s31], [sflag:$0x1] =	stream.linear.gather [hbm4b:s4+s1], $0x2000, $0x38;
	[tilespmem:$0x6480] =	vst v63  }
0x5a: {  	_ =	swait.ge [sflag:s30], $0x2000  }
0x5b: {  	[sflag:s30] =	ssyncset.done $0x0  }
0x5c: {  	[sflag:s30] =	ssyncadd.s32 $0xFFFFE000  }
0x5d: {  	[tilespmem:s21], [sflag:$0x1] =	stream.linear.gather [hbm4b:s19+s1], $0x2000, $0x38;
	[tilespmem:$0x6480] =	vst v63  }
0x5e: {  	_ =	swait.ge [sflag:s30], $0x2000  }
0x5f: {  	[sflag:s30] =	ssyncset.done $0x0  }
0x60: {  	s3 =	simm.s32 $0x0;
	[sflag:s30] =	ssyncadd.s32 $0xFFFFE000  }
.LBB2_2:
0x61: {  	s4 =	sshra.s32 s3, $0x2  }
0x62: {  	v6 =	vld [tilespmem:s4+$0x4000];
	_ =	sdelay $0x3  }
0x63: {  	v7 =	vld [tilespmem:s4+$0x0]  }
0x64: {  	v8 =	vld [tilespmem:s4+$0x2000];
	v6 =	vshll.u32 v6, $0x2  }
0x65: {  	v9 =	vadd.s32 v0, v6  }
0x66: {  	v10 =	vadd.s32 v3, v6  }
0x67: {  	v11 =	vadd.s32 v4, v6  }
0x68: {  	v6 =	vadd.s32 v5, v6  }
0x69: {  	v12 =	vmul.f32 v7, v7;
	v13 =	vmul.f32 v8, v8  }
0x6a: {  	[tilespmem:v9+s0+$0x0] =	vst.idx.add.f32.msk $0xffff, v2  }
0x6b: {  	v45 =	vadd.f32 v13, v12;
	[tilespmem:v10+s0+$0x0] =	vst.idx.add.f32.msk $0xffff, v7  }
0x6c: {  	[tilespmem:v11+s0+$0x0] =	vst.idx.add.f32.msk $0xffff, v8  }
0x6d: {  	[tilespmem:v6+s0+$0x0] =	vst.idx.add.f32.msk $0xffff, v45  }
0x6e: {  	v6 =	vld [tilespmem:s4+$0x4010];
	_ =	sdelay $0x3  }
0x6f: {  	v7 =	vld [tilespmem:s4+$0x10]  }
0x70: {  	v8 =	vld [tilespmem:s4+$0x2010];
	v6 =	vshll.u32 v6, $0x2  }
0x71: {  	v46 =	vadd.s32 v0, v6  }
0x72: {  	v47 =	vadd.s32 v3, v6  }
0x73: {  	v48 =	vadd.s32 v4, v6  }
0x74: {  	v6 =	vadd.s32 v5, v6  }
0x75: {  	v49 =	vmul.f32 v7, v7;
	v50 =	vmul.f32 v8, v8  }
0x76: {  	[tilespmem:v46+s0+$0x0] =	vst.idx.add.f32.msk $0xffff, v2  }
0x77: {  	v51 =	vadd.f32 v50, v49;
	[tilespmem:v47+s0+$0x0] =	vst.idx.add.f32.msk $0xffff, v7  }
0x78: {  	[tilespmem:v48+s0+$0x0] =	vst.idx.add.f32.msk $0xffff, v8  }
0x79: {  	[tilespmem:v6+s0+$0x0] =	vst.idx.add.f32.msk $0xffff, v51  }
0x7a: {  	v6 =	vld [tilespmem:s4+$0x4020];
	_ =	sdelay $0x3  }
0x7b: {  	v7 =	vld [tilespmem:s4+$0x20]  }
0x7c: {  	v8 =	vld [tilespmem:s4+$0x2020];
	v6 =	vshll.u32 v6, $0x2  }
0x7d: {  	v52 =	vadd.s32 v0, v6  }
0x7e: {  	v53 =	vadd.s32 v3, v6  }
0x7f: {  	v54 =	vadd.s32 v4, v6  }
0x80: {  	v6 =	vadd.s32 v5, v6  }
0x81: {  	v55 =	vmul.f32 v7, v7;
	v56 =	vmul.f32 v8, v8  }
0x82: {  	[tilespmem:v52+s0+$0x0] =	vst.idx.add.f32.msk $0xffff, v2  }
0x83: {  	v57 =	vadd.f32 v56, v55;
	[tilespmem:v53+s0+$0x0] =	vst.idx.add.f32.msk $0xffff, v7  }
0x84: {  	[tilespmem:v54+s0+$0x0] =	vst.idx.add.f32.msk $0xffff, v8  }
0x85: {  	[tilespmem:v6+s0+$0x0] =	vst.idx.add.f32.msk $0xffff, v57  }
0x86: {  	v6 =	vld [tilespmem:s4+$0x4030];
	_ =	sdelay $0x3  }
0x87: {  	v7 =	vld [tilespmem:s4+$0x30]  }
0x88: {  	v8 =	vld [tilespmem:s4+$0x2030];
	v6 =	vshll.u32 v6, $0x2  }
0x89: {  	v58 =	vadd.s32 v0, v6  }
0x8a: {  	v59 =	vadd.s32 v3, v6  }
0x8b: {  	v60 =	vadd.s32 v4, v6  }
0x8c: {  	p0 =	sne.s32 s3, $0x7F00;
	v6 =	vadd.s32 v5, v6  }
.Ltmp0:
0x8d: {  	v61 =	vmul.f32 v7, v7;
	v62 =	vmul.f32 v8, v8;
	(pc) =	sbr.rel @p0 .LBB2_2-.Ltmp0, $4  }
0x8e: {  	[tilespmem:v58+s0+$0x0] =	vst.idx.add.f32.msk $0xffff, v2  }
0x8f: {  	v63 =	vadd.f32 v62, v61;
	[tilespmem:v59+s0+$0x0] =	vst.idx.add.f32.msk $0xffff, v7  }
0x90: {  	[tilespmem:v60+s0+$0x0] =	vst.idx.add.f32.msk $0xffff, v8  }
0x91: {  	s3 =	sadd.s32 $0x100, s3;
	[tilespmem:v6+s0+$0x0] =	vst.idx.add.f32.msk $0xffff, v63  }
0x92: {  	s3 =	simm.s32 $0x0;
	s4 =	rddreg [dreg:$0x4]  }
0x93: {  	[tilespmem:s3], [sflag:$0x1] =	stream.linear.gather [hbm4b:s4+s3], $0x2000, $0x38;
	[tilespmem:$0x6480] =	vst v63  }
0x94: {  	_ =	swait.ge [sflag:s30], $0x2000  }
0x95: {  	[sflag:s30] =	ssyncset.done $0x0  }
0x96: {  	[sflag:s30] =	ssyncadd.s32 $0xFFFFE000  }
0x97: {  	[tilespmem:s31], [sflag:$0x1] =	stream.linear.gather [hbm4b:s5+s3], $0x2000, $0x38;
	[tilespmem:$0x6480] =	vst v63  }
0x98: {  	_ =	swait.ge [sflag:s30], $0x2000  }
0x99: {  	[sflag:s30] =	ssyncset.done $0x0  }
0x9a: {  	[sflag:s30] =	ssyncadd.s32 $0xFFFFE000  }
0x9b: {  	[tilespmem:s21], [sflag:$0x1] =	stream.linear.gather [hbm4b:s6+s3], $0x2000, $0x38;
	[tilespmem:$0x6480] =	vst v63  }
0x9c: {  	_ =	swait.ge [sflag:s30], $0x2000  }
0x9d: {  	[sflag:s30] =	ssyncset.done $0x0  }
0x9e: {  	[sflag:s30] =	ssyncadd.s32 $0xFFFFE000  }
.LBB2_4:
0x9f: {  	s4 =	sshra.s32 s3, $0x2  }
0xa0: {  	v6 =	vld [tilespmem:s4+$0x4000];
	_ =	sdelay $0x3  }
0xa1: {  	v7 =	vld [tilespmem:s4+$0x0]  }
0xa2: {  	v8 =	vld [tilespmem:s4+$0x2000];
	v6 =	vshll.u32 v6, $0x2  }
0xa3: {  	v9 =	vadd.s32 v0, v6  }
0xa4: {  	v10 =	vadd.s32 v3, v6  }
0xa5: {  	v11 =	vadd.s32 v4, v6  }
0xa6: {  	v6 =	vadd.s32 v5, v6  }
0xa7: {  	v12 =	vmul.f32 v7, v7;
	v13 =	vmul.f32 v8, v8  }
0xa8: {  	[tilespmem:v9+s0+$0x0] =	vst.idx.add.f32.msk $0xffff, v2  }
0xa9: {  	v45 =	vadd.f32 v13, v12;
	[tilespmem:v10+s0+$0x0] =	vst.idx.add.f32.msk $0xffff, v7  }
0xaa: {  	[tilespmem:v11+s0+$0x0] =	vst.idx.add.f32.msk $0xffff, v8  }
0xab: {  	[tilespmem:v6+s0+$0x0] =	vst.idx.add.f32.msk $0xffff, v45  }
0xac: {  	v6 =	vld [tilespmem:s4+$0x4010];
	_ =	sdelay $0x3  }
0xad: {  	v7 =	vld [tilespmem:s4+$0x10]  }
0xae: {  	v8 =	vld [tilespmem:s4+$0x2010];
	v6 =	vshll.u32 v6, $0x2  }
0xaf: {  	v46 =	vadd.s32 v0, v6  }
0xb0: {  	v47 =	vadd.s32 v3, v6  }
0xb1: {  	v48 =	vadd.s32 v4, v6  }
0xb2: {  	v6 =	vadd.s32 v5, v6  }
0xb3: {  	v49 =	vmul.f32 v7, v7;
	v50 =	vmul.f32 v8, v8  }
0xb4: {  	[tilespmem:v46+s0+$0x0] =	vst.idx.add.f32.msk $0xffff, v2  }
0xb5: {  	v51 =	vadd.f32 v50, v49;
	[tilespmem:v47+s0+$0x0] =	vst.idx.add.f32.msk $0xffff, v7  }
0xb6: {  	[tilespmem:v48+s0+$0x0] =	vst.idx.add.f32.msk $0xffff, v8  }
0xb7: {  	[tilespmem:v6+s0+$0x0] =	vst.idx.add.f32.msk $0xffff, v51  }
0xb8: {  	v6 =	vld [tilespmem:s4+$0x4020];
	_ =	sdelay $0x3  }
0xb9: {  	v7 =	vld [tilespmem:s4+$0x20]  }
0xba: {  	v8 =	vld [tilespmem:s4+$0x2020];
	v6 =	vshll.u32 v6, $0x2  }
0xbb: {  	v52 =	vadd.s32 v0, v6  }
0xbc: {  	v53 =	vadd.s32 v3, v6  }
0xbd: {  	v54 =	vadd.s32 v4, v6  }
0xbe: {  	v6 =	vadd.s32 v5, v6  }
0xbf: {  	v55 =	vmul.f32 v7, v7;
	v56 =	vmul.f32 v8, v8  }
0xc0: {  	[tilespmem:v52+s0+$0x0] =	vst.idx.add.f32.msk $0xffff, v2  }
0xc1: {  	v57 =	vadd.f32 v56, v55;
	[tilespmem:v53+s0+$0x0] =	vst.idx.add.f32.msk $0xffff, v7  }
0xc2: {  	[tilespmem:v54+s0+$0x0] =	vst.idx.add.f32.msk $0xffff, v8  }
0xc3: {  	[tilespmem:v6+s0+$0x0] =	vst.idx.add.f32.msk $0xffff, v57  }
0xc4: {  	v6 =	vld [tilespmem:s4+$0x4030];
	_ =	sdelay $0x3  }
0xc5: {  	v7 =	vld [tilespmem:s4+$0x30]  }
0xc6: {  	v8 =	vld [tilespmem:s4+$0x2030];
	v6 =	vshll.u32 v6, $0x2  }
0xc7: {  	v58 =	vadd.s32 v0, v6  }
0xc8: {  	v59 =	vadd.s32 v3, v6  }
0xc9: {  	v60 =	vadd.s32 v4, v6  }
0xca: {  	p0 =	sne.s32 s3, $0x7F00;
	v6 =	vadd.s32 v5, v6  }
.Ltmp1:
0xcb: {  	v61 =	vmul.f32 v7, v7;
	v62 =	vmul.f32 v8, v8;
	(pc) =	sbr.rel @p0 .LBB2_4-.Ltmp1, $4  }
0xcc: {  	[tilespmem:v58+s0+$0x0] =	vst.idx.add.f32.msk $0xffff, v2  }
0xcd: {  	v63 =	vadd.f32 v62, v61;
	[tilespmem:v59+s0+$0x0] =	vst.idx.add.f32.msk $0xffff, v7  }
0xce: {  	[tilespmem:v60+s0+$0x0] =	vst.idx.add.f32.msk $0xffff, v8  }
0xcf: {  	s3 =	sadd.s32 $0x100, s3;
	[tilespmem:v6+s0+$0x0] =	vst.idx.add.f32.msk $0xffff, v63  }
0xd0: {  	s3 =	simm.s32 $0x0  }
0xd1: {  	[tilespmem:s3], [sflag:$0x1] =	stream.linear.gather [hbm4b:s7+s3], $0x2000, $0x38;
	[tilespmem:$0x6480] =	vst v63  }
0xd2: {  	_ =	swait.ge [sflag:s30], $0x2000  }
0xd3: {  	[sflag:s30] =	ssyncset.done $0x0  }
0xd4: {  	[sflag:s30] =	ssyncadd.s32 $0xFFFFE000  }
0xd5: {  	[tilespmem:s31], [sflag:$0x1] =	stream.linear.gather [hbm4b:s8+s3], $0x2000, $0x38;
	[tilespmem:$0x6480] =	vst v63  }
0xd6: {  	_ =	swait.ge [sflag:s30], $0x2000  }
0xd7: {  	[sflag:s30] =	ssyncset.done $0x0  }
0xd8: {  	[sflag:s30] =	ssyncadd.s32 $0xFFFFE000  }
0xd9: {  	[tilespmem:s21], [sflag:$0x1] =	stream.linear.gather [hbm4b:s9+s3], $0x2000, $0x38;
	[tilespmem:$0x6480] =	vst v63  }
0xda: {  	_ =	swait.ge [sflag:s30], $0x2000  }
0xdb: {  	[sflag:s30] =	ssyncset.done $0x0  }
0xdc: {  	[sflag:s30] =	ssyncadd.s32 $0xFFFFE000  }
.LBB2_6:
0xdd: {  	s4 =	sshra.s32 s3, $0x2  }
0xde: {  	v6 =	vld [tilespmem:s4+$0x4000];
	_ =	sdelay $0x3  }
0xdf: {  	v7 =	vld [tilespmem:s4+$0x0]  }
0xe0: {  	v8 =	vld [tilespmem:s4+$0x2000];
	v6 =	vshll.u32 v6, $0x2  }
0xe1: {  	v9 =	vadd.s32 v0, v6  }
0xe2: {  	v10 =	vadd.s32 v3, v6  }
0xe3: {  	v11 =	vadd.s32 v4, v6  }
0xe4: {  	v6 =	vadd.s32 v5, v6  }
0xe5: {  	v12 =	vmul.f32 v7, v7;
	v13 =	vmul.f32 v8, v8  }
0xe6: {  	[tilespmem:v9+s0+$0x0] =	vst.idx.add.f32.msk $0xffff, v2  }
0xe7: {  	v45 =	vadd.f32 v13, v12;
	[tilespmem:v10+s0+$0x0] =	vst.idx.add.f32.msk $0xffff, v7  }
0xe8: {  	[tilespmem:v11+s0+$0x0] =	vst.idx.add.f32.msk $0xffff, v8  }
0xe9: {  	[tilespmem:v6+s0+$0x0] =	vst.idx.add.f32.msk $0xffff, v45  }
0xea: {  	v6 =	vld [tilespmem:s4+$0x4010];
	_ =	sdelay $0x3  }
0xeb: {  	v7 =	vld [tilespmem:s4+$0x10]  }
0xec: {  	v8 =	vld [tilespmem:s4+$0x2010];
	v6 =	vshll.u32 v6, $0x2  }
0xed: {  	v46 =	vadd.s32 v0, v6  }
0xee: {  	v47 =	vadd.s32 v3, v6  }
0xef: {  	v48 =	vadd.s32 v4, v6  }
0xf0: {  	v6 =	vadd.s32 v5, v6  }
0xf1: {  	v49 =	vmul.f32 v7, v7;
	v50 =	vmul.f32 v8, v8  }
0xf2: {  	[tilespmem:v46+s0+$0x0] =	vst.idx.add.f32.msk $0xffff, v2  }
0xf3: {  	v51 =	vadd.f32 v50, v49;
	[tilespmem:v47+s0+$0x0] =	vst.idx.add.f32.msk $0xffff, v7  }
0xf4: {  	[tilespmem:v48+s0+$0x0] =	vst.idx.add.f32.msk $0xffff, v8  }
0xf5: {  	[tilespmem:v6+s0+$0x0] =	vst.idx.add.f32.msk $0xffff, v51  }
0xf6: {  	v6 =	vld [tilespmem:s4+$0x4020];
	_ =	sdelay $0x3  }
0xf7: {  	v7 =	vld [tilespmem:s4+$0x20]  }
0xf8: {  	v8 =	vld [tilespmem:s4+$0x2020];
	v6 =	vshll.u32 v6, $0x2  }
0xf9: {  	v52 =	vadd.s32 v0, v6  }
0xfa: {  	v53 =	vadd.s32 v3, v6  }
0xfb: {  	v54 =	vadd.s32 v4, v6  }
0xfc: {  	v6 =	vadd.s32 v5, v6  }
0xfd: {  	v55 =	vmul.f32 v7, v7;
	v56 =	vmul.f32 v8, v8  }
0xfe: {  	[tilespmem:v52+s0+$0x0] =	vst.idx.add.f32.msk $0xffff, v2  }
0xff: {  	v57 =	vadd.f32 v56, v55;
	[tilespmem:v53+s0+$0x0] =	vst.idx.add.f32.msk $0xffff, v7  }
0x100: {  	[tilespmem:v54+s0+$0x0] =	vst.idx.add.f32.msk $0xffff, v8  }
0x101: {  	[tilespmem:v6+s0+$0x0] =	vst.idx.add.f32.msk $0xffff, v57  }
0x102: {  	v6 =	vld [tilespmem:s4+$0x4030];
	_ =	sdelay $0x3  }
0x103: {  	v7 =	vld [tilespmem:s4+$0x30]  }
0x104: {  	v8 =	vld [tilespmem:s4+$0x2030];
	v6 =	vshll.u32 v6, $0x2  }
0x105: {  	v58 =	vadd.s32 v0, v6  }
0x106: {  	v59 =	vadd.s32 v3, v6  }
0x107: {  	v60 =	vadd.s32 v4, v6  }
0x108: {  	p0 =	sne.s32 s3, $0x7F00;
	v6 =	vadd.s32 v5, v6  }
.Ltmp2:
0x109: {  	v61 =	vmul.f32 v7, v7;
	v62 =	vmul.f32 v8, v8;
	(pc) =	sbr.rel @p0 .LBB2_6-.Ltmp2, $4  }
0x10a: {  	[tilespmem:v58+s0+$0x0] =	vst.idx.add.f32.msk $0xffff, v2  }
0x10b: {  	v63 =	vadd.f32 v62, v61;
	[tilespmem:v59+s0+$0x0] =	vst.idx.add.f32.msk $0xffff, v7  }
0x10c: {  	[tilespmem:v60+s0+$0x0] =	vst.idx.add.f32.msk $0xffff, v8  }
0x10d: {  	s3 =	sadd.s32 $0x100, s3;
	[tilespmem:v6+s0+$0x0] =	vst.idx.add.f32.msk $0xffff, v63  }
0x10e: {  	s3 =	simm.s32 $0x0  }
0x10f: {  	[tilespmem:s3], [sflag:$0x1] =	stream.linear.gather [hbm4b:s10+s3], $0x2000, $0x38;
	[tilespmem:$0x6480] =	vst v63  }
0x110: {  	_ =	swait.ge [sflag:s30], $0x2000  }
0x111: {  	[sflag:s30] =	ssyncset.done $0x0  }
0x112: {  	[sflag:s30] =	ssyncadd.s32 $0xFFFFE000  }
0x113: {  	[tilespmem:s31], [sflag:$0x1] =	stream.linear.gather [hbm4b:s11+s3], $0x2000, $0x38;
	[tilespmem:$0x6480] =	vst v63  }
0x114: {  	_ =	swait.ge [sflag:s30], $0x2000  }
0x115: {  	[sflag:s30] =	ssyncset.done $0x0  }
0x116: {  	[sflag:s30] =	ssyncadd.s32 $0xFFFFE000  }
0x117: {  	[tilespmem:s21], [sflag:$0x1] =	stream.linear.gather [hbm4b:s12+s3], $0x2000, $0x38;
	[tilespmem:$0x6480] =	vst v63  }
0x118: {  	_ =	swait.ge [sflag:s30], $0x2000  }
0x119: {  	[sflag:s30] =	ssyncset.done $0x0  }
0x11a: {  	[sflag:s30] =	ssyncadd.s32 $0xFFFFE000  }
.LBB2_8:
0x11b: {  	s4 =	sshra.s32 s3, $0x2  }
0x11c: {  	v6 =	vld [tilespmem:s4+$0x4000];
	_ =	sdelay $0x3  }
0x11d: {  	v7 =	vld [tilespmem:s4+$0x0]  }
0x11e: {  	v8 =	vld [tilespmem:s4+$0x2000];
	v6 =	vshll.u32 v6, $0x2  }
0x11f: {  	v9 =	vadd.s32 v0, v6  }
0x120: {  	v10 =	vadd.s32 v3, v6  }
0x121: {  	v11 =	vadd.s32 v4, v6  }
0x122: {  	v6 =	vadd.s32 v5, v6  }
0x123: {  	v12 =	vmul.f32 v7, v7;
	v13 =	vmul.f32 v8, v8  }
0x124: {  	[tilespmem:v9+s0+$0x0] =	vst.idx.add.f32.msk $0xffff, v2  }
0x125: {  	v45 =	vadd.f32 v13, v12;
	[tilespmem:v10+s0+$0x0] =	vst.idx.add.f32.msk $0xffff, v7  }
0x126: {  	[tilespmem:v11+s0+$0x0] =	vst.idx.add.f32.msk $0xffff, v8  }
0x127: {  	[tilespmem:v6+s0+$0x0] =	vst.idx.add.f32.msk $0xffff, v45  }
0x128: {  	v6 =	vld [tilespmem:s4+$0x4010];
	_ =	sdelay $0x3  }
0x129: {  	v7 =	vld [tilespmem:s4+$0x10]  }
0x12a: {  	v8 =	vld [tilespmem:s4+$0x2010];
	v6 =	vshll.u32 v6, $0x2  }
0x12b: {  	v46 =	vadd.s32 v0, v6  }
0x12c: {  	v47 =	vadd.s32 v3, v6  }
0x12d: {  	v48 =	vadd.s32 v4, v6  }
0x12e: {  	v6 =	vadd.s32 v5, v6  }
0x12f: {  	v49 =	vmul.f32 v7, v7;
	v50 =	vmul.f32 v8, v8  }
0x130: {  	[tilespmem:v46+s0+$0x0] =	vst.idx.add.f32.msk $0xffff, v2  }
0x131: {  	v51 =	vadd.f32 v50, v49;
	[tilespmem:v47+s0+$0x0] =	vst.idx.add.f32.msk $0xffff, v7  }
0x132: {  	[tilespmem:v48+s0+$0x0] =	vst.idx.add.f32.msk $0xffff, v8  }
0x133: {  	[tilespmem:v6+s0+$0x0] =	vst.idx.add.f32.msk $0xffff, v51  }
0x134: {  	v6 =	vld [tilespmem:s4+$0x4020];
	_ =	sdelay $0x3  }
0x135: {  	v7 =	vld [tilespmem:s4+$0x20]  }
0x136: {  	v8 =	vld [tilespmem:s4+$0x2020];
	v6 =	vshll.u32 v6, $0x2  }
0x137: {  	v52 =	vadd.s32 v0, v6  }
0x138: {  	v53 =	vadd.s32 v3, v6  }
0x139: {  	v54 =	vadd.s32 v4, v6  }
0x13a: {  	v6 =	vadd.s32 v5, v6  }
0x13b: {  	v55 =	vmul.f32 v7, v7;
	v56 =	vmul.f32 v8, v8  }
0x13c: {  	[tilespmem:v52+s0+$0x0] =	vst.idx.add.f32.msk $0xffff, v2  }
0x13d: {  	v57 =	vadd.f32 v56, v55;
	[tilespmem:v53+s0+$0x0] =	vst.idx.add.f32.msk $0xffff, v7  }
0x13e: {  	[tilespmem:v54+s0+$0x0] =	vst.idx.add.f32.msk $0xffff, v8  }
0x13f: {  	[tilespmem:v6+s0+$0x0] =	vst.idx.add.f32.msk $0xffff, v57  }
0x140: {  	v6 =	vld [tilespmem:s4+$0x4030];
	_ =	sdelay $0x3  }
0x141: {  	v7 =	vld [tilespmem:s4+$0x30]  }
0x142: {  	v8 =	vld [tilespmem:s4+$0x2030];
	v6 =	vshll.u32 v6, $0x2  }
0x143: {  	v58 =	vadd.s32 v0, v6  }
0x144: {  	v59 =	vadd.s32 v3, v6  }
0x145: {  	v60 =	vadd.s32 v4, v6  }
0x146: {  	p0 =	sne.s32 s3, $0x7F00;
	v6 =	vadd.s32 v5, v6  }
.Ltmp3:
0x147: {  	v61 =	vmul.f32 v7, v7;
	v62 =	vmul.f32 v8, v8;
	(pc) =	sbr.rel @p0 .LBB2_8-.Ltmp3, $4  }
0x148: {  	[tilespmem:v58+s0+$0x0] =	vst.idx.add.f32.msk $0xffff, v2  }
0x149: {  	v63 =	vadd.f32 v62, v61;
	[tilespmem:v59+s0+$0x0] =	vst.idx.add.f32.msk $0xffff, v7  }
0x14a: {  	[tilespmem:v60+s0+$0x0] =	vst.idx.add.f32.msk $0xffff, v8  }
0x14b: {  	s3 =	sadd.s32 $0x100, s3;
	[tilespmem:v6+s0+$0x0] =	vst.idx.add.f32.msk $0xffff, v63  }
0x14c: {  	s3 =	simm.s32 $0x0  }
0x14d: {  	[tilespmem:s3], [sflag:$0x1] =	stream.linear.gather [hbm4b:s13+s3], $0x2000, $0x38;
	[tilespmem:$0x6480] =	vst v63  }
0x14e: {  	_ =	swait.ge [sflag:s30], $0x2000  }
0x14f: {  	[sflag:s30] =	ssyncset.done $0x0  }
0x150: {  	[sflag:s30] =	ssyncadd.s32 $0xFFFFE000  }
0x151: {  	[tilespmem:s31], [sflag:$0x1] =	stream.linear.gather [hbm4b:s14+s3], $0x2000, $0x38;
	[tilespmem:$0x6480] =	vst v63  }
0x152: {  	_ =	swait.ge [sflag:s30], $0x2000  }
0x153: {  	[sflag:s30] =	ssyncset.done $0x0  }
0x154: {  	[sflag:s30] =	ssyncadd.s32 $0xFFFFE000  }
0x155: {  	[tilespmem:s21], [sflag:$0x1] =	stream.linear.gather [hbm4b:s15+s3], $0x2000, $0x38;
	[tilespmem:$0x6480] =	vst v63  }
0x156: {  	_ =	swait.ge [sflag:s30], $0x2000  }
0x157: {  	[sflag:s30] =	ssyncset.done $0x0  }
0x158: {  	[sflag:s30] =	ssyncadd.s32 $0xFFFFE000  }
.LBB2_10:
0x159: {  	s4 =	sshra.s32 s3, $0x2  }
0x15a: {  	v6 =	vld [tilespmem:s4+$0x4000];
	_ =	sdelay $0x3  }
0x15b: {  	v7 =	vld [tilespmem:s4+$0x0]  }
0x15c: {  	v8 =	vld [tilespmem:s4+$0x2000];
	v6 =	vshll.u32 v6, $0x2  }
0x15d: {  	v9 =	vadd.s32 v0, v6  }
0x15e: {  	v10 =	vadd.s32 v3, v6  }
0x15f: {  	v11 =	vadd.s32 v4, v6  }
0x160: {  	v6 =	vadd.s32 v5, v6  }
0x161: {  	v12 =	vmul.f32 v7, v7;
	v13 =	vmul.f32 v8, v8  }
0x162: {  	[tilespmem:v9+s0+$0x0] =	vst.idx.add.f32.msk $0xffff, v2  }
0x163: {  	v45 =	vadd.f32 v13, v12;
	[tilespmem:v10+s0+$0x0] =	vst.idx.add.f32.msk $0xffff, v7  }
0x164: {  	[tilespmem:v11+s0+$0x0] =	vst.idx.add.f32.msk $0xffff, v8  }
0x165: {  	[tilespmem:v6+s0+$0x0] =	vst.idx.add.f32.msk $0xffff, v45  }
0x166: {  	v6 =	vld [tilespmem:s4+$0x4010];
	_ =	sdelay $0x3  }
0x167: {  	v7 =	vld [tilespmem:s4+$0x10]  }
0x168: {  	v8 =	vld [tilespmem:s4+$0x2010];
	v6 =	vshll.u32 v6, $0x2  }
0x169: {  	v46 =	vadd.s32 v0, v6  }
0x16a: {  	v47 =	vadd.s32 v3, v6  }
0x16b: {  	v48 =	vadd.s32 v4, v6  }
0x16c: {  	v6 =	vadd.s32 v5, v6  }
0x16d: {  	v49 =	vmul.f32 v7, v7;
	v50 =	vmul.f32 v8, v8  }
0x16e: {  	[tilespmem:v46+s0+$0x0] =	vst.idx.add.f32.msk $0xffff, v2  }
0x16f: {  	v51 =	vadd.f32 v50, v49;
	[tilespmem:v47+s0+$0x0] =	vst.idx.add.f32.msk $0xffff, v7  }
0x170: {  	[tilespmem:v48+s0+$0x0] =	vst.idx.add.f32.msk $0xffff, v8  }
0x171: {  	[tilespmem:v6+s0+$0x0] =	vst.idx.add.f32.msk $0xffff, v51  }
0x172: {  	v6 =	vld [tilespmem:s4+$0x4020];
	_ =	sdelay $0x3  }
0x173: {  	v7 =	vld [tilespmem:s4+$0x20]  }
0x174: {  	v8 =	vld [tilespmem:s4+$0x2020];
	v6 =	vshll.u32 v6, $0x2  }
0x175: {  	v52 =	vadd.s32 v0, v6  }
0x176: {  	v53 =	vadd.s32 v3, v6  }
0x177: {  	v54 =	vadd.s32 v4, v6  }
0x178: {  	v6 =	vadd.s32 v5, v6  }
0x179: {  	v55 =	vmul.f32 v7, v7;
	v56 =	vmul.f32 v8, v8  }
0x17a: {  	[tilespmem:v52+s0+$0x0] =	vst.idx.add.f32.msk $0xffff, v2  }
0x17b: {  	v57 =	vadd.f32 v56, v55;
	[tilespmem:v53+s0+$0x0] =	vst.idx.add.f32.msk $0xffff, v7  }
0x17c: {  	[tilespmem:v54+s0+$0x0] =	vst.idx.add.f32.msk $0xffff, v8  }
0x17d: {  	[tilespmem:v6+s0+$0x0] =	vst.idx.add.f32.msk $0xffff, v57  }
0x17e: {  	v6 =	vld [tilespmem:s4+$0x4030];
	_ =	sdelay $0x3  }
0x17f: {  	v7 =	vld [tilespmem:s4+$0x30]  }
0x180: {  	v8 =	vld [tilespmem:s4+$0x2030];
	v6 =	vshll.u32 v6, $0x2  }
0x181: {  	v58 =	vadd.s32 v0, v6  }
0x182: {  	v59 =	vadd.s32 v3, v6  }
0x183: {  	v60 =	vadd.s32 v4, v6  }
0x184: {  	p0 =	sne.s32 s3, $0x7F00;
	v6 =	vadd.s32 v5, v6  }
.Ltmp4:
0x185: {  	v61 =	vmul.f32 v7, v7;
	v62 =	vmul.f32 v8, v8;
	(pc) =	sbr.rel @p0 .LBB2_10-.Ltmp4, $4  }
0x186: {  	[tilespmem:v58+s0+$0x0] =	vst.idx.add.f32.msk $0xffff, v2  }
0x187: {  	v63 =	vadd.f32 v62, v61;
	[tilespmem:v59+s0+$0x0] =	vst.idx.add.f32.msk $0xffff, v7  }
0x188: {  	[tilespmem:v60+s0+$0x0] =	vst.idx.add.f32.msk $0xffff, v8  }
0x189: {  	s3 =	sadd.s32 $0x100, s3;
	[tilespmem:v6+s0+$0x0] =	vst.idx.add.f32.msk $0xffff, v63  }
0x18a: {  	s3 =	simm.s32 $0x0  }
0x18b: {  	[tilespmem:s3], [sflag:$0x1] =	stream.linear.gather [hbm4b:s16+s3], $0x2000, $0x38;
	[tilespmem:$0x6480] =	vst v63  }
0x18c: {  	_ =	swait.ge [sflag:s30], $0x2000  }
0x18d: {  	[sflag:s30] =	ssyncset.done $0x0  }
0x18e: {  	[sflag:s30] =	ssyncadd.s32 $0xFFFFE000  }
0x18f: {  	[tilespmem:s31], [sflag:$0x1] =	stream.linear.gather [hbm4b:s17+s3], $0x2000, $0x38;
	[tilespmem:$0x6480] =	vst v63  }
0x190: {  	_ =	swait.ge [sflag:s30], $0x2000  }
0x191: {  	[sflag:s30] =	ssyncset.done $0x0  }
0x192: {  	[sflag:s30] =	ssyncadd.s32 $0xFFFFE000  }
0x193: {  	[tilespmem:s21], [sflag:$0x1] =	stream.linear.gather [hbm4b:s18+s3], $0x2000, $0x38;
	[tilespmem:$0x6480] =	vst v63  }
0x194: {  	_ =	swait.ge [sflag:s30], $0x2000  }
0x195: {  	[sflag:s30] =	ssyncset.done $0x0  }
0x196: {  	[sflag:s30] =	ssyncadd.s32 $0xFFFFE000  }
.LBB2_12:
0x197: {  	s4 =	sshra.s32 s3, $0x2  }
0x198: {  	v6 =	vld [tilespmem:s4+$0x4000];
	_ =	sdelay $0x3  }
0x199: {  	v7 =	vld [tilespmem:s4+$0x0]  }
0x19a: {  	v8 =	vld [tilespmem:s4+$0x2000];
	v6 =	vshll.u32 v6, $0x2  }
0x19b: {  	v9 =	vadd.s32 v0, v6  }
0x19c: {  	v10 =	vadd.s32 v3, v6  }
0x19d: {  	v11 =	vadd.s32 v4, v6  }
0x19e: {  	v6 =	vadd.s32 v5, v6  }
0x19f: {  	v12 =	vmul.f32 v7, v7;
	v13 =	vmul.f32 v8, v8  }
0x1a0: {  	[tilespmem:v9+s0+$0x0] =	vst.idx.add.f32.msk $0xffff, v2  }
0x1a1: {  	v45 =	vadd.f32 v13, v12;
	[tilespmem:v10+s0+$0x0] =	vst.idx.add.f32.msk $0xffff, v7  }
0x1a2: {  	[tilespmem:v11+s0+$0x0] =	vst.idx.add.f32.msk $0xffff, v8  }
0x1a3: {  	[tilespmem:v6+s0+$0x0] =	vst.idx.add.f32.msk $0xffff, v45  }
0x1a4: {  	v6 =	vld [tilespmem:s4+$0x4010];
	_ =	sdelay $0x3  }
0x1a5: {  	v7 =	vld [tilespmem:s4+$0x10]  }
0x1a6: {  	v8 =	vld [tilespmem:s4+$0x2010];
	v6 =	vshll.u32 v6, $0x2  }
0x1a7: {  	v46 =	vadd.s32 v0, v6  }
0x1a8: {  	v47 =	vadd.s32 v3, v6  }
0x1a9: {  	v48 =	vadd.s32 v4, v6  }
0x1aa: {  	v6 =	vadd.s32 v5, v6  }
0x1ab: {  	v49 =	vmul.f32 v7, v7;
	v50 =	vmul.f32 v8, v8  }
0x1ac: {  	[tilespmem:v46+s0+$0x0] =	vst.idx.add.f32.msk $0xffff, v2  }
0x1ad: {  	v51 =	vadd.f32 v50, v49;
	[tilespmem:v47+s0+$0x0] =	vst.idx.add.f32.msk $0xffff, v7  }
0x1ae: {  	[tilespmem:v48+s0+$0x0] =	vst.idx.add.f32.msk $0xffff, v8  }
0x1af: {  	[tilespmem:v6+s0+$0x0] =	vst.idx.add.f32.msk $0xffff, v51  }
0x1b0: {  	v6 =	vld [tilespmem:s4+$0x4020];
	_ =	sdelay $0x3  }
0x1b1: {  	v7 =	vld [tilespmem:s4+$0x20]  }
0x1b2: {  	v8 =	vld [tilespmem:s4+$0x2020];
	v6 =	vshll.u32 v6, $0x2  }
0x1b3: {  	v52 =	vadd.s32 v0, v6  }
0x1b4: {  	v53 =	vadd.s32 v3, v6  }
0x1b5: {  	v54 =	vadd.s32 v4, v6  }
0x1b6: {  	v6 =	vadd.s32 v5, v6  }
0x1b7: {  	v55 =	vmul.f32 v7, v7;
	v56 =	vmul.f32 v8, v8  }
0x1b8: {  	[tilespmem:v52+s0+$0x0] =	vst.idx.add.f32.msk $0xffff, v2  }
0x1b9: {  	v57 =	vadd.f32 v56, v55;
	[tilespmem:v53+s0+$0x0] =	vst.idx.add.f32.msk $0xffff, v7  }
0x1ba: {  	[tilespmem:v54+s0+$0x0] =	vst.idx.add.f32.msk $0xffff, v8  }
0x1bb: {  	[tilespmem:v6+s0+$0x0] =	vst.idx.add.f32.msk $0xffff, v57  }
0x1bc: {  	v6 =	vld [tilespmem:s4+$0x4030];
	_ =	sdelay $0x3  }
0x1bd: {  	v7 =	vld [tilespmem:s4+$0x30]  }
0x1be: {  	v8 =	vld [tilespmem:s4+$0x2030];
	v6 =	vshll.u32 v6, $0x2  }
0x1bf: {  	v58 =	vadd.s32 v0, v6  }
0x1c0: {  	v59 =	vadd.s32 v3, v6  }
0x1c1: {  	v60 =	vadd.s32 v4, v6  }
0x1c2: {  	p0 =	sne.s32 s3, $0x7F00;
	v6 =	vadd.s32 v5, v6  }
.Ltmp5:
0x1c3: {  	v61 =	vmul.f32 v7, v7;
	v62 =	vmul.f32 v8, v8;
	(pc) =	sbr.rel @p0 .LBB2_12-.Ltmp5, $4  }
0x1c4: {  	[tilespmem:v58+s0+$0x0] =	vst.idx.add.f32.msk $0xffff, v2  }
0x1c5: {  	v63 =	vadd.f32 v62, v61;
	[tilespmem:v59+s0+$0x0] =	vst.idx.add.f32.msk $0xffff, v7  }
0x1c6: {  	[tilespmem:v60+s0+$0x0] =	vst.idx.add.f32.msk $0xffff, v8  }
0x1c7: {  	s3 =	sadd.s32 $0x100, s3;
	[tilespmem:v6+s0+$0x0] =	vst.idx.add.f32.msk $0xffff, v63  }
0x1c8: {  	s3 =	simm.s32 $0x0  }
0x1c9: {  	[tilespmem:s3], [sflag:$0x1] =	stream.linear.gather [hbm4b:s20+s3], $0x2000, $0x38;
	[tilespmem:$0x6480] =	vst v63  }
0x1ca: {  	_ =	swait.ge [sflag:s30], $0x2000  }
0x1cb: {  	[sflag:s30] =	ssyncset.done $0x0  }
0x1cc: {  	[sflag:s30] =	ssyncadd.s32 $0xFFFFE000  }
0x1cd: {  	[tilespmem:s31], [sflag:$0x1] =	stream.linear.gather [hbm4b:s22+s3], $0x2000, $0x38;
	[tilespmem:$0x6480] =	vst v63  }
0x1ce: {  	_ =	swait.ge [sflag:s30], $0x2000  }
0x1cf: {  	[sflag:s30] =	ssyncset.done $0x0  }
0x1d0: {  	[sflag:s30] =	ssyncadd.s32 $0xFFFFE000  }
0x1d1: {  	[tilespmem:s21], [sflag:$0x1] =	stream.linear.gather [hbm4b:s23+s3], $0x2000, $0x38;
	[tilespmem:$0x6480] =	vst v63  }
0x1d2: {  	_ =	swait.ge [sflag:s30], $0x2000  }
0x1d3: {  	[sflag:s30] =	ssyncset.done $0x0  }
0x1d4: {  	[sflag:s30] =	ssyncadd.s32 $0xFFFFE000  }
.LBB2_14:
0x1d5: {  	s4 =	sshra.s32 s3, $0x2  }
0x1d6: {  	v6 =	vld [tilespmem:s4+$0x4000];
	_ =	sdelay $0x3  }
0x1d7: {  	v7 =	vld [tilespmem:s4+$0x0]  }
0x1d8: {  	v8 =	vld [tilespmem:s4+$0x2000];
	v6 =	vshll.u32 v6, $0x2  }
0x1d9: {  	v9 =	vadd.s32 v0, v6  }
0x1da: {  	v10 =	vadd.s32 v3, v6  }
0x1db: {  	v11 =	vadd.s32 v4, v6  }
0x1dc: {  	v6 =	vadd.s32 v5, v6  }
0x1dd: {  	v12 =	vmul.f32 v7, v7;
	v13 =	vmul.f32 v8, v8  }
0x1de: {  	[tilespmem:v9+s0+$0x0] =	vst.idx.add.f32.msk $0xffff, v2  }
0x1df: {  	v45 =	vadd.f32 v13, v12;
	[tilespmem:v10+s0+$0x0] =	vst.idx.add.f32.msk $0xffff, v7  }
0x1e0: {  	[tilespmem:v11+s0+$0x0] =	vst.idx.add.f32.msk $0xffff, v8  }
0x1e1: {  	[tilespmem:v6+s0+$0x0] =	vst.idx.add.f32.msk $0xffff, v45  }
0x1e2: {  	v6 =	vld [tilespmem:s4+$0x4010];
	_ =	sdelay $0x3  }
0x1e3: {  	v7 =	vld [tilespmem:s4+$0x10]  }
0x1e4: {  	v8 =	vld [tilespmem:s4+$0x2010];
	v6 =	vshll.u32 v6, $0x2  }
0x1e5: {  	v46 =	vadd.s32 v0, v6  }
0x1e6: {  	v47 =	vadd.s32 v3, v6  }
0x1e7: {  	v48 =	vadd.s32 v4, v6  }
0x1e8: {  	v6 =	vadd.s32 v5, v6  }
0x1e9: {  	v49 =	vmul.f32 v7, v7;
	v50 =	vmul.f32 v8, v8  }
0x1ea: {  	[tilespmem:v46+s0+$0x0] =	vst.idx.add.f32.msk $0xffff, v2  }
0x1eb: {  	v51 =	vadd.f32 v50, v49;
	[tilespmem:v47+s0+$0x0] =	vst.idx.add.f32.msk $0xffff, v7  }
0x1ec: {  	[tilespmem:v48+s0+$0x0] =	vst.idx.add.f32.msk $0xffff, v8  }
0x1ed: {  	[tilespmem:v6+s0+$0x0] =	vst.idx.add.f32.msk $0xffff, v51  }
0x1ee: {  	v6 =	vld [tilespmem:s4+$0x4020];
	_ =	sdelay $0x3  }
0x1ef: {  	v7 =	vld [tilespmem:s4+$0x20]  }
0x1f0: {  	v8 =	vld [tilespmem:s4+$0x2020];
	v6 =	vshll.u32 v6, $0x2  }
0x1f1: {  	v52 =	vadd.s32 v0, v6  }
0x1f2: {  	v53 =	vadd.s32 v3, v6  }
0x1f3: {  	v54 =	vadd.s32 v4, v6  }
0x1f4: {  	v6 =	vadd.s32 v5, v6  }
0x1f5: {  	v55 =	vmul.f32 v7, v7;
	v56 =	vmul.f32 v8, v8  }
0x1f6: {  	[tilespmem:v52+s0+$0x0] =	vst.idx.add.f32.msk $0xffff, v2  }
0x1f7: {  	v57 =	vadd.f32 v56, v55;
	[tilespmem:v53+s0+$0x0] =	vst.idx.add.f32.msk $0xffff, v7  }
0x1f8: {  	[tilespmem:v54+s0+$0x0] =	vst.idx.add.f32.msk $0xffff, v8  }
0x1f9: {  	[tilespmem:v6+s0+$0x0] =	vst.idx.add.f32.msk $0xffff, v57  }
0x1fa: {  	v6 =	vld [tilespmem:s4+$0x4030];
	_ =	sdelay $0x3  }
0x1fb: {  	v7 =	vld [tilespmem:s4+$0x30]  }
0x1fc: {  	v8 =	vld [tilespmem:s4+$0x2030];
	v6 =	vshll.u32 v6, $0x2  }
0x1fd: {  	v58 =	vadd.s32 v0, v6  }
0x1fe: {  	v59 =	vadd.s32 v3, v6  }
0x1ff: {  	v60 =	vadd.s32 v4, v6  }
0x200: {  	p0 =	sne.s32 s3, $0x7F00;
	v6 =	vadd.s32 v5, v6  }
.Ltmp6:
0x201: {  	v61 =	vmul.f32 v7, v7;
	v62 =	vmul.f32 v8, v8;
	(pc) =	sbr.rel @p0 .LBB2_14-.Ltmp6, $4  }
0x202: {  	[tilespmem:v58+s0+$0x0] =	vst.idx.add.f32.msk $0xffff, v2  }
0x203: {  	v63 =	vadd.f32 v62, v61;
	[tilespmem:v59+s0+$0x0] =	vst.idx.add.f32.msk $0xffff, v7  }
0x204: {  	[tilespmem:v60+s0+$0x0] =	vst.idx.add.f32.msk $0xffff, v8  }
0x205: {  	s3 =	sadd.s32 $0x100, s3;
	[tilespmem:v6+s0+$0x0] =	vst.idx.add.f32.msk $0xffff, v63  }
0x206: {  	s3 =	simm.s32 $0x0  }
0x207: {  	[tilespmem:s3], [sflag:$0x1] =	stream.linear.gather [hbm4b:s24+s3], $0x2000, $0x38;
	[tilespmem:$0x6480] =	vst v63  }
0x208: {  	_ =	swait.ge [sflag:s30], $0x2000  }
0x209: {  	[sflag:s30] =	ssyncset.done $0x0  }
0x20a: {  	[sflag:s30] =	ssyncadd.s32 $0xFFFFE000  }
0x20b: {  	[tilespmem:s31], [sflag:$0x1] =	stream.linear.gather [hbm4b:s25+s3], $0x2000, $0x38;
	[tilespmem:$0x6480] =	vst v63  }
0x20c: {  	_ =	swait.ge [sflag:s30], $0x2000  }
0x20d: {  	[sflag:s30] =	ssyncset.done $0x0  }
0x20e: {  	[sflag:s30] =	ssyncadd.s32 $0xFFFFE000  }
0x20f: {  	[tilespmem:s21], [sflag:$0x1] =	stream.linear.gather [hbm4b:s26+s3], $0x2000, $0x38;
	[tilespmem:$0x6480] =	vst v63  }
0x210: {  	_ =	swait.ge [sflag:s30], $0x2000  }
0x211: {  	[sflag:s30] =	ssyncset.done $0x0  }
0x212: {  	[sflag:s30] =	ssyncadd.s32 $0xFFFFE000  }
.LBB2_16:
0x213: {  	s4 =	sshra.s32 s3, $0x2  }
0x214: {  	v6 =	vld [tilespmem:s4+$0x4000];
	_ =	sdelay $0x3  }
0x215: {  	v7 =	vld [tilespmem:s4+$0x0]  }
0x216: {  	v8 =	vld [tilespmem:s4+$0x2000];
	v6 =	vshll.u32 v6, $0x2  }
0x217: {  	v9 =	vadd.s32 v0, v6  }
0x218: {  	v10 =	vadd.s32 v3, v6  }
0x219: {  	v11 =	vadd.s32 v4, v6  }
0x21a: {  	v6 =	vadd.s32 v5, v6  }
0x21b: {  	v12 =	vmul.f32 v7, v7;
	v13 =	vmul.f32 v8, v8  }
0x21c: {  	[tilespmem:v9+s0+$0x0] =	vst.idx.add.f32.msk $0xffff, v2  }
0x21d: {  	v45 =	vadd.f32 v13, v12;
	[tilespmem:v10+s0+$0x0] =	vst.idx.add.f32.msk $0xffff, v7  }
0x21e: {  	[tilespmem:v11+s0+$0x0] =	vst.idx.add.f32.msk $0xffff, v8  }
0x21f: {  	[tilespmem:v6+s0+$0x0] =	vst.idx.add.f32.msk $0xffff, v45  }
0x220: {  	v6 =	vld [tilespmem:s4+$0x4010];
	_ =	sdelay $0x3  }
0x221: {  	v7 =	vld [tilespmem:s4+$0x10]  }
0x222: {  	v8 =	vld [tilespmem:s4+$0x2010];
	v6 =	vshll.u32 v6, $0x2  }
0x223: {  	v46 =	vadd.s32 v0, v6  }
0x224: {  	v47 =	vadd.s32 v3, v6  }
0x225: {  	v48 =	vadd.s32 v4, v6  }
0x226: {  	v6 =	vadd.s32 v5, v6  }
0x227: {  	v49 =	vmul.f32 v7, v7;
	v50 =	vmul.f32 v8, v8  }
0x228: {  	[tilespmem:v46+s0+$0x0] =	vst.idx.add.f32.msk $0xffff, v2  }
0x229: {  	v51 =	vadd.f32 v50, v49;
	[tilespmem:v47+s0+$0x0] =	vst.idx.add.f32.msk $0xffff, v7  }
0x22a: {  	[tilespmem:v48+s0+$0x0] =	vst.idx.add.f32.msk $0xffff, v8  }
0x22b: {  	[tilespmem:v6+s0+$0x0] =	vst.idx.add.f32.msk $0xffff, v51  }
0x22c: {  	v6 =	vld [tilespmem:s4+$0x4020];
	_ =	sdelay $0x3  }
0x22d: {  	v7 =	vld [tilespmem:s4+$0x20]  }
0x22e: {  	v8 =	vld [tilespmem:s4+$0x2020];
	v6 =	vshll.u32 v6, $0x2  }
0x22f: {  	v52 =	vadd.s32 v0, v6  }
0x230: {  	v53 =	vadd.s32 v3, v6  }
0x231: {  	v54 =	vadd.s32 v4, v6  }
0x232: {  	v6 =	vadd.s32 v5, v6  }
0x233: {  	v55 =	vmul.f32 v7, v7;
	v56 =	vmul.f32 v8, v8  }
0x234: {  	[tilespmem:v52+s0+$0x0] =	vst.idx.add.f32.msk $0xffff, v2  }
0x235: {  	v57 =	vadd.f32 v56, v55;
	[tilespmem:v53+s0+$0x0] =	vst.idx.add.f32.msk $0xffff, v7  }
0x236: {  	[tilespmem:v54+s0+$0x0] =	vst.idx.add.f32.msk $0xffff, v8  }
0x237: {  	[tilespmem:v6+s0+$0x0] =	vst.idx.add.f32.msk $0xffff, v57  }
0x238: {  	v6 =	vld [tilespmem:s4+$0x4030];
	_ =	sdelay $0x3  }
0x239: {  	v7 =	vld [tilespmem:s4+$0x30]  }
0x23a: {  	v8 =	vld [tilespmem:s4+$0x2030];
	v6 =	vshll.u32 v6, $0x2  }
0x23b: {  	v58 =	vadd.s32 v0, v6  }
0x23c: {  	v59 =	vadd.s32 v3, v6  }
0x23d: {  	v60 =	vadd.s32 v4, v6  }
0x23e: {  	p0 =	sne.s32 s3, $0x7F00;
	v6 =	vadd.s32 v5, v6  }
.Ltmp7:
0x23f: {  	v61 =	vmul.f32 v7, v7;
	v62 =	vmul.f32 v8, v8;
	(pc) =	sbr.rel @p0 .LBB2_16-.Ltmp7, $4  }
0x240: {  	[tilespmem:v58+s0+$0x0] =	vst.idx.add.f32.msk $0xffff, v2  }
0x241: {  	v63 =	vadd.f32 v62, v61;
	[tilespmem:v59+s0+$0x0] =	vst.idx.add.f32.msk $0xffff, v7  }
0x242: {  	[tilespmem:v60+s0+$0x0] =	vst.idx.add.f32.msk $0xffff, v8  }
0x243: {  	s3 =	sadd.s32 $0x100, s3;
	[tilespmem:v6+s0+$0x0] =	vst.idx.add.f32.msk $0xffff, v63  }
0x244: {  	v6 =	vld [tilespmem:$0x6000]  }
0x245: {  	v7 =	vld [tilespmem:$0x6040]  }
0x246: {  	v8 =	vld [tilespmem:$0x6080]  }
0x247: {  	v9 =	vld [tilespmem:$0x60C0]  }
0x248: {  	v10 =	vld [tilespmem:$0x6100]  }
0x249: {  	v11 =	vld [tilespmem:$0x6140]  }
0x24a: {  	v12 =	vld [tilespmem:$0x6180]  }
0x24b: {  	v13 =	vld [tilespmem:$0x61C0]  }
0x24c: {  	v14 =	vld [tilespmem:$0x6200]  }
0x24d: {  	v15 =	vld [tilespmem:$0x6240]  }
0x24e: {  	v16 =	vld [tilespmem:$0x6280]  }
0x24f: {  	v17 =	vld [tilespmem:$0x62C0]  }
0x250: {  	v18 =	vld [tilespmem:$0x6300]  }
0x251: {  	v19 =	vld [tilespmem:$0x6340]  }
0x252: {  	v20 =	vld [tilespmem:$0x6380]  }
0x253: {  	v21 =	vld [tilespmem:$0x63C0]  }
0x254: {  	v22 =	vld [tilespmem:$0x6010]  }
0x255: {  	v23 =	vld [tilespmem:$0x6050]  }
0x256: {  	v24 =	vld [tilespmem:$0x6090]  }
0x257: {  	v25 =	vld [tilespmem:$0x60D0]  }
0x258: {  	v26 =	vld [tilespmem:$0x6110]  }
0x259: {  	v27 =	vld [tilespmem:$0x6150]  }
0x25a: {  	v28 =	vld [tilespmem:$0x6190]  }
0x25b: {  	v29 =	vld [tilespmem:$0x61D0]  }
0x25c: {  	v30 =	vld [tilespmem:$0x6210]  }
0x25d: {  	v31 =	vld [tilespmem:$0x6250]  }
0x25e: {  	v32 =	vld [tilespmem:$0x6290]  }
0x25f: {  	v33 =	vld [tilespmem:$0x62D0]  }
0x260: {  	v34 =	vld [tilespmem:$0x6310]  }
0x261: {  	v35 =	vld [tilespmem:$0x6350]  }
0x262: {  	v36 =	vld [tilespmem:$0x6390]  }
0x263: {  	v37 =	vld [tilespmem:$0x63D0]  }
0x264: {  	v38 =	vld [tilespmem:$0x6020]  }
0x265: {  	v39 =	vld [tilespmem:$0x6060]  }
0x266: {  	v40 =	vld [tilespmem:$0x6030]  }
0x267: {  	v41 =	vld [tilespmem:$0x6070]  }
0x268: {  	v42 =	vld [tilespmem:$0x60A0]  }
0x269: {  	v6 =	vadd.f32 v7, v6;
	v7 =	vld [tilespmem:$0x60B0]  }
0x26a: {  	v58 =	vld [tilespmem:$0x60E0];
	v22 =	vadd.f32 v23, v22  }
0x26b: {  	v60 =	vld [tilespmem:$0x60F0];
	v59 =	vadd.f32 v39, v38;
	v6 =	vadd.f32 v8, v6  }
0x26c: {  	v62 =	vld [tilespmem:$0x6120];
	v61 =	vadd.f32 v41, v40;
	v22 =	vadd.f32 v24, v22  }
0x26d: {  	v63 =	vld [tilespmem:$0x6130];
	v8 =	vadd.f32 v42, v59;
	v6 =	vadd.f32 v9, v6  }
0x26e: {  	v40 =	vld [tilespmem:$0x6160];
	v22 =	vadd.f32 v25, v22;
	v7 =	vadd.f32 v7, v61  }
0x26f: {  	v41 =	vld [tilespmem:$0x6170];
	v8 =	vadd.f32 v58, v8;
	v6 =	vadd.f32 v10, v6  }
0x270: {  	v42 =	vld [tilespmem:$0x61A0];
	v22 =	vadd.f32 v26, v22;
	v7 =	vadd.f32 v60, v7  }
0x271: {  	v43 =	vld [tilespmem:$0x61B0];
	v8 =	vadd.f32 v62, v8;
	v6 =	vadd.f32 v11, v6  }
0x272: {  	v44 =	vld [tilespmem:$0x61E0];
	v22 =	vadd.f32 v27, v22;
	v7 =	vadd.f32 v63, v7  }
0x273: {  	v45 =	vld [tilespmem:$0x61F0];
	v8 =	vadd.f32 v40, v8;
	v6 =	vadd.f32 v12, v6  }
0x274: {  	v46 =	vld [tilespmem:$0x6220];
	v22 =	vadd.f32 v28, v22;
	v7 =	vadd.f32 v41, v7  }
0x275: {  	v47 =	vld [tilespmem:$0x6230];
	v8 =	vadd.f32 v42, v8;
	v6 =	vadd.f32 v13, v6  }
0x276: {  	v48 =	vld [tilespmem:$0x6260];
	v22 =	vadd.f32 v29, v22;
	v7 =	vadd.f32 v43, v7  }
0x277: {  	v49 =	vld [tilespmem:$0x6270];
	v8 =	vadd.f32 v44, v8;
	v6 =	vadd.f32 v14, v6  }
0x278: {  	v51 =	vld [tilespmem:$0x62A0];
	v50 =	vadd.f32 v30, v22;
	v7 =	vadd.f32 v45, v7  }
0x279: {  	v52 =	vld [tilespmem:$0x62B0];
	v8 =	vadd.f32 v46, v8;
	v6 =	vadd.f32 v15, v6  }
0x27a: {  	v53 =	vld [tilespmem:$0x62E0];
	v14 =	vadd.f32 v31, v50;
	v7 =	vadd.f32 v47, v7  }
0x27b: {  	v54 =	vld [tilespmem:$0x62F0];
	v8 =	vadd.f32 v48, v8;
	v6 =	vadd.f32 v16, v6  }
0x27c: {  	v55 =	vld [tilespmem:$0x6320];
	v14 =	vadd.f32 v32, v14;
	v7 =	vadd.f32 v49, v7  }
0x27d: {  	v56 =	vld [tilespmem:$0x6330];
	v8 =	vadd.f32 v51, v8;
	v6 =	vadd.f32 v17, v6  }
0x27e: {  	v57 =	vld [tilespmem:$0x6360];
	v14 =	vadd.f32 v33, v14;
	v7 =	vadd.f32 v52, v7  }
0x27f: {  	v58 =	vld [tilespmem:$0x6370];
	v8 =	vadd.f32 v53, v8;
	v6 =	vadd.f32 v18, v6  }
0x280: {  	v59 =	vld [tilespmem:$0x63A0];
	v14 =	vadd.f32 v34, v14;
	v7 =	vadd.f32 v54, v7  }
0x281: {  	v60 =	vld [tilespmem:$0x63B0];
	v8 =	vadd.f32 v55, v8;
	v6 =	vadd.f32 v19, v6  }
0x282: {  	v61 =	vld [tilespmem:$0x63E0];
	v14 =	vadd.f32 v35, v14;
	v7 =	vadd.f32 v56, v7  }
0x283: {  	v62 =	vld [tilespmem:$0x63F0];
	v8 =	vadd.f32 v57, v8;
	v6 =	vadd.f32 v20, v6  }
0x284: {  	v14 =	vadd.f32 v36, v14;
	v7 =	vadd.f32 v58, v7  }
0x285: {  	v8 =	vadd.f32 v59, v8;
	v6 =	vadd.f32 v21, v6  }
0x286: {  	v63 =	vadd.f32 v37, v14;
	v7 =	vadd.f32 v60, v7  }
0x287: {  	[tilespmem:$0x6400] =	vst v6;
	v6 =	vadd.f32 v61, v8  }
0x288: {  	s2 =	sadd.s32 $0x1, s2;
	[tilespmem:$0x6410] =	vst v63;
	v7 =	vadd.f32 v62, v7  }
0x289: {  	p0 =	sne.s32 s2, s29;
	[tilespmem:$0x6420] =	vst v6  }
.Ltmp8:
0x28a: {  	s3 =	simm.s32 $0x6400;
	[tilespmem:$0x6430] =	vst v7;
	(pc) =	sbr.rel @p0 .LBB2_1-.Ltmp8, $4  }
0x28b: {  	[hbm4b:s28+s1] =	stream.linear.scatter [tilespmem:s3], [sflag:$0x1], $0x80, $0x38;
	[tilespmem:$0x6480] =	vst v63  }
0x28c: {  	_ =	swait.ge [sflag:s30], $0x80  }
0x28d: {  	[sflag:s30] =	ssyncset.done $0x0  }
0x28e: {  	[sflag:s30] =	ssyncadd.s32 $0xFFFFFF80  }
0x28f: {  	_ =	sfence.sel $0x180000  }
0x290: {  	[bflag:$0x0] =	sbarrier.arrive $0xFFFF  }
0x291: {  	_ =	strace $0x90000047  }
0x292: {  	s0 =	stileid.u32;
	[bflag:$0x2] =	sbarrier.arrive $0xFFFF  }
0x293: {  	p0 =	sne.s32 s0, $0x0;
	s0 =	rddreg [dreg:$0x1]  }
0x294: {  	s0 =	sadd.s32 @!p0 $0x100000, s0  }
0x295: {  	[sflag:s0] =	ssyncadd.tile.s32 @!p0 $0x1;
	_ =	shalt  }
.Lfunc_end2:
_tile_overlayer_lowered:
.L_overlay_start_2:
0x296: {  	(tag) =	ssettag $0x2  }
0x297: {  	s0 =	rddreg [dreg:$0x0];
	s2 =	stileid.u32  }
0x298: {  	s1 =	rddreg [dreg:$0x1];
	p0 =	sne.s32 s2, $0x0  }
0x299: {  	s3 =	rddreg [dreg:$0x2];
	[bflag:$0x3] =	sbarrier.arrive $0xFFFF;
	s2 =	simm.s32 @!p0 $0x1C01  }
0x29a: {  	[timem:s3], [sflag:s2] =	dma.local @!p0 [hbm:s0], s1  }
0x29b: {  	s0 =	simm.s32 @!p0 $0x1  }
0x29c: {  	_ =	swait.ge @!p0 [sflag:s0], s1  }
0x29d: {  	s1 =	ssub.s32 @!p0 $0x0, s1;
	[sflag:s0] =	ssyncset.done @!p0 $0x0  }
0x29e: {  	[sflag:s0] =	ssyncadd.s32 @!p0 s1  }
0x29f: {  	[bflag:$0x3] =	sbarrier.arrive $0xFFFF  }
0x2a0: {  	_ =	shalt  }

</sc_bundles>
